<compile_context>
chip_gen: v7x
topology: tpu7x:2x2x1
jax: 0.10.2.dev20260603
libtpu: 0.0.44.dev20260713+nightly
codegen_flags: <defaults>
</compile_context>

<pallas_src>
import functools

import jax
import jax.numpy as jnp
from jax import lax
from jax.experimental import pallas as pl
from jax.experimental.pallas import tpu as pltpu
from jax.experimental.pallas import tpu_sc as plsc

N = 10000
D = 128
H = 128
E = 320000
EP = 10000

NC = 2
NS = 16
NW = NC * NS
NPAD = 10240
RPS = NPAD // NS
CH = 128
EPW = 10240
E_PAD = NW * EPW
NCH_E = EPW // CH
IB = 8
EPP = 10240
GTOT = 4 * EPP
GPW = GTOT // NW
NCH_G = GPW // CH


def _sc_mesh():
    return plsc.VectorSubcoreMesh(core_axis_name="c", subcore_axis_name="s",
                                  num_cores=NC, num_subcores=NS)



@functools.partial(
    pl.kernel,
    out_type=(jax.ShapeDtypeStruct((NC * NPAD, H), jnp.float32),
              jax.ShapeDtypeStruct((NC * NPAD, H), jnp.float32)),
    mesh=_sc_mesh(),
    scratch_types=[
        pltpu.VMEM((IB, CH), jnp.int32),
        pltpu.VMEM((IB, CH), jnp.int32),
        pltpu.VMEM((CH, H), jnp.float32),
        pltpu.VMEM((CH, H), jnp.float32),
        pltpu.SemaphoreType.DMA,
        pltpu.SemaphoreType.DMA,
        pltpu.VMEM_SHARED((NPAD, H), jnp.float32),
    ],
)
def _sc_aggregate(h_hbm, src_hbm, dst_hbm, zrow_hbm, ones_hbm,
                  agg_out, deg_out,
                  sidx_b, didx_b, rows_v, rows2_v,
                  sem, sem2, agg_sh):
    cid = lax.axis_index("c")
    sid = lax.axis_index("s")
    wid = sid * NC + cid
    r0 = sid * RPS
    pltpu.sync_copy(zrow_hbm, rows_v)

    def zbody(j, carry):
        pltpu.sync_copy(rows_v, agg_sh.at[pl.ds(r0 + j * CH, CH)])
        return carry

    lax.fori_loop(0, RPS // CH, zbody, 0)
    plsc.subcore_barrier()

    crow0 = wid * NCH_E
    bufs = (rows_v, rows2_v)

    def body(gi, carry):
        grow = crow0 + gi * IB
        pltpu.sync_copy(src_hbm.at[pl.ds(grow, IB)], sidx_b)
        pltpu.sync_copy(dst_hbm.at[pl.ds(grow, IB)], didx_b)
        g = [None] * IB
        g[0] = pltpu.async_copy(h_hbm.at[sidx_b.at[0]], bufs[0], sem)
        for k in range(IB):
            g[k].wait()
            if k + 1 < IB:
                g[k + 1] = pltpu.async_copy(h_hbm.at[sidx_b.at[k + 1]],
                                            bufs[(k + 1) % 2], sem)
            pltpu.sync_copy(bufs[k % 2], agg_sh.at[didx_b.at[k]], add=True)
        return carry

    lax.fori_loop(0, NCH_E // IB, body, 0)
    plsc.subcore_barrier()
    o0 = cid * NPAD + r0

    def obody(j, carry):
        pltpu.sync_copy(agg_sh.at[pl.ds(r0 + j * CH, CH)], rows_v)
        pltpu.sync_copy(rows_v, agg_out.at[pl.ds(o0 + j * CH, CH)])
        return carry

    lax.fori_loop(0, RPS // CH, obody, 0)
    pltpu.sync_copy(zrow_hbm, rows_v)

    def zbody2(j, carry):
        pltpu.sync_copy(rows_v, agg_sh.at[pl.ds(r0 + j * CH, CH)])
        return carry

    lax.fori_loop(0, RPS // CH, zbody2, 0)
    plsc.subcore_barrier()
    pltpu.sync_copy(ones_hbm, rows_v)

    def dbody(gi, carry):
        grow = crow0 + gi * IB
        pltpu.sync_copy(dst_hbm.at[pl.ds(grow, IB)], didx_b)
        descs = [pltpu.async_copy(rows_v, agg_sh.at[didx_b.at[k]], sem2,
                                  add=True)
                 for k in range(IB)]
        for dd in descs:
            dd.wait()
        return carry

    lax.fori_loop(0, NCH_E // IB, dbody, 0)
    plsc.subcore_barrier()

    def dout(j, carry):
        pltpu.sync_copy(agg_sh.at[pl.ds(r0 + j * CH, CH)], rows_v)
        pltpu.sync_copy(rows_v, deg_out.at[pl.ds(o0 + j * CH, CH)])
        return carry

    lax.fori_loop(0, RPS // CH, dout, 0)


@functools.partial(
    pl.kernel,
    out_type=jax.ShapeDtypeStruct((GTOT, H), jnp.float32),
    mesh=_sc_mesh(),
    scratch_types=[
        pltpu.VMEM((CH,), jnp.int32),
        pltpu.VMEM((CH, H), jnp.float32),
        pltpu.SemaphoreType.DMA,
    ],
)
def _sc_gather_rows(h_hbm, idx_hbm, g_out, idx_v, rows_v, sem):
    cid = lax.axis_index("c")
    sid = lax.axis_index("s")
    wid = sid * NC + cid
    base0 = wid * GPW

    def body(i, carry):
        b = base0 + i * CH
        pltpu.sync_copy(idx_hbm.at[pl.ds(b, CH)], idx_v)
        pltpu.async_copy(h_hbm.at[idx_v], rows_v, sem).wait()
        pltpu.sync_copy(rows_v, g_out.at[pl.ds(b, CH)])
        return carry

    lax.fori_loop(0, NCH_G, body, 0)



def _ln(t, g, b):
    m = jnp.mean(t, axis=-1, keepdims=True)
    v = jnp.mean((t - m) ** 2, axis=-1, keepdims=True)
    return (t - m) * lax.rsqrt(v + 1e-5) * g + b


def _inproj_body(x_ref, w_ref, b_ref, la_ref, lb_ref, g_ref, be_ref, o_ref):
    xb = x_ref[...]
    t = jnp.dot(xb, w_ref[...], preferred_element_type=jnp.float32)
    t = t + jnp.dot(jnp.dot(xb, la_ref[...], preferred_element_type=jnp.float32),
                    lb_ref[...], preferred_element_type=jnp.float32)
    t = t + b_ref[...]
    o_ref[...] = _ln(t, g_ref[...], be_ref[...])


_BLK_IN = 512


def _inproj(xpad, W_in, b_in, lora_A, lora_B, pn_g, pn_b):
    full = lambda s: pl.BlockSpec(s, lambda i: (0, 0))
    return pl.pallas_call(
        _inproj_body,
        grid=(NPAD // _BLK_IN,),
        in_specs=[
            pl.BlockSpec((_BLK_IN, D), lambda i: (i, 0)),
            full((D, H)), full((1, H)), full((D, 16)), full((16, H)),
            full((1, H)), full((1, H)),
        ],
        out_specs=pl.BlockSpec((_BLK_IN, H), lambda i: (i, 0)),
        out_shape=jax.ShapeDtypeStruct((NPAD, H), jnp.float32),
    )(xpad, W_in, b_in, lora_A, lora_B, pn_g, pn_b)


def _layer_body(resid, h_ref, a_ref, d_ref, ws_ref, wn_ref, bb_ref,
                g_ref, be_ref, o_ref):
    hb = h_ref[...]
    agg = a_ref[0] + a_ref[1]
    deg = d_ref[0, :, 0:1] + d_ref[1, :, 0:1]
    agg = agg / jnp.maximum(deg, 1.0)
    t = (jnp.dot(hb, ws_ref[...], preferred_element_type=jnp.float32)
         + jnp.dot(agg, wn_ref[...], preferred_element_type=jnp.float32)
         + bb_ref[...])
    t = jnp.maximum(t, 0.0)
    if resid:
        t = t + hb
    o_ref[...] = _ln(t, g_ref[...], be_ref[...])


_BLK_L = 640


def _layer(resid, h, agg2, deg2, Ws, Wn, bb, g, be):
    full = lambda s: pl.BlockSpec(s, lambda i: (0, 0))
    return pl.pallas_call(
        functools.partial(_layer_body, resid),
        grid=(NPAD // _BLK_L,),
        in_specs=[
            pl.BlockSpec((_BLK_L, H), lambda i: (i, 0)),
            pl.BlockSpec((NC, _BLK_L, H), lambda i: (0, i, 0)),
            pl.BlockSpec((NC, _BLK_L, H), lambda i: (0, i, 0)),
            full((H, H)), full((H, H)), full((1, H)), full((1, H)), full((1, H)),
        ],
        out_specs=pl.BlockSpec((_BLK_L, H), lambda i: (i, 0)),
        out_shape=jax.ShapeDtypeStruct((NPAD, H), jnp.float32),
    )(h, agg2, deg2, Ws, Wn, bb, g, be)


def _score_body(g_ref, p_ref, n_ref):
    p_ref[...] = jnp.sum(g_ref[0] * g_ref[1], axis=-1)
    n_ref[...] = jnp.sum(g_ref[2] * g_ref[3], axis=-1)


_BLK_S = 512


def _score(g4):
    nblk = EPP // _BLK_S
    return pl.pallas_call(
        _score_body,
        grid=(nblk,),
        in_specs=[pl.BlockSpec((4, _BLK_S, H), lambda i: (0, i, 0))],
        out_specs=(pl.BlockSpec((_BLK_S,), lambda i: (i,)),
                   pl.BlockSpec((_BLK_S,), lambda i: (i,))),
        out_shape=(jax.ShapeDtypeStruct((EPP,), jnp.float32),
                   jax.ShapeDtypeStruct((EPP,), jnp.float32)),
    )(g4)



def kernel(x, edge_index_l0, edge_index_l1, pos_edge_index, neg_edge_index,
           W_in, b_in, lora_A, lora_B, pn_g, pn_b,
           Ws0, Wn0, bb0, ln0_g, ln0_b,
           Ws1, Wn1, bb1, ln1_g, ln1_b):
    f32 = jnp.float32
    xpad = jnp.pad(x, ((0, NPAD - N), (0, 0)))
    h = _inproj(xpad, W_in, b_in.reshape(1, H), lora_A, lora_B,
                pn_g.reshape(1, H), pn_b.reshape(1, H))

    zrow = jnp.zeros((CH, H), f32)
    ones128 = jnp.ones((CH, H), f32)
    pad_e = E_PAD - E
    src_pad = jnp.zeros((pad_e,), jnp.int32)
    dst_pad = jnp.full((pad_e,), N, jnp.int32)

    layers = ((edge_index_l0, Ws0, Wn0, bb0, ln0_g, ln0_b, False),
              (edge_index_l1, Ws1, Wn1, bb1, ln1_g, ln1_b, True))
    for ei, Ws, Wn, bb, g, be, resid in layers:
        src = jnp.concatenate([ei[0], src_pad]).reshape(E_PAD // CH, CH)
        dst = jnp.concatenate([ei[1], dst_pad]).reshape(E_PAD // CH, CH)
        agg2, deg2 = _sc_aggregate(h, src, dst, zrow, ones128)
        h = _layer(resid, h, agg2.reshape(NC, NPAD, H),
                   deg2.reshape(NC, NPAD, H),
                   Ws, Wn, bb.reshape(1, H), g.reshape(1, H), be.reshape(1, H))

    zp = jnp.zeros((EPP - EP,), jnp.int32)
    idx_all = jnp.concatenate([pos_edge_index[0], zp, pos_edge_index[1], zp,
                               neg_edge_index[0], zp, neg_edge_index[1], zp])
    gath = _sc_gather_rows(h, idx_all)
    pos2, neg2 = _score(gath.reshape(4, EPP, H))
    return (pos2[:EP], neg2[:EP])

# --- scband reference (transcript-rebuilt; emitter-appended) ---
"""Pipeline reference for scband-patient-adaptive-gnn-25340307047148 (READ-ONLY COPY).

The authoritative reference and input builder live on the scoring server;
editing this copy changes nothing except your own understanding.
"""

import jax, jax.numpy as jnp
import numpy as np

N = 10000
D = 128
H = 128
R = 16
E = 320000
EP = 10000
SCALING = 16.0 / 16.0


def _layer_norm(x, g, b):
    m = jnp.mean(x, axis=-1, keepdims=True)
    v = jnp.var(x, axis=-1, keepdims=True)
    return (x - m) / jnp.sqrt(v + 1e-5) * g + b


def setup_inputs(seed: int = 0) -> dict:
    key = jax.random.key(seed)
    ks = jax.random.split(key, 24)
    inp = {}
    inp['x'] = jax.random.normal(ks[0], (N, D), dtype=jnp.float32)
    inp['edge_index_l0'] = jax.random.randint(ks[1], (2, E), 0, N, dtype=jnp.int32)
    inp['edge_index_l1'] = jax.random.randint(ks[2], (2, E), 0, N, dtype=jnp.int32)
    inp['pos_edge_index'] = jax.random.randint(ks[3], (2, EP), 0, N, dtype=jnp.int32)
    inp['neg_edge_index'] = jax.random.randint(ks[4], (2, EP), 0, N, dtype=jnp.int32)
    # base_model.gnn.input_proj['node']
    inp['W_in'] = jax.random.normal(ks[5], (D, H), dtype=jnp.float32) / np.sqrt(D)
    inp['b_in'] = jnp.zeros((H,), dtype=jnp.float32)
    # LoRA adapter (lora_B randomly init small instead of zeros for nontrivial numerics)
    inp['lora_A'] = jax.random.normal(ks[6], (D, R), dtype=jnp.float32) / np.sqrt(D)
    inp['lora_B'] = jax.random.normal(ks[7], (R, H), dtype=jnp.float32) * 0.01
    # patient_norms['node']
    inp['pn_g'] = jnp.ones((H,), dtype=jnp.float32)
    inp['pn_b'] = jnp.zeros((H,), dtype=jnp.float32)
    # SAGE layer 0
    inp['Ws0'] = jax.random.normal(ks[8], (H, H), dtype=jnp.float32) / np.sqrt(H)
    inp['Wn0'] = jax.random.normal(ks[9], (H, H), dtype=jnp.float32) / np.sqrt(H)
    inp['bb0'] = jnp.zeros((H,), dtype=jnp.float32)
    inp['ln0_g'] = jnp.ones((H,), dtype=jnp.float32)
    inp['ln0_b'] = jnp.zeros((H,), dtype=jnp.float32)
    # SAGE layer 1
    inp['Ws1'] = jax.random.normal(ks[10], (H, H), dtype=jnp.float32) / np.sqrt(H)
    inp['Wn1'] = jax.random.normal(ks[11], (H, H), dtype=jnp.float32) / np.sqrt(H)
    inp['bb1'] = jnp.zeros((H,), dtype=jnp.float32)
    inp['ln1_g'] = jnp.ones((H,), dtype=jnp.float32)
    inp['ln1_b'] = jnp.zeros((H,), dtype=jnp.float32)
    return inp


def reference(x, edge_index_l0, edge_index_l1, pos_edge_index, neg_edge_index,
              W_in, b_in, lora_A, lora_B, pn_g, pn_b,
              Ws0, Wn0, bb0, ln0_g, ln0_b,
              Ws1, Wn1, bb1, ln1_g, ln1_b):
    # adapted input features: base projection + LoRA adapter, then patient LayerNorm
    base_feat = x @ W_in + b_in
    adapter_feat = (x @ lora_A) @ lora_B * SCALING
    h = _layer_norm(base_feat + adapter_feat, pn_g, pn_b)

    edges = [edge_index_l0, edge_index_l1]
    params = [(Ws0, Wn0, bb0, ln0_g, ln0_b), (Ws1, Wn1, bb1, ln1_g, ln1_b)]
    for i in range(2):
        src = edges[i][0]
        dst = edges[i][1]
        msgs = jnp.take(h, src, axis=0)                      # gather  [E, H]
        agg = jax.ops.segment_sum(msgs, dst, num_segments=N)  # scatter-add [N, H]
        deg = jax.ops.segment_sum(jnp.ones((msgs.shape[0],), dtype=h.dtype), dst, num_segments=N)
        agg = agg / jnp.maximum(deg, 1.0)[:, None]           # mean aggregation (SAGE)
        Ws, Wn, bb, g, be = params[i]
        h_new = jax.nn.relu(h @ Ws + agg @ Wn + bb)
        if i > 0:
            h_new = h_new + h                                # residual from layer 1 on
        h_new = _layer_norm(h_new, g, be)
        # dropout is identity in eval mode
        h = h_new

    # edge score predictor (dot product) on pos/neg graphs
    pos_score = jnp.sum(jnp.take(h, pos_edge_index[0], axis=0) * jnp.take(h, pos_edge_index[1], axis=0), axis=-1)
    neg_score = jnp.sum(jnp.take(h, neg_edge_index[0], axis=0) * jnp.take(h, neg_edge_index[1], axis=0), axis=-1)
    return (pos_score, neg_score)

if __name__ == "__main__":
    import jax
    _d = setup_inputs()
    print(jax.jit(kernel)(*tuple(_d.values())))

</pallas_src>

<mosaic_0001>
#map = affine_map<(d0, d1) -> (0, 0)>
module attributes {stable_mosaic.version = 14 : i64} {
  func.func @_sc_aggregate(%arg0: i32, %arg1: i32, %arg2: memref<10240x128xf32, #tpu.memory_space<hbm>>, %arg3: memref<2560x128xi32, #tpu.memory_space<hbm>>, %arg4: memref<2560x128xi32, #tpu.memory_space<hbm>>, %arg5: memref<128x128xf32, #tpu.memory_space<hbm>>, %arg6: memref<128x128xf32, #tpu.memory_space<hbm>>, %arg7: memref<20480x128xf32, #tpu.memory_space<hbm>>, %arg8: memref<20480x128xf32, #tpu.memory_space<hbm>>, %arg9: memref<8x128xi32, #tpu.memory_space<vmem>>, %arg10: memref<8x128xi32, #tpu.memory_space<vmem>>, %arg11: memref<128x128xf32, #tpu.memory_space<vmem>>, %arg12: memref<128x128xf32, #tpu.memory_space<vmem>>, %arg13: memref<!tpu.dma_semaphore, #tpu.memory_space<semaphore_mem>>, %arg14: memref<!tpu.dma_semaphore, #tpu.memory_space<semaphore_mem>>, %arg15: memref<10240x128xf32, #tpu.memory_space<vmem_shared>>) attributes {dimension_semantics = [#tpu.dimension_semantics<core_parallel>, #tpu.dimension_semantics<subcore_parallel>], iteration_bounds = array<i64: 2, 16>, scalar_prefetch = 0 : i64, scratch_operands = 7 : i64, tpu.core_type = #tpu.core_type<sc_vector_subcore>, window_params = [{transform_indices = #map}, {transform_indices = #map}, {transform_indices = #map}, {transform_indices = #map}, {transform_indices = #map}, {transform_indices = #map}, {transform_indices = #map}]} {
    %mul3A = arith.constant 2 : i32
    %mul3A_0 = arith.muli %arg1, %mul3A : i32
    %add3A = arith.addi %mul3A_0, %arg0 : i32
    %mul3A_1 = arith.constant 640 : i32
    %mul3A_2 = arith.muli %arg1, %mul3A_1 : i32
    "tpu.region"() ({
      %run_scoped3A = tpu.sem_alloc : memref<!tpu.dma_semaphore, #tpu.memory_space<semaphore_mem>>
      tpu.enqueue_dma source(%arg5 : memref<128x128xf32, #tpu.memory_space<hbm>>) target(%arg11 : memref<128x128xf32, #tpu.memory_space<vmem>>) target_semaphore(%run_scoped3A : memref<!tpu.dma_semaphore, #tpu.memory_space<semaphore_mem>>)
      tpu.wait_dma2 semaphore(%run_scoped3A : memref<!tpu.dma_semaphore, #tpu.memory_space<semaphore_mem>>) src(%arg5 : memref<128x128xf32, #tpu.memory_space<hbm>>) dst(%arg11 : memref<128x128xf32, #tpu.memory_space<vmem>>)
      tpu.yield
    }) : () -> ()
    %scan3A = arith.constant 0 : i32
    %scan3A_3 = arith.constant 0 : i32
    %scan3A_4 = arith.constant 5 : i32
    %scan3A_5 = arith.addi %scan3A_3, %scan3A_4 : i32
    %scan3A_6 = arith.constant 1 : i32
    scf.for %scan3A_46 = %scan3A_3 to %scan3A_5 step %scan3A_6  : i32 {
      %mul3A_47 = arith.constant 128 : i32
      %mul3A_48 = arith.muli %scan3A_46, %mul3A_47 : i32
      %add3A_49 = arith.addi %mul3A_2, %mul3A_48 : i32
      "tpu.region"() ({
        %run_scoped3A = tpu.sem_alloc : memref<!tpu.dma_semaphore, #tpu.memory_space<semaphore_mem>>
        %dma_start3A = arith.constant 0 : i32
        %dma_start3A_50 = tpu.memref_slice %arg15[%add3A_49, %dma_start3A] : memref<10240x128xf32, #tpu.memory_space<vmem_shared>> -> memref<128x128xf32, #tpu.memory_space<vmem_shared>>
        %dma_start3A_51 = arith.constant 0 : i32
        %dma_start3A_52 = tpu.memref_slice %arg15[%add3A_49, %dma_start3A_51] : memref<10240x128xf32, #tpu.memory_space<vmem_shared>> -> memref<128x128xf32, #tpu.memory_space<vmem_shared>>
        tpu.enqueue_dma source(%arg11 : memref<128x128xf32, #tpu.memory_space<vmem>>) target(%dma_start3A_52 : memref<128x128xf32, #tpu.memory_space<vmem_shared>>) target_semaphore(%run_scoped3A : memref<!tpu.dma_semaphore, #tpu.memory_space<semaphore_mem>>)
        %dma_wait3A = arith.constant 0 : i32
        %dma_wait3A_53 = tpu.memref_slice %arg15[%add3A_49, %dma_wait3A] : memref<10240x128xf32, #tpu.memory_space<vmem_shared>> -> memref<128x128xf32, #tpu.memory_space<vmem_shared>>
        %dma_wait3A_54 = arith.constant 0 : i32
        %dma_wait3A_55 = tpu.memref_slice %arg15[%add3A_49, %dma_wait3A_54] : memref<10240x128xf32, #tpu.memory_space<vmem_shared>> -> memref<128x128xf32, #tpu.memory_space<vmem_shared>>
        tpu.wait_dma2 semaphore(%run_scoped3A : memref<!tpu.dma_semaphore, #tpu.memory_space<semaphore_mem>>) src(%arg11 : memref<128x128xf32, #tpu.memory_space<vmem>>) dst(%dma_wait3A_55 : memref<128x128xf32, #tpu.memory_space<vmem_shared>>)
        tpu.yield
      }) : () -> ()
    }
    %scan3A_7 = arith.constant 5 : i32
    %barrier3A = arith.constant 0 : index
    tpu.barrier barrier_id(%barrier3A)
    %mul3A_8 = arith.constant 80 : i32
    %mul3A_9 = arith.muli %add3A, %mul3A_8 : i32
    %scan3A_10 = arith.constant 0 : i32
    %scan3A_11 = arith.constant 0 : i32
    %scan3A_12 = arith.constant 10 : i32
    %scan3A_13 = arith.addi %scan3A_11, %scan3A_12 : i32
    %scan3A_14 = arith.constant 1 : i32
    scf.for %scan3A_46 = %scan3A_11 to %scan3A_13 step %scan3A_14  : i32 {
      %mul3A_47 = arith.constant 8 : i32
      %mul3A_48 = arith.muli %scan3A_46, %mul3A_47 : i32
      %add3A_49 = arith.addi %mul3A_9, %mul3A_48 : i32
      "tpu.region"() ({
        %run_scoped3A_167 = tpu.sem_alloc : memref<!tpu.dma_semaphore, #tpu.memory_space<semaphore_mem>>
        %dma_start3A_168 = arith.constant 0 : i32
        %dma_start3A_169 = tpu.memref_slice %arg3[%add3A_49, %dma_start3A_168] : memref<2560x128xi32, #tpu.memory_space<hbm>> -> memref<8x128xi32, #tpu.memory_space<hbm>>
        %dma_start3A_170 = arith.constant 0 : i32
        %dma_start3A_171 = tpu.memref_slice %arg3[%add3A_49, %dma_start3A_170] : memref<2560x128xi32, #tpu.memory_space<hbm>> -> memref<8x128xi32, #tpu.memory_space<hbm>>
        tpu.enqueue_dma source(%dma_start3A_171 : memref<8x128xi32, #tpu.memory_space<hbm>>) target(%arg9 : memref<8x128xi32, #tpu.memory_space<vmem>>) target_semaphore(%run_scoped3A_167 : memref<!tpu.dma_semaphore, #tpu.memory_space<semaphore_mem>>)
        %dma_wait3A_172 = arith.constant 0 : i32
        %dma_wait3A_173 = tpu.memref_slice %arg3[%add3A_49, %dma_wait3A_172] : memref<2560x128xi32, #tpu.memory_space<hbm>> -> memref<8x128xi32, #tpu.memory_space<hbm>>
        %dma_wait3A_174 = arith.constant 0 : i32
        %dma_wait3A_175 = tpu.memref_slice %arg3[%add3A_49, %dma_wait3A_174] : memref<2560x128xi32, #tpu.memory_space<hbm>> -> memref<8x128xi32, #tpu.memory_space<hbm>>
        tpu.wait_dma2 semaphore(%run_scoped3A_167 : memref<!tpu.dma_semaphore, #tpu.memory_space<semaphore_mem>>) src(%dma_wait3A_175 : memref<8x128xi32, #tpu.memory_space<hbm>>) dst(%arg9 : memref<8x128xi32, #tpu.memory_space<vmem>>)
        tpu.yield
      }) : () -> ()
      "tpu.region"() ({
        %run_scoped3A_167 = tpu.sem_alloc : memref<!tpu.dma_semaphore, #tpu.memory_space<semaphore_mem>>
        %dma_start3A_168 = arith.constant 0 : i32
        %dma_start3A_169 = tpu.memref_slice %arg4[%add3A_49, %dma_start3A_168] : memref<2560x128xi32, #tpu.memory_space<hbm>> -> memref<8x128xi32, #tpu.memory_space<hbm>>
        %dma_start3A_170 = arith.constant 0 : i32
        %dma_start3A_171 = tpu.memref_slice %arg4[%add3A_49, %dma_start3A_170] : memref<2560x128xi32, #tpu.memory_space<hbm>> -> memref<8x128xi32, #tpu.memory_space<hbm>>
        tpu.enqueue_dma source(%dma_start3A_171 : memref<8x128xi32, #tpu.memory_space<hbm>>) target(%arg10 : memref<8x128xi32, #tpu.memory_space<vmem>>) target_semaphore(%run_scoped3A_167 : memref<!tpu.dma_semaphore, #tpu.memory_space<semaphore_mem>>)
        %dma_wait3A_172 = arith.constant 0 : i32
        %dma_wait3A_173 = tpu.memref_slice %arg4[%add3A_49, %dma_wait3A_172] : memref<2560x128xi32, #tpu.memory_space<hbm>> -> memref<8x128xi32, #tpu.memory_space<hbm>>
        %dma_wait3A_174 = arith.constant 0 : i32
        %dma_wait3A_175 = tpu.memref_slice %arg4[%add3A_49, %dma_wait3A_174] : memref<2560x128xi32, #tpu.memory_space<hbm>> -> memref<8x128xi32, #tpu.memory_space<hbm>>
        tpu.wait_dma2 semaphore(%run_scoped3A_167 : memref<!tpu.dma_semaphore, #tpu.memory_space<semaphore_mem>>) src(%dma_wait3A_175 : memref<8x128xi32, #tpu.memory_space<hbm>>) dst(%arg10 : memref<8x128xi32, #tpu.memory_space<vmem>>)
        tpu.yield
      }) : () -> ()
      %dma_start3A = arith.constant 0 : i32
      %dma_start3A_50 = arith.constant 0 : i32
      %dma_start3A_51 = tpu.memref_slice %arg9[%dma_start3A, %dma_start3A_50] : memref<8x128xi32, #tpu.memory_space<vmem>> -> memref<1x128xi32, #tpu.memory_space<vmem>>
      %dma_start3A_52 = tpu.memref_squeeze %dma_start3A_51 : memref<1x128xi32, #tpu.memory_space<vmem>> -> memref<128xi32, #tpu.memory_space<vmem>>
      %dma_start3A_53 = arith.constant 0 : i32
      %dma_start3A_54 = arith.constant 0 : i32
      %dma_start3A_55 = tpu.memref_slice %arg2[%dma_start3A_53, %dma_start3A_54] : memref<10240x128xf32, #tpu.memory_space<hbm>> -> memref<10240x128xf32, #tpu.memory_space<hbm>>
      tpu.enqueue_indirect_dma source(%dma_start3A_55 : memref<10240x128xf32, #tpu.memory_space<hbm>>) target(%arg11 : memref<128x128xf32, #tpu.memory_space<vmem>>) offsets(%dma_start3A_52 : memref<128xi32, #tpu.memory_space<vmem>>) semaphore(%arg13 : memref<!tpu.dma_semaphore, #tpu.memory_space<semaphore_mem>>)
      %dma_wait3A = arith.constant 0 : i32
      %dma_wait3A_56 = arith.constant 0 : i32
      %dma_wait3A_57 = tpu.memref_slice %arg9[%dma_wait3A, %dma_wait3A_56] : memref<8x128xi32, #tpu.memory_space<vmem>> -> memref<1x128xi32, #tpu.memory_space<vmem>>
      %dma_wait3A_58 = tpu.memref_squeeze %dma_wait3A_57 : memref<1x128xi32, #tpu.memory_space<vmem>> -> memref<128xi32, #tpu.memory_space<vmem>>
      %dma_wait3A_59 = arith.constant 0 : i32
      %dma_wait3A_60 = arith.constant 0 : i32
      %dma_wait3A_61 = tpu.memref_slice %arg2[%dma_wait3A_59, %dma_wait3A_60] : memref<10240x128xf32, #tpu.memory_space<hbm>> -> memref<10240x128xf32, #tpu.memory_space<hbm>>
      tpu.wait_indirect_dma semaphore(%arg13 : memref<!tpu.dma_semaphore, #tpu.memory_space<semaphore_mem>>) src(%dma_wait3A_61 : memref<10240x128xf32, #tpu.memory_space<hbm>>) dst(%arg11 : memref<128x128xf32, #tpu.memory_space<vmem>>)
      %dma_start3A_62 = arith.constant 1 : i32
      %dma_start3A_63 = arith.constant 0 : i32
      %dma_start3A_64 = tpu.memref_slice %arg9[%dma_start3A_62, %dma_start3A_63] : memref<8x128xi32, #tpu.memory_space<vmem>> -> memref<1x128xi32, #tpu.memory_space<vmem>>
      %dma_start3A_65 = tpu.memref_squeeze %dma_start3A_64 : memref<1x128xi32, #tpu.memory_space<vmem>> -> memref<128xi32, #tpu.memory_space<vmem>>
      %dma_start3A_66 = arith.constant 0 : i32
      %dma_start3A_67 = arith.constant 0 : i32
      %dma_start3A_68 = tpu.memref_slice %arg2[%dma_start3A_66, %dma_start3A_67] : memref<10240x128xf32, #tpu.memory_space<hbm>> -> memref<10240x128xf32, #tpu.memory_space<hbm>>
      tpu.enqueue_indirect_dma source(%dma_start3A_68 : memref<10240x128xf32, #tpu.memory_space<hbm>>) target(%arg12 : memref<128x128xf32, #tpu.memory_space<vmem>>) offsets(%dma_start3A_65 : memref<128xi32, #tpu.memory_space<vmem>>) semaphore(%arg13 : memref<!tpu.dma_semaphore, #tpu.memory_space<semaphore_mem>>)
      %run_scoped3A = arith.constant 0 : i32
      "tpu.region"() ({
        %run_scoped3A_167 = tpu.sem_alloc : memref<!tpu.dma_semaphore, #tpu.memory_space<semaphore_mem>>
        %dma_start3A_168 = arith.constant 0 : i32
        %dma_start3A_169 = tpu.memref_slice %arg10[%run_scoped3A, %dma_start3A_168] : memref<8x128xi32, #tpu.memory_space<vmem>> -> memref<1x128xi32, #tpu.memory_space<vmem>>
        %dma_start3A_170 = tpu.memref_squeeze %dma_start3A_169 : memref<1x128xi32, #tpu.memory_space<vmem>> -> memref<128xi32, #tpu.memory_space<vmem>>
        %dma_start3A_171 = arith.constant 0 : i32
        %dma_start3A_172 = arith.constant 0 : i32
        %dma_start3A_173 = tpu.memref_slice %arg15[%dma_start3A_171, %dma_start3A_172] : memref<10240x128xf32, #tpu.memory_space<vmem_shared>> -> memref<10240x128xf32, #tpu.memory_space<vmem_shared>>
        tpu.enqueue_indirect_dma source(%arg11 : memref<128x128xf32, #tpu.memory_space<vmem>>) target(%dma_start3A_173 : memref<10240x128xf32, #tpu.memory_space<vmem_shared>>) offsets(%dma_start3A_170 : memref<128xi32, #tpu.memory_space<vmem>>) semaphore(%run_scoped3A_167 : memref<!tpu.dma_semaphore, #tpu.memory_space<semaphore_mem>>) {add = true}
        %dma_wait3A_174 = arith.constant 0 : i32
        %dma_wait3A_175 = tpu.memref_slice %arg10[%run_scoped3A, %dma_wait3A_174] : memref<8x128xi32, #tpu.memory_space<vmem>> -> memref<1x128xi32, #tpu.memory_space<vmem>>
        %dma_wait3A_176 = tpu.memref_squeeze %dma_wait3A_175 : memref<1x128xi32, #tpu.memory_space<vmem>> -> memref<128xi32, #tpu.memory_space<vmem>>
        %dma_wait3A_177 = arith.constant 0 : i32
        %dma_wait3A_178 = arith.constant 0 : i32
        %dma_wait3A_179 = tpu.memref_slice %arg15[%dma_wait3A_177, %dma_wait3A_178] : memref<10240x128xf32, #tpu.memory_space<vmem_shared>> -> memref<10240x128xf32, #tpu.memory_space<vmem_shared>>
        tpu.wait_indirect_dma semaphore(%run_scoped3A_167 : memref<!tpu.dma_semaphore, #tpu.memory_space<semaphore_mem>>) src(%arg11 : memref<128x128xf32, #tpu.memory_space<vmem>>) dst(%dma_wait3A_179 : memref<10240x128xf32, #tpu.memory_space<vmem_shared>>)
        tpu.yield
      }) : () -> ()
      %dma_wait3A_69 = arith.constant 1 : i32
      %dma_wait3A_70 = arith.constant 0 : i32
      %dma_wait3A_71 = tpu.memref_slice %arg9[%dma_wait3A_69, %dma_wait3A_70] : memref<8x128xi32, #tpu.memory_space<vmem>> -> memref<1x128xi32, #tpu.memory_space<vmem>>
      %dma_wait3A_72 = tpu.memref_squeeze %dma_wait3A_71 : memref<1x128xi32, #tpu.memory_space<vmem>> -> memref<128xi32, #tpu.memory_space<vmem>>
      %dma_wait3A_73 = arith.constant 0 : i32
      %dma_wait3A_74 = arith.constant 0 : i32
      %dma_wait3A_75 = tpu.memref_slice %arg2[%dma_wait3A_73, %dma_wait3A_74] : memref<10240x128xf32, #tpu.memory_space<hbm>> -> memref<10240x128xf32, #tpu.memory_space<hbm>>
      tpu.wait_indirect_dma semaphore(%arg13 : memref<!tpu.dma_semaphore, #tpu.memory_space<semaphore_mem>>) src(%dma_wait3A_75 : memref<10240x128xf32, #tpu.memory_space<hbm>>) dst(%arg12 : memref<128x128xf32, #tpu.memory_space<vmem>>)
      %dma_start3A_76 = arith.constant 2 : i32
      %dma_start3A_77 = arith.constant 0 : i32
      %dma_start3A_78 = tpu.memref_slice %arg9[%dma_start3A_76, %dma_start3A_77] : memref<8x128xi32, #tpu.memory_space<vmem>> -> memref<1x128xi32, #tpu.memory_space<vmem>>
      %dma_start3A_79 = tpu.memref_squeeze %dma_start3A_78 : memref<1x128xi32, #tpu.memory_space<vmem>> -> memref<128xi32, #tpu.memory_space<vmem>>
      %dma_start3A_80 = arith.constant 0 : i32
      %dma_start3A_81 = arith.constant 0 : i32
      %dma_start3A_82 = tpu.memref_slice %arg2[%dma_start3A_80, %dma_start3A_81] : memref<10240x128xf32, #tpu.memory_space<hbm>> -> memref<10240x128xf32, #tpu.memory_space<hbm>>
      tpu.enqueue_indirect_dma source(%dma_start3A_82 : memref<10240x128xf32, #tpu.memory_space<hbm>>) target(%arg11 : memref<128x128xf32, #tpu.memory_space<vmem>>) offsets(%dma_start3A_79 : memref<128xi32, #tpu.memory_space<vmem>>) semaphore(%arg13 : memref<!tpu.dma_semaphore, #tpu.memory_space<semaphore_mem>>)
      %run_scoped3A_83 = arith.constant 1 : i32
      "tpu.region"() ({
        %run_scoped3A_167 = tpu.sem_alloc : memref<!tpu.dma_semaphore, #tpu.memory_space<semaphore_mem>>
        %dma_start3A_168 = arith.constant 0 : i32
        %dma_start3A_169 = tpu.memref_slice %arg10[%run_scoped3A_83, %dma_start3A_168] : memref<8x128xi32, #tpu.memory_space<vmem>> -> memref<1x128xi32, #tpu.memory_space<vmem>>
        %dma_start3A_170 = tpu.memref_squeeze %dma_start3A_169 : memref<1x128xi32, #tpu.memory_space<vmem>> -> memref<128xi32, #tpu.memory_space<vmem>>
        %dma_start3A_171 = arith.constant 0 : i32
        %dma_start3A_172 = arith.constant 0 : i32
        %dma_start3A_173 = tpu.memref_slice %arg15[%dma_start3A_171, %dma_start3A_172] : memref<10240x128xf32, #tpu.memory_space<vmem_shared>> -> memref<10240x128xf32, #tpu.memory_space<vmem_shared>>
        tpu.enqueue_indirect_dma source(%arg12 : memref<128x128xf32, #tpu.memory_space<vmem>>) target(%dma_start3A_173 : memref<10240x128xf32, #tpu.memory_space<vmem_shared>>) offsets(%dma_start3A_170 : memref<128xi32, #tpu.memory_space<vmem>>) semaphore(%run_scoped3A_167 : memref<!tpu.dma_semaphore, #tpu.memory_space<semaphore_mem>>) {add = true}
        %dma_wait3A_174 = arith.constant 0 : i32
        %dma_wait3A_175 = tpu.memref_slice %arg10[%run_scoped3A_83, %dma_wait3A_174] : memref<8x128xi32, #tpu.memory_space<vmem>> -> memref<1x128xi32, #tpu.memory_space<vmem>>
        %dma_wait3A_176 = tpu.memref_squeeze %dma_wait3A_175 : memref<1x128xi32, #tpu.memory_space<vmem>> -> memref<128xi32, #tpu.memory_space<vmem>>
        %dma_wait3A_177 = arith.constant 0 : i32
        %dma_wait3A_178 = arith.constant 0 : i32
        %dma_wait3A_179 = tpu.memref_slice %arg15[%dma_wait3A_177, %dma_wait3A_178] : memref<10240x128xf32, #tpu.memory_space<vmem_shared>> -> memref<10240x128xf32, #tpu.memory_space<vmem_shared>>
        tpu.wait_indirect_dma semaphore(%run_scoped3A_167 : memref<!tpu.dma_semaphore, #tpu.memory_space<semaphore_mem>>) src(%arg12 : memref<128x128xf32, #tpu.memory_space<vmem>>) dst(%dma_wait3A_179 : memref<10240x128xf32, #tpu.memory_space<vmem_shared>>)
        tpu.yield
      }) : () -> ()
      %dma_wait3A_84 = arith.constant 2 : i32
      %dma_wait3A_85 = arith.constant 0 : i32
      %dma_wait3A_86 = tpu.memref_slice %arg9[%dma_wait3A_84, %dma_wait3A_85] : memref<8x128xi32, #tpu.memory_space<vmem>> -> memref<1x128xi32, #tpu.memory_space<vmem>>
      %dma_wait3A_87 = tpu.memref_squeeze %dma_wait3A_86 : memref<1x128xi32, #tpu.memory_space<vmem>> -> memref<128xi32, #tpu.memory_space<vmem>>
      %dma_wait3A_88 = arith.constant 0 : i32
      %dma_wait3A_89 = arith.constant 0 : i32
      %dma_wait3A_90 = tpu.memref_slice %arg2[%dma_wait3A_88, %dma_wait3A_89] : memref<10240x128xf32, #tpu.memory_space<hbm>> -> memref<10240x128xf32, #tpu.memory_space<hbm>>
      tpu.wait_indirect_dma semaphore(%arg13 : memref<!tpu.dma_semaphore, #tpu.memory_space<semaphore_mem>>) src(%dma_wait3A_90 : memref<10240x128xf32, #tpu.memory_space<hbm>>) dst(%arg11 : memref<128x128xf32, #tpu.memory_space<vmem>>)
      %dma_start3A_91 = arith.constant 3 : i32
      %dma_start3A_92 = arith.constant 0 : i32
      %dma_start3A_93 = tpu.memref_slice %arg9[%dma_start3A_91, %dma_start3A_92] : memref<8x128xi32, #tpu.memory_space<vmem>> -> memref<1x128xi32, #tpu.memory_space<vmem>>
      %dma_start3A_94 = tpu.memref_squeeze %dma_start3A_93 : memref<1x128xi32, #tpu.memory_space<vmem>> -> memref<128xi32, #tpu.memory_space<vmem>>
      %dma_start3A_95 = arith.constant 0 : i32
      %dma_start3A_96 = arith.constant 0 : i32
      %dma_start3A_97 = tpu.memref_slice %arg2[%dma_start3A_95, %dma_start3A_96] : memref<10240x128xf32, #tpu.memory_space<hbm>> -> memref<10240x128xf32, #tpu.memory_space<hbm>>
      tpu.enqueue_indirect_dma source(%dma_start3A_97 : memref<10240x128xf32, #tpu.memory_space<hbm>>) target(%arg12 : memref<128x128xf32, #tpu.memory_space<vmem>>) offsets(%dma_start3A_94 : memref<128xi32, #tpu.memory_space<vmem>>) semaphore(%arg13 : memref<!tpu.dma_semaphore, #tpu.memory_space<semaphore_mem>>)
      %run_scoped3A_98 = arith.constant 2 : i32
      "tpu.region"() ({
        %run_scoped3A_167 = tpu.sem_alloc : memref<!tpu.dma_semaphore, #tpu.memory_space<semaphore_mem>>
        %dma_start3A_168 = arith.constant 0 : i32
        %dma_start3A_169 = tpu.memref_slice %arg10[%run_scoped3A_98, %dma_start3A_168] : memref<8x128xi32, #tpu.memory_space<vmem>> -> memref<1x128xi32, #tpu.memory_space<vmem>>
        %dma_start3A_170 = tpu.memref_squeeze %dma_start3A_169 : memref<1x128xi32, #tpu.memory_space<vmem>> -> memref<128xi32, #tpu.memory_space<vmem>>
        %dma_start3A_171 = arith.constant 0 : i32
        %dma_start3A_172 = arith.constant 0 : i32
        %dma_start3A_173 = tpu.memref_slice %arg15[%dma_start3A_171, %dma_start3A_172] : memref<10240x128xf32, #tpu.memory_space<vmem_shared>> -> memref<10240x128xf32, #tpu.memory_space<vmem_shared>>
        tpu.enqueue_indirect_dma source(%arg11 : memref<128x128xf32, #tpu.memory_space<vmem>>) target(%dma_start3A_173 : memref<10240x128xf32, #tpu.memory_space<vmem_shared>>) offsets(%dma_start3A_170 : memref<128xi32, #tpu.memory_space<vmem>>) semaphore(%run_scoped3A_167 : memref<!tpu.dma_semaphore, #tpu.memory_space<semaphore_mem>>) {add = true}
        %dma_wait3A_174 = arith.constant 0 : i32
        %dma_wait3A_175 = tpu.memref_slice %arg10[%run_scoped3A_98, %dma_wait3A_174] : memref<8x128xi32, #tpu.memory_space<vmem>> -> memref<1x128xi32, #tpu.memory_space<vmem>>
        %dma_wait3A_176 = tpu.memref_squeeze %dma_wait3A_175 : memref<1x128xi32, #tpu.memory_space<vmem>> -> memref<128xi32, #tpu.memory_space<vmem>>
        %dma_wait3A_177 = arith.constant 0 : i32
        %dma_wait3A_178 = arith.constant 0 : i32
        %dma_wait3A_179 = tpu.memref_slice %arg15[%dma_wait3A_177, %dma_wait3A_178] : memref<10240x128xf32, #tpu.memory_space<vmem_shared>> -> memref<10240x128xf32, #tpu.memory_space<vmem_shared>>
        tpu.wait_indirect_dma semaphore(%run_scoped3A_167 : memref<!tpu.dma_semaphore, #tpu.memory_space<semaphore_mem>>) src(%arg11 : memref<128x128xf32, #tpu.memory_space<vmem>>) dst(%dma_wait3A_179 : memref<10240x128xf32, #tpu.memory_space<vmem_shared>>)
        tpu.yield
      }) : () -> ()
      %dma_wait3A_99 = arith.constant 3 : i32
      %dma_wait3A_100 = arith.constant 0 : i32
      %dma_wait3A_101 = tpu.memref_slice %arg9[%dma_wait3A_99, %dma_wait3A_100] : memref<8x128xi32, #tpu.memory_space<vmem>> -> memref<1x128xi32, #tpu.memory_space<vmem>>
      %dma_wait3A_102 = tpu.memref_squeeze %dma_wait3A_101 : memref<1x128xi32, #tpu.memory_space<vmem>> -> memref<128xi32, #tpu.memory_space<vmem>>
      %dma_wait3A_103 = arith.constant 0 : i32
      %dma_wait3A_104 = arith.constant 0 : i32
      %dma_wait3A_105 = tpu.memref_slice %arg2[%dma_wait3A_103, %dma_wait3A_104] : memref<10240x128xf32, #tpu.memory_space<hbm>> -> memref<10240x128xf32, #tpu.memory_space<hbm>>
      tpu.wait_indirect_dma semaphore(%arg13 : memref<!tpu.dma_semaphore, #tpu.memory_space<semaphore_mem>>) src(%dma_wait3A_105 : memref<10240x128xf32, #tpu.memory_space<hbm>>) dst(%arg12 : memref<128x128xf32, #tpu.memory_space<vmem>>)
      %dma_start3A_106 = arith.constant 4 : i32
      %dma_start3A_107 = arith.constant 0 : i32
      %dma_start3A_108 = tpu.memref_slice %arg9[%dma_start3A_106, %dma_start3A_107] : memref<8x128xi32, #tpu.memory_space<vmem>> -> memref<1x128xi32, #tpu.memory_space<vmem>>
      %dma_start3A_109 = tpu.memref_squeeze %dma_start3A_108 : memref<1x128xi32, #tpu.memory_space<vmem>> -> memref<128xi32, #tpu.memory_space<vmem>>
      %dma_start3A_110 = arith.constant 0 : i32
      %dma_start3A_111 = arith.constant 0 : i32
      %dma_start3A_112 = tpu.memref_slice %arg2[%dma_start3A_110, %dma_start3A_111] : memref<10240x128xf32, #tpu.memory_space<hbm>> -> memref<10240x128xf32, #tpu.memory_space<hbm>>
      tpu.enqueue_indirect_dma source(%dma_start3A_112 : memref<10240x128xf32, #tpu.memory_space<hbm>>) target(%arg11 : memref<128x128xf32, #tpu.memory_space<vmem>>) offsets(%dma_start3A_109 : memref<128xi32, #tpu.memory_space<vmem>>) semaphore(%arg13 : memref<!tpu.dma_semaphore, #tpu.memory_space<semaphore_mem>>)
      %run_scoped3A_113 = arith.constant 3 : i32
      "tpu.region"() ({
        %run_scoped3A_167 = tpu.sem_alloc : memref<!tpu.dma_semaphore, #tpu.memory_space<semaphore_mem>>
        %dma_start3A_168 = arith.constant 0 : i32
        %dma_start3A_169 = tpu.memref_slice %arg10[%run_scoped3A_113, %dma_start3A_168] : memref<8x128xi32, #tpu.memory_space<vmem>> -> memref<1x128xi32, #tpu.memory_space<vmem>>
        %dma_start3A_170 = tpu.memref_squeeze %dma_start3A_169 : memref<1x128xi32, #tpu.memory_space<vmem>> -> memref<128xi32, #tpu.memory_space<vmem>>
        %dma_start3A_171 = arith.constant 0 : i32
        %dma_start3A_172 = arith.constant 0 : i32
        %dma_start3A_173 = tpu.memref_slice %arg15[%dma_start3A_171, %dma_start3A_172] : memref<10240x128xf32, #tpu.memory_space<vmem_shared>> -> memref<10240x128xf32, #tpu.memory_space<vmem_shared>>
        tpu.enqueue_indirect_dma source(%arg12 : memref<128x128xf32, #tpu.memory_space<vmem>>) target(%dma_start3A_173 : memref<10240x128xf32, #tpu.memory_space<vmem_shared>>) offsets(%dma_start3A_170 : memref<128xi32, #tpu.memory_space<vmem>>) semaphore(%run_scoped3A_167 : memref<!tpu.dma_semaphore, #tpu.memory_space<semaphore_mem>>) {add = true}
        %dma_wait3A_174 = arith.constant 0 : i32
        %dma_wait3A_175 = tpu.memref_slice %arg10[%run_scoped3A_113, %dma_wait3A_174] : memref<8x128xi32, #tpu.memory_space<vmem>> -> memref<1x128xi32, #tpu.memory_space<vmem>>
        %dma_wait3A_176 = tpu.memref_squeeze %dma_wait3A_175 : memref<1x128xi32, #tpu.memory_space<vmem>> -> memref<128xi32, #tpu.memory_space<vmem>>
        %dma_wait3A_177 = arith.constant 0 : i32
        %dma_wait3A_178 = arith.constant 0 : i32
        %dma_wait3A_179 = tpu.memref_slice %arg15[%dma_wait3A_177, %dma_wait3A_178] : memref<10240x128xf32, #tpu.memory_space<vmem_shared>> -> memref<10240x128xf32, #tpu.memory_space<vmem_shared>>
        tpu.wait_indirect_dma semaphore(%run_scoped3A_167 : memref<!tpu.dma_semaphore, #tpu.memory_space<semaphore_mem>>) src(%arg12 : memref<128x128xf32, #tpu.memory_space<vmem>>) dst(%dma_wait3A_179 : memref<10240x128xf32, #tpu.memory_space<vmem_shared>>)
        tpu.yield
      }) : () -> ()
      %dma_wait3A_114 = arith.constant 4 : i32
      %dma_wait3A_115 = arith.constant 0 : i32
      %dma_wait3A_116 = tpu.memref_slice %arg9[%dma_wait3A_114, %dma_wait3A_115] : memref<8x128xi32, #tpu.memory_space<vmem>> -> memref<1x128xi32, #tpu.memory_space<vmem>>
      %dma_wait3A_117 = tpu.memref_squeeze %dma_wait3A_116 : memref<1x128xi32, #tpu.memory_space<vmem>> -> memref<128xi32, #tpu.memory_space<vmem>>
      %dma_wait3A_118 = arith.constant 0 : i32
      %dma_wait3A_119 = arith.constant 0 : i32
      %dma_wait3A_120 = tpu.memref_slice %arg2[%dma_wait3A_118, %dma_wait3A_119] : memref<10240x128xf32, #tpu.memory_space<hbm>> -> memref<10240x128xf32, #tpu.memory_space<hbm>>
      tpu.wait_indirect_dma semaphore(%arg13 : memref<!tpu.dma_semaphore, #tpu.memory_space<semaphore_mem>>) src(%dma_wait3A_120 : memref<10240x128xf32, #tpu.memory_space<hbm>>) dst(%arg11 : memref<128x128xf32, #tpu.memory_space<vmem>>)
      %dma_start3A_121 = arith.constant 5 : i32
      %dma_start3A_122 = arith.constant 0 : i32
      %dma_start3A_123 = tpu.memref_slice %arg9[%dma_start3A_121, %dma_start3A_122] : memref<8x128xi32, #tpu.memory_space<vmem>> -> memref<1x128xi32, #tpu.memory_space<vmem>>
      %dma_start3A_124 = tpu.memref_squeeze %dma_start3A_123 : memref<1x128xi32, #tpu.memory_space<vmem>> -> memref<128xi32, #tpu.memory_space<vmem>>
      %dma_start3A_125 = arith.constant 0 : i32
      %dma_start3A_126 = arith.constant 0 : i32
      %dma_start3A_127 = tpu.memref_slice %arg2[%dma_start3A_125, %dma_start3A_126] : memref<10240x128xf32, #tpu.memory_space<hbm>> -> memref<10240x128xf32, #tpu.memory_space<hbm>>
      tpu.enqueue_indirect_dma source(%dma_start3A_127 : memref<10240x128xf32, #tpu.memory_space<hbm>>) target(%arg12 : memref<128x128xf32, #tpu.memory_space<vmem>>) offsets(%dma_start3A_124 : memref<128xi32, #tpu.memory_space<vmem>>) semaphore(%arg13 : memref<!tpu.dma_semaphore, #tpu.memory_space<semaphore_mem>>)
      %run_scoped3A_128 = arith.constant 4 : i32
      "tpu.region"() ({
        %run_scoped3A_167 = tpu.sem_alloc : memref<!tpu.dma_semaphore, #tpu.memory_space<semaphore_mem>>
        %dma_start3A_168 = arith.constant 0 : i32
        %dma_start3A_169 = tpu.memref_slice %arg10[%run_scoped3A_128, %dma_start3A_168] : memref<8x128xi32, #tpu.memory_space<vmem>> -> memref<1x128xi32, #tpu.memory_space<vmem>>
        %dma_start3A_170 = tpu.memref_squeeze %dma_start3A_169 : memref<1x128xi32, #tpu.memory_space<vmem>> -> memref<128xi32, #tpu.memory_space<vmem>>
        %dma_start3A_171 = arith.constant 0 : i32
        %dma_start3A_172 = arith.constant 0 : i32
        %dma_start3A_173 = tpu.memref_slice %arg15[%dma_start3A_171, %dma_start3A_172] : memref<10240x128xf32, #tpu.memory_space<vmem_shared>> -> memref<10240x128xf32, #tpu.memory_space<vmem_shared>>
        tpu.enqueue_indirect_dma source(%arg11 : memref<128x128xf32, #tpu.memory_space<vmem>>) target(%dma_start3A_173 : memref<10240x128xf32, #tpu.memory_space<vmem_shared>>) offsets(%dma_start3A_170 : memref<128xi32, #tpu.memory_space<vmem>>) semaphore(%run_scoped3A_167 : memref<!tpu.dma_semaphore, #tpu.memory_space<semaphore_mem>>) {add = true}
        %dma_wait3A_174 = arith.constant 0 : i32
        %dma_wait3A_175 = tpu.memref_slice %arg10[%run_scoped3A_128, %dma_wait3A_174] : memref<8x128xi32, #tpu.memory_space<vmem>> -> memref<1x128xi32, #tpu.memory_space<vmem>>
        %dma_wait3A_176 = tpu.memref_squeeze %dma_wait3A_175 : memref<1x128xi32, #tpu.memory_space<vmem>> -> memref<128xi32, #tpu.memory_space<vmem>>
        %dma_wait3A_177 = arith.constant 0 : i32
        %dma_wait3A_178 = arith.constant 0 : i32
        %dma_wait3A_179 = tpu.memref_slice %arg15[%dma_wait3A_177, %dma_wait3A_178] : memref<10240x128xf32, #tpu.memory_space<vmem_shared>> -> memref<10240x128xf32, #tpu.memory_space<vmem_shared>>
        tpu.wait_indirect_dma semaphore(%run_scoped3A_167 : memref<!tpu.dma_semaphore, #tpu.memory_space<semaphore_mem>>) src(%arg11 : memref<128x128xf32, #tpu.memory_space<vmem>>) dst(%dma_wait3A_179 : memref<10240x128xf32, #tpu.memory_space<vmem_shared>>)
        tpu.yield
      }) : () -> ()
      %dma_wait3A_129 = arith.constant 5 : i32
      %dma_wait3A_130 = arith.constant 0 : i32
      %dma_wait3A_131 = tpu.memref_slice %arg9[%dma_wait3A_129, %dma_wait3A_130] : memref<8x128xi32, #tpu.memory_space<vmem>> -> memref<1x128xi32, #tpu.memory_space<vmem>>
      %dma_wait3A_132 = tpu.memref_squeeze %dma_wait3A_131 : memref<1x128xi32, #tpu.memory_space<vmem>> -> memref<128xi32, #tpu.memory_space<vmem>>
      %dma_wait3A_133 = arith.constant 0 : i32
      %dma_wait3A_134 = arith.constant 0 : i32
      %dma_wait3A_135 = tpu.memref_slice %arg2[%dma_wait3A_133, %dma_wait3A_134] : memref<10240x128xf32, #tpu.memory_space<hbm>> -> memref<10240x128xf32, #tpu.memory_space<hbm>>
      tpu.wait_indirect_dma semaphore(%arg13 : memref<!tpu.dma_semaphore, #tpu.memory_space<semaphore_mem>>) src(%dma_wait3A_135 : memref<10240x128xf32, #tpu.memory_space<hbm>>) dst(%arg12 : memref<128x128xf32, #tpu.memory_space<vmem>>)
      %dma_start3A_136 = arith.constant 6 : i32
      %dma_start3A_137 = arith.constant 0 : i32
      %dma_start3A_138 = tpu.memref_slice %arg9[%dma_start3A_136, %dma_start3A_137] : memref<8x128xi32, #tpu.memory_space<vmem>> -> memref<1x128xi32, #tpu.memory_space<vmem>>
      %dma_start3A_139 = tpu.memref_squeeze %dma_start3A_138 : memref<1x128xi32, #tpu.memory_space<vmem>> -> memref<128xi32, #tpu.memory_space<vmem>>
      %dma_start3A_140 = arith.constant 0 : i32
      %dma_start3A_141 = arith.constant 0 : i32
      %dma_start3A_142 = tpu.memref_slice %arg2[%dma_start3A_140, %dma_start3A_141] : memref<10240x128xf32, #tpu.memory_space<hbm>> -> memref<10240x128xf32, #tpu.memory_space<hbm>>
      tpu.enqueue_indirect_dma source(%dma_start3A_142 : memref<10240x128xf32, #tpu.memory_space<hbm>>) target(%arg11 : memref<128x128xf32, #tpu.memory_space<vmem>>) offsets(%dma_start3A_139 : memref<128xi32, #tpu.memory_space<vmem>>) semaphore(%arg13 : memref<!tpu.dma_semaphore, #tpu.memory_space<semaphore_mem>>)
      %run_scoped3A_143 = arith.constant 5 : i32
      "tpu.region"() ({
        %run_scoped3A_167 = tpu.sem_alloc : memref<!tpu.dma_semaphore, #tpu.memory_space<semaphore_mem>>
        %dma_start3A_168 = arith.constant 0 : i32
        %dma_start3A_169 = tpu.memref_slice %arg10[%run_scoped3A_143, %dma_start3A_168] : memref<8x128xi32, #tpu.memory_space<vmem>> -> memref<1x128xi32, #tpu.memory_space<vmem>>
        %dma_start3A_170 = tpu.memref_squeeze %dma_start3A_169 : memref<1x128xi32, #tpu.memory_space<vmem>> -> memref<128xi32, #tpu.memory_space<vmem>>
        %dma_start3A_171 = arith.constant 0 : i32
        %dma_start3A_172 = arith.constant 0 : i32
        %dma_start3A_173 = tpu.memref_slice %arg15[%dma_start3A_171, %dma_start3A_172] : memref<10240x128xf32, #tpu.memory_space<vmem_shared>> -> memref<10240x128xf32, #tpu.memory_space<vmem_shared>>
        tpu.enqueue_indirect_dma source(%arg12 : memref<128x128xf32, #tpu.memory_space<vmem>>) target(%dma_start3A_173 : memref<10240x128xf32, #tpu.memory_space<vmem_shared>>) offsets(%dma_start3A_170 : memref<128xi32, #tpu.memory_space<vmem>>) semaphore(%run_scoped3A_167 : memref<!tpu.dma_semaphore, #tpu.memory_space<semaphore_mem>>) {add = true}
        %dma_wait3A_174 = arith.constant 0 : i32
        %dma_wait3A_175 = tpu.memref_slice %arg10[%run_scoped3A_143, %dma_wait3A_174] : memref<8x128xi32, #tpu.memory_space<vmem>> -> memref<1x128xi32, #tpu.memory_space<vmem>>
        %dma_wait3A_176 = tpu.memref_squeeze %dma_wait3A_175 : memref<1x128xi32, #tpu.memory_space<vmem>> -> memref<128xi32, #tpu.memory_space<vmem>>
        %dma_wait3A_177 = arith.constant 0 : i32
        %dma_wait3A_178 = arith.constant 0 : i32
        %dma_wait3A_179 = tpu.memref_slice %arg15[%dma_wait3A_177, %dma_wait3A_178] : memref<10240x128xf32, #tpu.memory_space<vmem_shared>> -> memref<10240x128xf32, #tpu.memory_space<vmem_shared>>
        tpu.wait_indirect_dma semaphore(%run_scoped3A_167 : memref<!tpu.dma_semaphore, #tpu.memory_space<semaphore_mem>>) src(%arg12 : memref<128x128xf32, #tpu.memory_space<vmem>>) dst(%dma_wait3A_179 : memref<10240x128xf32, #tpu.memory_space<vmem_shared>>)
        tpu.yield
      }) : () -> ()
      %dma_wait3A_144 = arith.constant 6 : i32
      %dma_wait3A_145 = arith.constant 0 : i32
      %dma_wait3A_146 = tpu.memref_slice %arg9[%dma_wait3A_144, %dma_wait3A_145] : memref<8x128xi32, #tpu.memory_space<vmem>> -> memref<1x128xi32, #tpu.memory_space<vmem>>
      %dma_wait3A_147 = tpu.memref_squeeze %dma_wait3A_146 : memref<1x128xi32, #tpu.memory_space<vmem>> -> memref<128xi32, #tpu.memory_space<vmem>>
      %dma_wait3A_148 = arith.constant 0 : i32
      %dma_wait3A_149 = arith.constant 0 : i32
      %dma_wait3A_150 = tpu.memref_slice %arg2[%dma_wait3A_148, %dma_wait3A_149] : memref<10240x128xf32, #tpu.memory_space<hbm>> -> memref<10240x128xf32, #tpu.memory_space<hbm>>
      tpu.wait_indirect_dma semaphore(%arg13 : memref<!tpu.dma_semaphore, #tpu.memory_space<semaphore_mem>>) src(%dma_wait3A_150 : memref<10240x128xf32, #tpu.memory_space<hbm>>) dst(%arg11 : memref<128x128xf32, #tpu.memory_space<vmem>>)
      %dma_start3A_151 = arith.constant 7 : i32
      %dma_start3A_152 = arith.constant 0 : i32
      %dma_start3A_153 = tpu.memref_slice %arg9[%dma_start3A_151, %dma_start3A_152] : memref<8x128xi32, #tpu.memory_space<vmem>> -> memref<1x128xi32, #tpu.memory_space<vmem>>
      %dma_start3A_154 = tpu.memref_squeeze %dma_start3A_153 : memref<1x128xi32, #tpu.memory_space<vmem>> -> memref<128xi32, #tpu.memory_space<vmem>>
      %dma_start3A_155 = arith.constant 0 : i32
      %dma_start3A_156 = arith.constant 0 : i32
      %dma_start3A_157 = tpu.memref_slice %arg2[%dma_start3A_155, %dma_start3A_156] : memref<10240x128xf32, #tpu.memory_space<hbm>> -> memref<10240x128xf32, #tpu.memory_space<hbm>>
      tpu.enqueue_indirect_dma source(%dma_start3A_157 : memref<10240x128xf32, #tpu.memory_space<hbm>>) target(%arg12 : memref<128x128xf32, #tpu.memory_space<vmem>>) offsets(%dma_start3A_154 : memref<128xi32, #tpu.memory_space<vmem>>) semaphore(%arg13 : memref<!tpu.dma_semaphore, #tpu.memory_space<semaphore_mem>>)
      %run_scoped3A_158 = arith.constant 6 : i32
      "tpu.region"() ({
        %run_scoped3A_167 = tpu.sem_alloc : memref<!tpu.dma_semaphore, #tpu.memory_space<semaphore_mem>>
        %dma_start3A_168 = arith.constant 0 : i32
        %dma_start3A_169 = tpu.memref_slice %arg10[%run_scoped3A_158, %dma_start3A_168] : memref<8x128xi32, #tpu.memory_space<vmem>> -> memref<1x128xi32, #tpu.memory_space<vmem>>
        %dma_start3A_170 = tpu.memref_squeeze %dma_start3A_169 : memref<1x128xi32, #tpu.memory_space<vmem>> -> memref<128xi32, #tpu.memory_space<vmem>>
        %dma_start3A_171 = arith.constant 0 : i32
        %dma_start3A_172 = arith.constant 0 : i32
        %dma_start3A_173 = tpu.memref_slice %arg15[%dma_start3A_171, %dma_start3A_172] : memref<10240x128xf32, #tpu.memory_space<vmem_shared>> -> memref<10240x128xf32, #tpu.memory_space<vmem_shared>>
        tpu.enqueue_indirect_dma source(%arg11 : memref<128x128xf32, #tpu.memory_space<vmem>>) target(%dma_start3A_173 : memref<10240x128xf32, #tpu.memory_space<vmem_shared>>) offsets(%dma_start3A_170 : memref<128xi32, #tpu.memory_space<vmem>>) semaphore(%run_scoped3A_167 : memref<!tpu.dma_semaphore, #tpu.memory_space<semaphore_mem>>) {add = true}
        %dma_wait3A_174 = arith.constant 0 : i32
        %dma_wait3A_175 = tpu.memref_slice %arg10[%run_scoped3A_158, %dma_wait3A_174] : memref<8x128xi32, #tpu.memory_space<vmem>> -> memref<1x128xi32, #tpu.memory_space<vmem>>
        %dma_wait3A_176 = tpu.memref_squeeze %dma_wait3A_175 : memref<1x128xi32, #tpu.memory_space<vmem>> -> memref<128xi32, #tpu.memory_space<vmem>>
        %dma_wait3A_177 = arith.constant 0 : i32
        %dma_wait3A_178 = arith.constant 0 : i32
        %dma_wait3A_179 = tpu.memref_slice %arg15[%dma_wait3A_177, %dma_wait3A_178] : memref<10240x128xf32, #tpu.memory_space<vmem_shared>> -> memref<10240x128xf32, #tpu.memory_space<vmem_shared>>
        tpu.wait_indirect_dma semaphore(%run_scoped3A_167 : memref<!tpu.dma_semaphore, #tpu.memory_space<semaphore_mem>>) src(%arg11 : memref<128x128xf32, #tpu.memory_space<vmem>>) dst(%dma_wait3A_179 : memref<10240x128xf32, #tpu.memory_space<vmem_shared>>)
        tpu.yield
      }) : () -> ()
      %dma_wait3A_159 = arith.constant 7 : i32
      %dma_wait3A_160 = arith.constant 0 : i32
      %dma_wait3A_161 = tpu.memref_slice %arg9[%dma_wait3A_159, %dma_wait3A_160] : memref<8x128xi32, #tpu.memory_space<vmem>> -> memref<1x128xi32, #tpu.memory_space<vmem>>
      %dma_wait3A_162 = tpu.memref_squeeze %dma_wait3A_161 : memref<1x128xi32, #tpu.memory_space<vmem>> -> memref<128xi32, #tpu.memory_space<vmem>>
      %dma_wait3A_163 = arith.constant 0 : i32
      %dma_wait3A_164 = arith.constant 0 : i32
      %dma_wait3A_165 = tpu.memref_slice %arg2[%dma_wait3A_163, %dma_wait3A_164] : memref<10240x128xf32, #tpu.memory_space<hbm>> -> memref<10240x128xf32, #tpu.memory_space<hbm>>
      tpu.wait_indirect_dma semaphore(%arg13 : memref<!tpu.dma_semaphore, #tpu.memory_space<semaphore_mem>>) src(%dma_wait3A_165 : memref<10240x128xf32, #tpu.memory_space<hbm>>) dst(%arg12 : memref<128x128xf32, #tpu.memory_space<vmem>>)
      %run_scoped3A_166 = arith.constant 7 : i32
      "tpu.region"() ({
        %run_scoped3A_167 = tpu.sem_alloc : memref<!tpu.dma_semaphore, #tpu.memory_space<semaphore_mem>>
        %dma_start3A_168 = arith.constant 0 : i32
        %dma_start3A_169 = tpu.memref_slice %arg10[%run_scoped3A_166, %dma_start3A_168] : memref<8x128xi32, #tpu.memory_space<vmem>> -> memref<1x128xi32, #tpu.memory_space<vmem>>
        %dma_start3A_170 = tpu.memref_squeeze %dma_start3A_169 : memref<1x128xi32, #tpu.memory_space<vmem>> -> memref<128xi32, #tpu.memory_space<vmem>>
        %dma_start3A_171 = arith.constant 0 : i32
        %dma_start3A_172 = arith.constant 0 : i32
        %dma_start3A_173 = tpu.memref_slice %arg15[%dma_start3A_171, %dma_start3A_172] : memref<10240x128xf32, #tpu.memory_space<vmem_shared>> -> memref<10240x128xf32, #tpu.memory_space<vmem_shared>>
        tpu.enqueue_indirect_dma source(%arg12 : memref<128x128xf32, #tpu.memory_space<vmem>>) target(%dma_start3A_173 : memref<10240x128xf32, #tpu.memory_space<vmem_shared>>) offsets(%dma_start3A_170 : memref<128xi32, #tpu.memory_space<vmem>>) semaphore(%run_scoped3A_167 : memref<!tpu.dma_semaphore, #tpu.memory_space<semaphore_mem>>) {add = true}
        %dma_wait3A_174 = arith.constant 0 : i32
        %dma_wait3A_175 = tpu.memref_slice %arg10[%run_scoped3A_166, %dma_wait3A_174] : memref<8x128xi32, #tpu.memory_space<vmem>> -> memref<1x128xi32, #tpu.memory_space<vmem>>
        %dma_wait3A_176 = tpu.memref_squeeze %dma_wait3A_175 : memref<1x128xi32, #tpu.memory_space<vmem>> -> memref<128xi32, #tpu.memory_space<vmem>>
        %dma_wait3A_177 = arith.constant 0 : i32
        %dma_wait3A_178 = arith.constant 0 : i32
        %dma_wait3A_179 = tpu.memref_slice %arg15[%dma_wait3A_177, %dma_wait3A_178] : memref<10240x128xf32, #tpu.memory_space<vmem_shared>> -> memref<10240x128xf32, #tpu.memory_space<vmem_shared>>
        tpu.wait_indirect_dma semaphore(%run_scoped3A_167 : memref<!tpu.dma_semaphore, #tpu.memory_space<semaphore_mem>>) src(%arg12 : memref<128x128xf32, #tpu.memory_space<vmem>>) dst(%dma_wait3A_179 : memref<10240x128xf32, #tpu.memory_space<vmem_shared>>)
        tpu.yield
      }) : () -> ()
    }
    %scan3A_15 = arith.constant 10 : i32
    %barrier3A_16 = arith.constant 0 : index
    tpu.barrier barrier_id(%barrier3A_16)
    %mul3A_17 = arith.constant 10240 : i32
    %mul3A_18 = arith.muli %arg0, %mul3A_17 : i32
    %add3A_19 = arith.addi %mul3A_18, %mul3A_2 : i32
    %scan3A_20 = arith.constant 0 : i32
    %scan3A_21 = arith.constant 0 : i32
    %scan3A_22 = arith.constant 5 : i32
    %scan3A_23 = arith.addi %scan3A_21, %scan3A_22 : i32
    %scan3A_24 = arith.constant 1 : i32
    scf.for %scan3A_46 = %scan3A_21 to %scan3A_23 step %scan3A_24  : i32 {
      %mul3A_47 = arith.constant 128 : i32
      %mul3A_48 = arith.muli %scan3A_46, %mul3A_47 : i32
      %add3A_49 = arith.addi %mul3A_2, %mul3A_48 : i32
      "tpu.region"() ({
        %run_scoped3A = tpu.sem_alloc : memref<!tpu.dma_semaphore, #tpu.memory_space<semaphore_mem>>
        %dma_start3A = arith.constant 0 : i32
        %dma_start3A_53 = tpu.memref_slice %arg15[%add3A_49, %dma_start3A] : memref<10240x128xf32, #tpu.memory_space<vmem_shared>> -> memref<128x128xf32, #tpu.memory_space<vmem_shared>>
        %dma_start3A_54 = arith.constant 0 : i32
        %dma_start3A_55 = tpu.memref_slice %arg15[%add3A_49, %dma_start3A_54] : memref<10240x128xf32, #tpu.memory_space<vmem_shared>> -> memref<128x128xf32, #tpu.memory_space<vmem_shared>>
        tpu.enqueue_dma source(%dma_start3A_55 : memref<128x128xf32, #tpu.memory_space<vmem_shared>>) target(%arg11 : memref<128x128xf32, #tpu.memory_space<vmem>>) target_semaphore(%run_scoped3A : memref<!tpu.dma_semaphore, #tpu.memory_space<semaphore_mem>>)
        %dma_wait3A = arith.constant 0 : i32
        %dma_wait3A_56 = tpu.memref_slice %arg15[%add3A_49, %dma_wait3A] : memref<10240x128xf32, #tpu.memory_space<vmem_shared>> -> memref<128x128xf32, #tpu.memory_space<vmem_shared>>
        %dma_wait3A_57 = arith.constant 0 : i32
        %dma_wait3A_58 = tpu.memref_slice %arg15[%add3A_49, %dma_wait3A_57] : memref<10240x128xf32, #tpu.memory_space<vmem_shared>> -> memref<128x128xf32, #tpu.memory_space<vmem_shared>>
        tpu.wait_dma2 semaphore(%run_scoped3A : memref<!tpu.dma_semaphore, #tpu.memory_space<semaphore_mem>>) src(%dma_wait3A_58 : memref<128x128xf32, #tpu.memory_space<vmem_shared>>) dst(%arg11 : memref<128x128xf32, #tpu.memory_space<vmem>>)
        tpu.yield
      }) : () -> ()
      %mul3A_50 = arith.constant 128 : i32
      %mul3A_51 = arith.muli %scan3A_46, %mul3A_50 : i32
      %add3A_52 = arith.addi %add3A_19, %mul3A_51 : i32
      "tpu.region"() ({
        %run_scoped3A = tpu.sem_alloc : memref<!tpu.dma_semaphore, #tpu.memory_space<semaphore_mem>>
        %dma_start3A = arith.constant 0 : i32
        %dma_start3A_53 = tpu.memref_slice %arg7[%add3A_52, %dma_start3A] : memref<20480x128xf32, #tpu.memory_space<hbm>> -> memref<128x128xf32, #tpu.memory_space<hbm>>
        %dma_start3A_54 = arith.constant 0 : i32
        %dma_start3A_55 = tpu.memref_slice %arg7[%add3A_52, %dma_start3A_54] : memref<20480x128xf32, #tpu.memory_space<hbm>> -> memref<128x128xf32, #tpu.memory_space<hbm>>
        tpu.enqueue_dma source(%arg11 : memref<128x128xf32, #tpu.memory_space<vmem>>) target(%dma_start3A_55 : memref<128x128xf32, #tpu.memory_space<hbm>>) target_semaphore(%run_scoped3A : memref<!tpu.dma_semaphore, #tpu.memory_space<semaphore_mem>>)
        %dma_wait3A = arith.constant 0 : i32
        %dma_wait3A_56 = tpu.memref_slice %arg7[%add3A_52, %dma_wait3A] : memref<20480x128xf32, #tpu.memory_space<hbm>> -> memref<128x128xf32, #tpu.memory_space<hbm>>
        %dma_wait3A_57 = arith.constant 0 : i32
        %dma_wait3A_58 = tpu.memref_slice %arg7[%add3A_52, %dma_wait3A_57] : memref<20480x128xf32, #tpu.memory_space<hbm>> -> memref<128x128xf32, #tpu.memory_space<hbm>>
        tpu.wait_dma2 semaphore(%run_scoped3A : memref<!tpu.dma_semaphore, #tpu.memory_space<semaphore_mem>>) src(%arg11 : memref<128x128xf32, #tpu.memory_space<vmem>>) dst(%dma_wait3A_58 : memref<128x128xf32, #tpu.memory_space<hbm>>)
        tpu.yield
      }) : () -> ()
    }
    %scan3A_25 = arith.constant 5 : i32
    "tpu.region"() ({
      %run_scoped3A = tpu.sem_alloc : memref<!tpu.dma_semaphore, #tpu.memory_space<semaphore_mem>>
      tpu.enqueue_dma source(%arg5 : memref<128x128xf32, #tpu.memory_space<hbm>>) target(%arg11 : memref<128x128xf32, #tpu.memory_space<vmem>>) target_semaphore(%run_scoped3A : memref<!tpu.dma_semaphore, #tpu.memory_space<semaphore_mem>>)
      tpu.wait_dma2 semaphore(%run_scoped3A : memref<!tpu.dma_semaphore, #tpu.memory_space<semaphore_mem>>) src(%arg5 : memref<128x128xf32, #tpu.memory_space<hbm>>) dst(%arg11 : memref<128x128xf32, #tpu.memory_space<vmem>>)
      tpu.yield
    }) : () -> ()
    %scan3A_26 = arith.constant 0 : i32
    %scan3A_27 = arith.constant 0 : i32
    %scan3A_28 = arith.constant 5 : i32
    %scan3A_29 = arith.addi %scan3A_27, %scan3A_28 : i32
    %scan3A_30 = arith.constant 1 : i32
    scf.for %scan3A_46 = %scan3A_27 to %scan3A_29 step %scan3A_30  : i32 {
      %mul3A_47 = arith.constant 128 : i32
      %mul3A_48 = arith.muli %scan3A_46, %mul3A_47 : i32
      %add3A_49 = arith.addi %mul3A_2, %mul3A_48 : i32
      "tpu.region"() ({
        %run_scoped3A = tpu.sem_alloc : memref<!tpu.dma_semaphore, #tpu.memory_space<semaphore_mem>>
        %dma_start3A = arith.constant 0 : i32
        %dma_start3A_50 = tpu.memref_slice %arg15[%add3A_49, %dma_start3A] : memref<10240x128xf32, #tpu.memory_space<vmem_shared>> -> memref<128x128xf32, #tpu.memory_space<vmem_shared>>
        %dma_start3A_51 = arith.constant 0 : i32
        %dma_start3A_52 = tpu.memref_slice %arg15[%add3A_49, %dma_start3A_51] : memref<10240x128xf32, #tpu.memory_space<vmem_shared>> -> memref<128x128xf32, #tpu.memory_space<vmem_shared>>
        tpu.enqueue_dma source(%arg11 : memref<128x128xf32, #tpu.memory_space<vmem>>) target(%dma_start3A_52 : memref<128x128xf32, #tpu.memory_space<vmem_shared>>) target_semaphore(%run_scoped3A : memref<!tpu.dma_semaphore, #tpu.memory_space<semaphore_mem>>)
        %dma_wait3A = arith.constant 0 : i32
        %dma_wait3A_53 = tpu.memref_slice %arg15[%add3A_49, %dma_wait3A] : memref<10240x128xf32, #tpu.memory_space<vmem_shared>> -> memref<128x128xf32, #tpu.memory_space<vmem_shared>>
        %dma_wait3A_54 = arith.constant 0 : i32
        %dma_wait3A_55 = tpu.memref_slice %arg15[%add3A_49, %dma_wait3A_54] : memref<10240x128xf32, #tpu.memory_space<vmem_shared>> -> memref<128x128xf32, #tpu.memory_space<vmem_shared>>
        tpu.wait_dma2 semaphore(%run_scoped3A : memref<!tpu.dma_semaphore, #tpu.memory_space<semaphore_mem>>) src(%arg11 : memref<128x128xf32, #tpu.memory_space<vmem>>) dst(%dma_wait3A_55 : memref<128x128xf32, #tpu.memory_space<vmem_shared>>)
        tpu.yield
      }) : () -> ()
    }
    %scan3A_31 = arith.constant 5 : i32
    %barrier3A_32 = arith.constant 0 : index
    tpu.barrier barrier_id(%barrier3A_32)
    "tpu.region"() ({
      %run_scoped3A = tpu.sem_alloc : memref<!tpu.dma_semaphore, #tpu.memory_space<semaphore_mem>>
      tpu.enqueue_dma source(%arg6 : memref<128x128xf32, #tpu.memory_space<hbm>>) target(%arg11 : memref<128x128xf32, #tpu.memory_space<vmem>>) target_semaphore(%run_scoped3A : memref<!tpu.dma_semaphore, #tpu.memory_space<semaphore_mem>>)
      tpu.wait_dma2 semaphore(%run_scoped3A : memref<!tpu.dma_semaphore, #tpu.memory_space<semaphore_mem>>) src(%arg6 : memref<128x128xf32, #tpu.memory_space<hbm>>) dst(%arg11 : memref<128x128xf32, #tpu.memory_space<vmem>>)
      tpu.yield
    }) : () -> ()
    %scan3A_33 = arith.constant 0 : i32
    %scan3A_34 = arith.constant 0 : i32
    %scan3A_35 = arith.constant 10 : i32
    %scan3A_36 = arith.addi %scan3A_34, %scan3A_35 : i32
    %scan3A_37 = arith.constant 1 : i32
    scf.for %scan3A_46 = %scan3A_34 to %scan3A_36 step %scan3A_37  : i32 {
      %mul3A_47 = arith.constant 8 : i32
      %mul3A_48 = arith.muli %scan3A_46, %mul3A_47 : i32
      %add3A_49 = arith.addi %mul3A_9, %mul3A_48 : i32
      "tpu.region"() ({
        %run_scoped3A = tpu.sem_alloc : memref<!tpu.dma_semaphore, #tpu.memory_space<semaphore_mem>>
        %dma_start3A_160 = arith.constant 0 : i32
        %dma_start3A_161 = tpu.memref_slice %arg4[%add3A_49, %dma_start3A_160] : memref<2560x128xi32, #tpu.memory_space<hbm>> -> memref<8x128xi32, #tpu.memory_space<hbm>>
        %dma_start3A_162 = arith.constant 0 : i32
        %dma_start3A_163 = tpu.memref_slice %arg4[%add3A_49, %dma_start3A_162] : memref<2560x128xi32, #tpu.memory_space<hbm>> -> memref<8x128xi32, #tpu.memory_space<hbm>>
        tpu.enqueue_dma source(%dma_start3A_163 : memref<8x128xi32, #tpu.memory_space<hbm>>) target(%arg10 : memref<8x128xi32, #tpu.memory_space<vmem>>) target_semaphore(%run_scoped3A : memref<!tpu.dma_semaphore, #tpu.memory_space<semaphore_mem>>)
        %dma_wait3A_164 = arith.constant 0 : i32
        %dma_wait3A_165 = tpu.memref_slice %arg4[%add3A_49, %dma_wait3A_164] : memref<2560x128xi32, #tpu.memory_space<hbm>> -> memref<8x128xi32, #tpu.memory_space<hbm>>
        %dma_wait3A_166 = arith.constant 0 : i32
        %dma_wait3A_167 = tpu.memref_slice %arg4[%add3A_49, %dma_wait3A_166] : memref<2560x128xi32, #tpu.memory_space<hbm>> -> memref<8x128xi32, #tpu.memory_space<hbm>>
        tpu.wait_dma2 semaphore(%run_scoped3A : memref<!tpu.dma_semaphore, #tpu.memory_space<semaphore_mem>>) src(%dma_wait3A_167 : memref<8x128xi32, #tpu.memory_space<hbm>>) dst(%arg10 : memref<8x128xi32, #tpu.memory_space<vmem>>)
        tpu.yield
      }) : () -> ()
      %dma_start3A = arith.constant 0 : i32
      %dma_start3A_50 = arith.constant 0 : i32
      %dma_start3A_51 = tpu.memref_slice %arg10[%dma_start3A, %dma_start3A_50] : memref<8x128xi32, #tpu.memory_space<vmem>> -> memref<1x128xi32, #tpu.memory_space<vmem>>
      %dma_start3A_52 = tpu.memref_squeeze %dma_start3A_51 : memref<1x128xi32, #tpu.memory_space<vmem>> -> memref<128xi32, #tpu.memory_space<vmem>>
      %dma_start3A_53 = arith.constant 0 : i32
      %dma_start3A_54 = arith.constant 0 : i32
      %dma_start3A_55 = tpu.memref_slice %arg15[%dma_start3A_53, %dma_start3A_54] : memref<10240x128xf32, #tpu.memory_space<vmem_shared>> -> memref<10240x128xf32, #tpu.memory_space<vmem_shared>>
      tpu.enqueue_indirect_dma source(%arg11 : memref<128x128xf32, #tpu.memory_space<vmem>>) target(%dma_start3A_55 : memref<10240x128xf32, #tpu.memory_space<vmem_shared>>) offsets(%dma_start3A_52 : memref<128xi32, #tpu.memory_space<vmem>>) semaphore(%arg14 : memref<!tpu.dma_semaphore, #tpu.memory_space<semaphore_mem>>) {add = true}
      %dma_start3A_56 = arith.constant 1 : i32
      %dma_start3A_57 = arith.constant 0 : i32
      %dma_start3A_58 = tpu.memref_slice %arg10[%dma_start3A_56, %dma_start3A_57] : memref<8x128xi32, #tpu.memory_space<vmem>> -> memref<1x128xi32, #tpu.memory_space<vmem>>
      %dma_start3A_59 = tpu.memref_squeeze %dma_start3A_58 : memref<1x128xi32, #tpu.memory_space<vmem>> -> memref<128xi32, #tpu.memory_space<vmem>>
      %dma_start3A_60 = arith.constant 0 : i32
      %dma_start3A_61 = arith.constant 0 : i32
      %dma_start3A_62 = tpu.memref_slice %arg15[%dma_start3A_60, %dma_start3A_61] : memref<10240x128xf32, #tpu.memory_space<vmem_shared>> -> memref<10240x128xf32, #tpu.memory_space<vmem_shared>>
      tpu.enqueue_indirect_dma source(%arg11 : memref<128x128xf32, #tpu.memory_space<vmem>>) target(%dma_start3A_62 : memref<10240x128xf32, #tpu.memory_space<vmem_shared>>) offsets(%dma_start3A_59 : memref<128xi32, #tpu.memory_space<vmem>>) semaphore(%arg14 : memref<!tpu.dma_semaphore, #tpu.memory_space<semaphore_mem>>) {add = true}
      %dma_start3A_63 = arith.constant 2 : i32
      %dma_start3A_64 = arith.constant 0 : i32
      %dma_start3A_65 = tpu.memref_slice %arg10[%dma_start3A_63, %dma_start3A_64] : memref<8x128xi32, #tpu.memory_space<vmem>> -> memref<1x128xi32, #tpu.memory_space<vmem>>
      %dma_start3A_66 = tpu.memref_squeeze %dma_start3A_65 : memref<1x128xi32, #tpu.memory_space<vmem>> -> memref<128xi32, #tpu.memory_space<vmem>>
      %dma_start3A_67 = arith.constant 0 : i32
      %dma_start3A_68 = arith.constant 0 : i32
      %dma_start3A_69 = tpu.memref_slice %arg15[%dma_start3A_67, %dma_start3A_68] : memref<10240x128xf32, #tpu.memory_space<vmem_shared>> -> memref<10240x128xf32, #tpu.memory_space<vmem_shared>>
      tpu.enqueue_indirect_dma source(%arg11 : memref<128x128xf32, #tpu.memory_space<vmem>>) target(%dma_start3A_69 : memref<10240x128xf32, #tpu.memory_space<vmem_shared>>) offsets(%dma_start3A_66 : memref<128xi32, #tpu.memory_space<vmem>>) semaphore(%arg14 : memref<!tpu.dma_semaphore, #tpu.memory_space<semaphore_mem>>) {add = true}
      %dma_start3A_70 = arith.constant 3 : i32
      %dma_start3A_71 = arith.constant 0 : i32
      %dma_start3A_72 = tpu.memref_slice %arg10[%dma_start3A_70, %dma_start3A_71] : memref<8x128xi32, #tpu.memory_space<vmem>> -> memref<1x128xi32, #tpu.memory_space<vmem>>
      %dma_start3A_73 = tpu.memref_squeeze %dma_start3A_72 : memref<1x128xi32, #tpu.memory_space<vmem>> -> memref<128xi32, #tpu.memory_space<vmem>>
      %dma_start3A_74 = arith.constant 0 : i32
      %dma_start3A_75 = arith.constant 0 : i32
      %dma_start3A_76 = tpu.memref_slice %arg15[%dma_start3A_74, %dma_start3A_75] : memref<10240x128xf32, #tpu.memory_space<vmem_shared>> -> memref<10240x128xf32, #tpu.memory_space<vmem_shared>>
      tpu.enqueue_indirect_dma source(%arg11 : memref<128x128xf32, #tpu.memory_space<vmem>>) target(%dma_start3A_76 : memref<10240x128xf32, #tpu.memory_space<vmem_shared>>) offsets(%dma_start3A_73 : memref<128xi32, #tpu.memory_space<vmem>>) semaphore(%arg14 : memref<!tpu.dma_semaphore, #tpu.memory_space<semaphore_mem>>) {add = true}
      %dma_start3A_77 = arith.constant 4 : i32
      %dma_start3A_78 = arith.constant 0 : i32
      %dma_start3A_79 = tpu.memref_slice %arg10[%dma_start3A_77, %dma_start3A_78] : memref<8x128xi32, #tpu.memory_space<vmem>> -> memref<1x128xi32, #tpu.memory_space<vmem>>
      %dma_start3A_80 = tpu.memref_squeeze %dma_start3A_79 : memref<1x128xi32, #tpu.memory_space<vmem>> -> memref<128xi32, #tpu.memory_space<vmem>>
      %dma_start3A_81 = arith.constant 0 : i32
      %dma_start3A_82 = arith.constant 0 : i32
      %dma_start3A_83 = tpu.memref_slice %arg15[%dma_start3A_81, %dma_start3A_82] : memref<10240x128xf32, #tpu.memory_space<vmem_shared>> -> memref<10240x128xf32, #tpu.memory_space<vmem_shared>>
      tpu.enqueue_indirect_dma source(%arg11 : memref<128x128xf32, #tpu.memory_space<vmem>>) target(%dma_start3A_83 : memref<10240x128xf32, #tpu.memory_space<vmem_shared>>) offsets(%dma_start3A_80 : memref<128xi32, #tpu.memory_space<vmem>>) semaphore(%arg14 : memref<!tpu.dma_semaphore, #tpu.memory_space<semaphore_mem>>) {add = true}
      %dma_start3A_84 = arith.constant 5 : i32
      %dma_start3A_85 = arith.constant 0 : i32
      %dma_start3A_86 = tpu.memref_slice %arg10[%dma_start3A_84, %dma_start3A_85] : memref<8x128xi32, #tpu.memory_space<vmem>> -> memref<1x128xi32, #tpu.memory_space<vmem>>
      %dma_start3A_87 = tpu.memref_squeeze %dma_start3A_86 : memref<1x128xi32, #tpu.memory_space<vmem>> -> memref<128xi32, #tpu.memory_space<vmem>>
      %dma_start3A_88 = arith.constant 0 : i32
      %dma_start3A_89 = arith.constant 0 : i32
      %dma_start3A_90 = tpu.memref_slice %arg15[%dma_start3A_88, %dma_start3A_89] : memref<10240x128xf32, #tpu.memory_space<vmem_shared>> -> memref<10240x128xf32, #tpu.memory_space<vmem_shared>>
      tpu.enqueue_indirect_dma source(%arg11 : memref<128x128xf32, #tpu.memory_space<vmem>>) target(%dma_start3A_90 : memref<10240x128xf32, #tpu.memory_space<vmem_shared>>) offsets(%dma_start3A_87 : memref<128xi32, #tpu.memory_space<vmem>>) semaphore(%arg14 : memref<!tpu.dma_semaphore, #tpu.memory_space<semaphore_mem>>) {add = true}
      %dma_start3A_91 = arith.constant 6 : i32
      %dma_start3A_92 = arith.constant 0 : i32
      %dma_start3A_93 = tpu.memref_slice %arg10[%dma_start3A_91, %dma_start3A_92] : memref<8x128xi32, #tpu.memory_space<vmem>> -> memref<1x128xi32, #tpu.memory_space<vmem>>
      %dma_start3A_94 = tpu.memref_squeeze %dma_start3A_93 : memref<1x128xi32, #tpu.memory_space<vmem>> -> memref<128xi32, #tpu.memory_space<vmem>>
      %dma_start3A_95 = arith.constant 0 : i32
      %dma_start3A_96 = arith.constant 0 : i32
      %dma_start3A_97 = tpu.memref_slice %arg15[%dma_start3A_95, %dma_start3A_96] : memref<10240x128xf32, #tpu.memory_space<vmem_shared>> -> memref<10240x128xf32, #tpu.memory_space<vmem_shared>>
      tpu.enqueue_indirect_dma source(%arg11 : memref<128x128xf32, #tpu.memory_space<vmem>>) target(%dma_start3A_97 : memref<10240x128xf32, #tpu.memory_space<vmem_shared>>) offsets(%dma_start3A_94 : memref<128xi32, #tpu.memory_space<vmem>>) semaphore(%arg14 : memref<!tpu.dma_semaphore, #tpu.memory_space<semaphore_mem>>) {add = true}
      %dma_start3A_98 = arith.constant 7 : i32
      %dma_start3A_99 = arith.constant 0 : i32
      %dma_start3A_100 = tpu.memref_slice %arg10[%dma_start3A_98, %dma_start3A_99] : memref<8x128xi32, #tpu.memory_space<vmem>> -> memref<1x128xi32, #tpu.memory_space<vmem>>
      %dma_start3A_101 = tpu.memref_squeeze %dma_start3A_100 : memref<1x128xi32, #tpu.memory_space<vmem>> -> memref<128xi32, #tpu.memory_space<vmem>>
      %dma_start3A_102 = arith.constant 0 : i32
      %dma_start3A_103 = arith.constant 0 : i32
      %dma_start3A_104 = tpu.memref_slice %arg15[%dma_start3A_102, %dma_start3A_103] : memref<10240x128xf32, #tpu.memory_space<vmem_shared>> -> memref<10240x128xf32, #tpu.memory_space<vmem_shared>>
      tpu.enqueue_indirect_dma source(%arg11 : memref<128x128xf32, #tpu.memory_space<vmem>>) target(%dma_start3A_104 : memref<10240x128xf32, #tpu.memory_space<vmem_shared>>) offsets(%dma_start3A_101 : memref<128xi32, #tpu.memory_space<vmem>>) semaphore(%arg14 : memref<!tpu.dma_semaphore, #tpu.memory_space<semaphore_mem>>) {add = true}
      %dma_wait3A = arith.constant 0 : i32
      %dma_wait3A_105 = arith.constant 0 : i32
      %dma_wait3A_106 = tpu.memref_slice %arg10[%dma_wait3A, %dma_wait3A_105] : memref<8x128xi32, #tpu.memory_space<vmem>> -> memref<1x128xi32, #tpu.memory_space<vmem>>
      %dma_wait3A_107 = tpu.memref_squeeze %dma_wait3A_106 : memref<1x128xi32, #tpu.memory_space<vmem>> -> memref<128xi32, #tpu.memory_space<vmem>>
      %dma_wait3A_108 = arith.constant 0 : i32
      %dma_wait3A_109 = arith.constant 0 : i32
      %dma_wait3A_110 = tpu.memref_slice %arg15[%dma_wait3A_108, %dma_wait3A_109] : memref<10240x128xf32, #tpu.memory_space<vmem_shared>> -> memref<10240x128xf32, #tpu.memory_space<vmem_shared>>
      tpu.wait_indirect_dma semaphore(%arg14 : memref<!tpu.dma_semaphore, #tpu.memory_space<semaphore_mem>>) src(%arg11 : memref<128x128xf32, #tpu.memory_space<vmem>>) dst(%dma_wait3A_110 : memref<10240x128xf32, #tpu.memory_space<vmem_shared>>)
      %dma_wait3A_111 = arith.constant 1 : i32
      %dma_wait3A_112 = arith.constant 0 : i32
      %dma_wait3A_113 = tpu.memref_slice %arg10[%dma_wait3A_111, %dma_wait3A_112] : memref<8x128xi32, #tpu.memory_space<vmem>> -> memref<1x128xi32, #tpu.memory_space<vmem>>
      %dma_wait3A_114 = tpu.memref_squeeze %dma_wait3A_113 : memref<1x128xi32, #tpu.memory_space<vmem>> -> memref<128xi32, #tpu.memory_space<vmem>>
      %dma_wait3A_115 = arith.constant 0 : i32
      %dma_wait3A_116 = arith.constant 0 : i32
      %dma_wait3A_117 = tpu.memref_slice %arg15[%dma_wait3A_115, %dma_wait3A_116] : memref<10240x128xf32, #tpu.memory_space<vmem_shared>> -> memref<10240x128xf32, #tpu.memory_space<vmem_shared>>
      tpu.wait_indirect_dma semaphore(%arg14 : memref<!tpu.dma_semaphore, #tpu.memory_space<semaphore_mem>>) src(%arg11 : memref<128x128xf32, #tpu.memory_space<vmem>>) dst(%dma_wait3A_117 : memref<10240x128xf32, #tpu.memory_space<vmem_shared>>)
      %dma_wait3A_118 = arith.constant 2 : i32
      %dma_wait3A_119 = arith.constant 0 : i32
      %dma_wait3A_120 = tpu.memref_slice %arg10[%dma_wait3A_118, %dma_wait3A_119] : memref<8x128xi32, #tpu.memory_space<vmem>> -> memref<1x128xi32, #tpu.memory_space<vmem>>
      %dma_wait3A_121 = tpu.memref_squeeze %dma_wait3A_120 : memref<1x128xi32, #tpu.memory_space<vmem>> -> memref<128xi32, #tpu.memory_space<vmem>>
      %dma_wait3A_122 = arith.constant 0 : i32
      %dma_wait3A_123 = arith.constant 0 : i32
      %dma_wait3A_124 = tpu.memref_slice %arg15[%dma_wait3A_122, %dma_wait3A_123] : memref<10240x128xf32, #tpu.memory_space<vmem_shared>> -> memref<10240x128xf32, #tpu.memory_space<vmem_shared>>
      tpu.wait_indirect_dma semaphore(%arg14 : memref<!tpu.dma_semaphore, #tpu.memory_space<semaphore_mem>>) src(%arg11 : memref<128x128xf32, #tpu.memory_space<vmem>>) dst(%dma_wait3A_124 : memref<10240x128xf32, #tpu.memory_space<vmem_shared>>)
      %dma_wait3A_125 = arith.constant 3 : i32
      %dma_wait3A_126 = arith.constant 0 : i32
      %dma_wait3A_127 = tpu.memref_slice %arg10[%dma_wait3A_125, %dma_wait3A_126] : memref<8x128xi32, #tpu.memory_space<vmem>> -> memref<1x128xi32, #tpu.memory_space<vmem>>
      %dma_wait3A_128 = tpu.memref_squeeze %dma_wait3A_127 : memref<1x128xi32, #tpu.memory_space<vmem>> -> memref<128xi32, #tpu.memory_space<vmem>>
      %dma_wait3A_129 = arith.constant 0 : i32
      %dma_wait3A_130 = arith.constant 0 : i32
      %dma_wait3A_131 = tpu.memref_slice %arg15[%dma_wait3A_129, %dma_wait3A_130] : memref<10240x128xf32, #tpu.memory_space<vmem_shared>> -> memref<10240x128xf32, #tpu.memory_space<vmem_shared>>
      tpu.wait_indirect_dma semaphore(%arg14 : memref<!tpu.dma_semaphore, #tpu.memory_space<semaphore_mem>>) src(%arg11 : memref<128x128xf32, #tpu.memory_space<vmem>>) dst(%dma_wait3A_131 : memref<10240x128xf32, #tpu.memory_space<vmem_shared>>)
      %dma_wait3A_132 = arith.constant 4 : i32
      %dma_wait3A_133 = arith.constant 0 : i32
      %dma_wait3A_134 = tpu.memref_slice %arg10[%dma_wait3A_132, %dma_wait3A_133] : memref<8x128xi32, #tpu.memory_space<vmem>> -> memref<1x128xi32, #tpu.memory_space<vmem>>
      %dma_wait3A_135 = tpu.memref_squeeze %dma_wait3A_134 : memref<1x128xi32, #tpu.memory_space<vmem>> -> memref<128xi32, #tpu.memory_space<vmem>>
      %dma_wait3A_136 = arith.constant 0 : i32
      %dma_wait3A_137 = arith.constant 0 : i32
      %dma_wait3A_138 = tpu.memref_slice %arg15[%dma_wait3A_136, %dma_wait3A_137] : memref<10240x128xf32, #tpu.memory_space<vmem_shared>> -> memref<10240x128xf32, #tpu.memory_space<vmem_shared>>
      tpu.wait_indirect_dma semaphore(%arg14 : memref<!tpu.dma_semaphore, #tpu.memory_space<semaphore_mem>>) src(%arg11 : memref<128x128xf32, #tpu.memory_space<vmem>>) dst(%dma_wait3A_138 : memref<10240x128xf32, #tpu.memory_space<vmem_shared>>)
      %dma_wait3A_139 = arith.constant 5 : i32
      %dma_wait3A_140 = arith.constant 0 : i32
      %dma_wait3A_141 = tpu.memref_slice %arg10[%dma_wait3A_139, %dma_wait3A_140] : memref<8x128xi32, #tpu.memory_space<vmem>> -> memref<1x128xi32, #tpu.memory_space<vmem>>
      %dma_wait3A_142 = tpu.memref_squeeze %dma_wait3A_141 : memref<1x128xi32, #tpu.memory_space<vmem>> -> memref<128xi32, #tpu.memory_space<vmem>>
      %dma_wait3A_143 = arith.constant 0 : i32
      %dma_wait3A_144 = arith.constant 0 : i32
      %dma_wait3A_145 = tpu.memref_slice %arg15[%dma_wait3A_143, %dma_wait3A_144] : memref<10240x128xf32, #tpu.memory_space<vmem_shared>> -> memref<10240x128xf32, #tpu.memory_space<vmem_shared>>
      tpu.wait_indirect_dma semaphore(%arg14 : memref<!tpu.dma_semaphore, #tpu.memory_space<semaphore_mem>>) src(%arg11 : memref<128x128xf32, #tpu.memory_space<vmem>>) dst(%dma_wait3A_145 : memref<10240x128xf32, #tpu.memory_space<vmem_shared>>)
      %dma_wait3A_146 = arith.constant 6 : i32
      %dma_wait3A_147 = arith.constant 0 : i32
      %dma_wait3A_148 = tpu.memref_slice %arg10[%dma_wait3A_146, %dma_wait3A_147] : memref<8x128xi32, #tpu.memory_space<vmem>> -> memref<1x128xi32, #tpu.memory_space<vmem>>
      %dma_wait3A_149 = tpu.memref_squeeze %dma_wait3A_148 : memref<1x128xi32, #tpu.memory_space<vmem>> -> memref<128xi32, #tpu.memory_space<vmem>>
      %dma_wait3A_150 = arith.constant 0 : i32
      %dma_wait3A_151 = arith.constant 0 : i32
      %dma_wait3A_152 = tpu.memref_slice %arg15[%dma_wait3A_150, %dma_wait3A_151] : memref<10240x128xf32, #tpu.memory_space<vmem_shared>> -> memref<10240x128xf32, #tpu.memory_space<vmem_shared>>
      tpu.wait_indirect_dma semaphore(%arg14 : memref<!tpu.dma_semaphore, #tpu.memory_space<semaphore_mem>>) src(%arg11 : memref<128x128xf32, #tpu.memory_space<vmem>>) dst(%dma_wait3A_152 : memref<10240x128xf32, #tpu.memory_space<vmem_shared>>)
      %dma_wait3A_153 = arith.constant 7 : i32
      %dma_wait3A_154 = arith.constant 0 : i32
      %dma_wait3A_155 = tpu.memref_slice %arg10[%dma_wait3A_153, %dma_wait3A_154] : memref<8x128xi32, #tpu.memory_space<vmem>> -> memref<1x128xi32, #tpu.memory_space<vmem>>
      %dma_wait3A_156 = tpu.memref_squeeze %dma_wait3A_155 : memref<1x128xi32, #tpu.memory_space<vmem>> -> memref<128xi32, #tpu.memory_space<vmem>>
      %dma_wait3A_157 = arith.constant 0 : i32
      %dma_wait3A_158 = arith.constant 0 : i32
      %dma_wait3A_159 = tpu.memref_slice %arg15[%dma_wait3A_157, %dma_wait3A_158] : memref<10240x128xf32, #tpu.memory_space<vmem_shared>> -> memref<10240x128xf32, #tpu.memory_space<vmem_shared>>
      tpu.wait_indirect_dma semaphore(%arg14 : memref<!tpu.dma_semaphore, #tpu.memory_space<semaphore_mem>>) src(%arg11 : memref<128x128xf32, #tpu.memory_space<vmem>>) dst(%dma_wait3A_159 : memref<10240x128xf32, #tpu.memory_space<vmem_shared>>)
    }
    %scan3A_38 = arith.constant 10 : i32
    %barrier3A_39 = arith.constant 0 : index
    tpu.barrier barrier_id(%barrier3A_39)
    %scan3A_40 = arith.constant 0 : i32
    %scan3A_41 = arith.constant 0 : i32
    %scan3A_42 = arith.constant 5 : i32
    %scan3A_43 = arith.addi %scan3A_41, %scan3A_42 : i32
    %scan3A_44 = arith.constant 1 : i32
    scf.for %scan3A_46 = %scan3A_41 to %scan3A_43 step %scan3A_44  : i32 {
      %mul3A_47 = arith.constant 128 : i32
      %mul3A_48 = arith.muli %scan3A_46, %mul3A_47 : i32
      %add3A_49 = arith.addi %mul3A_2, %mul3A_48 : i32
      "tpu.region"() ({
        %run_scoped3A = tpu.sem_alloc : memref<!tpu.dma_semaphore, #tpu.memory_space<semaphore_mem>>
        %dma_start3A = arith.constant 0 : i32
        %dma_start3A_53 = tpu.memref_slice %arg15[%add3A_49, %dma_start3A] : memref<10240x128xf32, #tpu.memory_space<vmem_shared>> -> memref<128x128xf32, #tpu.memory_space<vmem_shared>>
        %dma_start3A_54 = arith.constant 0 : i32
        %dma_start3A_55 = tpu.memref_slice %arg15[%add3A_49, %dma_start3A_54] : memref<10240x128xf32, #tpu.memory_space<vmem_shared>> -> memref<128x128xf32, #tpu.memory_space<vmem_shared>>
        tpu.enqueue_dma source(%dma_start3A_55 : memref<128x128xf32, #tpu.memory_space<vmem_shared>>) target(%arg11 : memref<128x128xf32, #tpu.memory_space<vmem>>) target_semaphore(%run_scoped3A : memref<!tpu.dma_semaphore, #tpu.memory_space<semaphore_mem>>)
        %dma_wait3A = arith.constant 0 : i32
        %dma_wait3A_56 = tpu.memref_slice %arg15[%add3A_49, %dma_wait3A] : memref<10240x128xf32, #tpu.memory_space<vmem_shared>> -> memref<128x128xf32, #tpu.memory_space<vmem_shared>>
        %dma_wait3A_57 = arith.constant 0 : i32
        %dma_wait3A_58 = tpu.memref_slice %arg15[%add3A_49, %dma_wait3A_57] : memref<10240x128xf32, #tpu.memory_space<vmem_shared>> -> memref<128x128xf32, #tpu.memory_space<vmem_shared>>
        tpu.wait_dma2 semaphore(%run_scoped3A : memref<!tpu.dma_semaphore, #tpu.memory_space<semaphore_mem>>) src(%dma_wait3A_58 : memref<128x128xf32, #tpu.memory_space<vmem_shared>>) dst(%arg11 : memref<128x128xf32, #tpu.memory_space<vmem>>)
        tpu.yield
      }) : () -> ()
      %mul3A_50 = arith.constant 128 : i32
      %mul3A_51 = arith.muli %scan3A_46, %mul3A_50 : i32
      %add3A_52 = arith.addi %add3A_19, %mul3A_51 : i32
      "tpu.region"() ({
        %run_scoped3A = tpu.sem_alloc : memref<!tpu.dma_semaphore, #tpu.memory_space<semaphore_mem>>
        %dma_start3A = arith.constant 0 : i32
        %dma_start3A_53 = tpu.memref_slice %arg8[%add3A_52, %dma_start3A] : memref<20480x128xf32, #tpu.memory_space<hbm>> -> memref<128x128xf32, #tpu.memory_space<hbm>>
        %dma_start3A_54 = arith.constant 0 : i32
        %dma_start3A_55 = tpu.memref_slice %arg8[%add3A_52, %dma_start3A_54] : memref<20480x128xf32, #tpu.memory_space<hbm>> -> memref<128x128xf32, #tpu.memory_space<hbm>>
        tpu.enqueue_dma source(%arg11 : memref<128x128xf32, #tpu.memory_space<vmem>>) target(%dma_start3A_55 : memref<128x128xf32, #tpu.memory_space<hbm>>) target_semaphore(%run_scoped3A : memref<!tpu.dma_semaphore, #tpu.memory_space<semaphore_mem>>)
        %dma_wait3A = arith.constant 0 : i32
        %dma_wait3A_56 = tpu.memref_slice %arg8[%add3A_52, %dma_wait3A] : memref<20480x128xf32, #tpu.memory_space<hbm>> -> memref<128x128xf32, #tpu.memory_space<hbm>>
        %dma_wait3A_57 = arith.constant 0 : i32
        %dma_wait3A_58 = tpu.memref_slice %arg8[%add3A_52, %dma_wait3A_57] : memref<20480x128xf32, #tpu.memory_space<hbm>> -> memref<128x128xf32, #tpu.memory_space<hbm>>
        tpu.wait_dma2 semaphore(%run_scoped3A : memref<!tpu.dma_semaphore, #tpu.memory_space<semaphore_mem>>) src(%arg11 : memref<128x128xf32, #tpu.memory_space<vmem>>) dst(%dma_wait3A_58 : memref<128x128xf32, #tpu.memory_space<hbm>>)
        tpu.yield
      }) : () -> ()
    }
    %scan3A_45 = arith.constant 5 : i32
    return
  }
}

#map = affine_map<(d0, d1) -> (0, 0)>
#map1 = affine_map<(d0, d1) -> (0)>
module attributes {stable_mosaic.version = 14 : i64} {
  func.func @_sc_gather_rows(%arg0: i32, %arg1: i32, %arg2: memref<10240x128xf32, #tpu.memory_space<hbm>>, %arg3: memref<40960xi32, #tpu.memory_space<hbm>>, %arg4: memref<40960x128xf32, #tpu.memory_space<hbm>>, %arg5: memref<128xi32, #tpu.memory_space<vmem>>, %arg6: memref<128x128xf32, #tpu.memory_space<vmem>>, %arg7: memref<!tpu.dma_semaphore, #tpu.memory_space<semaphore_mem>>) attributes {dimension_semantics = [#tpu.dimension_semantics<core_parallel>, #tpu.dimension_semantics<subcore_parallel>], iteration_bounds = array<i64: 2, 16>, scalar_prefetch = 0 : i64, scratch_operands = 3 : i64, tpu.core_type = #tpu.core_type<sc_vector_subcore>, window_params = [{transform_indices = #map}, {transform_indices = #map1}, {transform_indices = #map}]} {
    %mul3A = arith.constant 2 : i32
    %mul3A_0 = arith.muli %arg1, %mul3A : i32
    %add3A = arith.addi %mul3A_0, %arg0 : i32
    %mul3A_1 = arith.constant 1280 : i32
    %mul3A_2 = arith.muli %add3A, %mul3A_1 : i32
    %scan3A = arith.constant 0 : i32
    %scan3A_3 = arith.constant 0 : i32
    %scan3A_4 = arith.constant 10 : i32
    %scan3A_5 = arith.addi %scan3A_3, %scan3A_4 : i32
    %scan3A_6 = arith.constant 1 : i32
    scf.for %scan3A_8 = %scan3A_3 to %scan3A_5 step %scan3A_6  : i32 {
      %mul3A_9 = arith.constant 128 : i32
      %mul3A_10 = arith.muli %scan3A_8, %mul3A_9 : i32
      %add3A_11 = arith.addi %mul3A_2, %mul3A_10 : i32
      "tpu.region"() ({
        %run_scoped3A = tpu.sem_alloc : memref<!tpu.dma_semaphore, #tpu.memory_space<semaphore_mem>>
        %dma_start3A_16 = tpu.memref_slice %arg3[%add3A_11] : memref<40960xi32, #tpu.memory_space<hbm>> -> memref<128xi32, #tpu.memory_space<hbm>>
        %dma_start3A_17 = tpu.memref_slice %arg3[%add3A_11] : memref<40960xi32, #tpu.memory_space<hbm>> -> memref<128xi32, #tpu.memory_space<hbm>>
        tpu.enqueue_dma source(%dma_start3A_17 : memref<128xi32, #tpu.memory_space<hbm>>) target(%arg5 : memref<128xi32, #tpu.memory_space<vmem>>) target_semaphore(%run_scoped3A : memref<!tpu.dma_semaphore, #tpu.memory_space<semaphore_mem>>)
        %dma_wait3A_18 = tpu.memref_slice %arg3[%add3A_11] : memref<40960xi32, #tpu.memory_space<hbm>> -> memref<128xi32, #tpu.memory_space<hbm>>
        %dma_wait3A_19 = tpu.memref_slice %arg3[%add3A_11] : memref<40960xi32, #tpu.memory_space<hbm>> -> memref<128xi32, #tpu.memory_space<hbm>>
        tpu.wait_dma2 semaphore(%run_scoped3A : memref<!tpu.dma_semaphore, #tpu.memory_space<semaphore_mem>>) src(%dma_wait3A_19 : memref<128xi32, #tpu.memory_space<hbm>>) dst(%arg5 : memref<128xi32, #tpu.memory_space<vmem>>)
        tpu.yield
      }) : () -> ()
      %dma_start3A = arith.constant 0 : i32
      %dma_start3A_12 = arith.constant 0 : i32
      %dma_start3A_13 = tpu.memref_slice %arg2[%dma_start3A, %dma_start3A_12] : memref<10240x128xf32, #tpu.memory_space<hbm>> -> memref<10240x128xf32, #tpu.memory_space<hbm>>
      tpu.enqueue_indirect_dma source(%dma_start3A_13 : memref<10240x128xf32, #tpu.memory_space<hbm>>) target(%arg6 : memref<128x128xf32, #tpu.memory_space<vmem>>) offsets(%arg5 : memref<128xi32, #tpu.memory_space<vmem>>) semaphore(%arg7 : memref<!tpu.dma_semaphore, #tpu.memory_space<semaphore_mem>>)
      %dma_wait3A = arith.constant 0 : i32
      %dma_wait3A_14 = arith.constant 0 : i32
      %dma_wait3A_15 = tpu.memref_slice %arg2[%dma_wait3A, %dma_wait3A_14] : memref<10240x128xf32, #tpu.memory_space<hbm>> -> memref<10240x128xf32, #tpu.memory_space<hbm>>
      tpu.wait_indirect_dma semaphore(%arg7 : memref<!tpu.dma_semaphore, #tpu.memory_space<semaphore_mem>>) src(%dma_wait3A_15 : memref<10240x128xf32, #tpu.memory_space<hbm>>) dst(%arg6 : memref<128x128xf32, #tpu.memory_space<vmem>>)
      "tpu.region"() ({
        %run_scoped3A = tpu.sem_alloc : memref<!tpu.dma_semaphore, #tpu.memory_space<semaphore_mem>>
        %dma_start3A_16 = arith.constant 0 : i32
        %dma_start3A_17 = tpu.memref_slice %arg4[%add3A_11, %dma_start3A_16] : memref<40960x128xf32, #tpu.memory_space<hbm>> -> memref<128x128xf32, #tpu.memory_space<hbm>>
        %dma_start3A_18 = arith.constant 0 : i32
        %dma_start3A_19 = tpu.memref_slice %arg4[%add3A_11, %dma_start3A_18] : memref<40960x128xf32, #tpu.memory_space<hbm>> -> memref<128x128xf32, #tpu.memory_space<hbm>>
        tpu.enqueue_dma source(%arg6 : memref<128x128xf32, #tpu.memory_space<vmem>>) target(%dma_start3A_19 : memref<128x128xf32, #tpu.memory_space<hbm>>) target_semaphore(%run_scoped3A : memref<!tpu.dma_semaphore, #tpu.memory_space<semaphore_mem>>)
        %dma_wait3A_20 = arith.constant 0 : i32
        %dma_wait3A_21 = tpu.memref_slice %arg4[%add3A_11, %dma_wait3A_20] : memref<40960x128xf32, #tpu.memory_space<hbm>> -> memref<128x128xf32, #tpu.memory_space<hbm>>
        %dma_wait3A_22 = arith.constant 0 : i32
        %dma_wait3A_23 = tpu.memref_slice %arg4[%add3A_11, %dma_wait3A_22] : memref<40960x128xf32, #tpu.memory_space<hbm>> -> memref<128x128xf32, #tpu.memory_space<hbm>>
        tpu.wait_dma2 semaphore(%run_scoped3A : memref<!tpu.dma_semaphore, #tpu.memory_space<semaphore_mem>>) src(%arg6 : memref<128x128xf32, #tpu.memory_space<vmem>>) dst(%dma_wait3A_23 : memref<128x128xf32, #tpu.memory_space<hbm>>)
        tpu.yield
      }) : () -> ()
    }
    %scan3A_7 = arith.constant 10 : i32
    return
  }
}

#map = affine_map<(d0, d1) -> (0, 0)>
module attributes {stable_mosaic.version = 14 : i64} {
  func.func @_sc_aggregate(%arg0: i32, %arg1: i32, %arg2: memref<10240x128xf32, #tpu.memory_space<hbm>>, %arg3: memref<2560x128xi32, #tpu.memory_space<hbm>>, %arg4: memref<2560x128xi32, #tpu.memory_space<hbm>>, %arg5: memref<128x128xf32, #tpu.memory_space<hbm>>, %arg6: memref<128x128xf32, #tpu.memory_space<hbm>>, %arg7: memref<20480x128xf32, #tpu.memory_space<hbm>>, %arg8: memref<20480x128xf32, #tpu.memory_space<hbm>>, %arg9: memref<8x128xi32, #tpu.memory_space<vmem>>, %arg10: memref<8x128xi32, #tpu.memory_space<vmem>>, %arg11: memref<128x128xf32, #tpu.memory_space<vmem>>, %arg12: memref<128x128xf32, #tpu.memory_space<vmem>>, %arg13: memref<!tpu.dma_semaphore, #tpu.memory_space<semaphore_mem>>, %arg14: memref<!tpu.dma_semaphore, #tpu.memory_space<semaphore_mem>>, %arg15: memref<10240x128xf32, #tpu.memory_space<vmem_shared>>) attributes {dimension_semantics = [#tpu.dimension_semantics<core_parallel>, #tpu.dimension_semantics<subcore_parallel>], iteration_bounds = array<i64: 2, 16>, scalar_prefetch = 0 : i64, scratch_operands = 7 : i64, tpu.core_type = #tpu.core_type<sc_vector_subcore>, window_params = [{transform_indices = #map}, {transform_indices = #map}, {transform_indices = #map}, {transform_indices = #map}, {transform_indices = #map}, {transform_indices = #map}, {transform_indices = #map}]} {
    %mul3A = arith.constant 2 : i32
    %mul3A_0 = arith.muli %arg1, %mul3A : i32
    %add3A = arith.addi %mul3A_0, %arg0 : i32
    %mul3A_1 = arith.constant 640 : i32
    %mul3A_2 = arith.muli %arg1, %mul3A_1 : i32
    "tpu.region"() ({
      %run_scoped3A = tpu.sem_alloc : memref<!tpu.dma_semaphore, #tpu.memory_space<semaphore_mem>>
      tpu.enqueue_dma source(%arg5 : memref<128x128xf32, #tpu.memory_space<hbm>>) target(%arg11 : memref<128x128xf32, #tpu.memory_space<vmem>>) target_semaphore(%run_scoped3A : memref<!tpu.dma_semaphore, #tpu.memory_space<semaphore_mem>>)
      tpu.wait_dma2 semaphore(%run_scoped3A : memref<!tpu.dma_semaphore, #tpu.memory_space<semaphore_mem>>) src(%arg5 : memref<128x128xf32, #tpu.memory_space<hbm>>) dst(%arg11 : memref<128x128xf32, #tpu.memory_space<vmem>>)
      tpu.yield
    }) : () -> ()
    %scan3A = arith.constant 0 : i32
    %scan3A_3 = arith.constant 0 : i32
    %scan3A_4 = arith.constant 5 : i32
    %scan3A_5 = arith.addi %scan3A_3, %scan3A_4 : i32
    %scan3A_6 = arith.constant 1 : i32
    scf.for %scan3A_46 = %scan3A_3 to %scan3A_5 step %scan3A_6  : i32 {
      %mul3A_47 = arith.constant 128 : i32
      %mul3A_48 = arith.muli %scan3A_46, %mul3A_47 : i32
      %add3A_49 = arith.addi %mul3A_2, %mul3A_48 : i32
      "tpu.region"() ({
        %run_scoped3A = tpu.sem_alloc : memref<!tpu.dma_semaphore, #tpu.memory_space<semaphore_mem>>
        %dma_start3A = arith.constant 0 : i32
        %dma_start3A_50 = tpu.memref_slice %arg15[%add3A_49, %dma_start3A] : memref<10240x128xf32, #tpu.memory_space<vmem_shared>> -> memref<128x128xf32, #tpu.memory_space<vmem_shared>>
        %dma_start3A_51 = arith.constant 0 : i32
        %dma_start3A_52 = tpu.memref_slice %arg15[%add3A_49, %dma_start3A_51] : memref<10240x128xf32, #tpu.memory_space<vmem_shared>> -> memref<128x128xf32, #tpu.memory_space<vmem_shared>>
        tpu.enqueue_dma source(%arg11 : memref<128x128xf32, #tpu.memory_space<vmem>>) target(%dma_start3A_52 : memref<128x128xf32, #tpu.memory_space<vmem_shared>>) target_semaphore(%run_scoped3A : memref<!tpu.dma_semaphore, #tpu.memory_space<semaphore_mem>>)
        %dma_wait3A = arith.constant 0 : i32
        %dma_wait3A_53 = tpu.memref_slice %arg15[%add3A_49, %dma_wait3A] : memref<10240x128xf32, #tpu.memory_space<vmem_shared>> -> memref<128x128xf32, #tpu.memory_space<vmem_shared>>
        %dma_wait3A_54 = arith.constant 0 : i32
        %dma_wait3A_55 = tpu.memref_slice %arg15[%add3A_49, %dma_wait3A_54] : memref<10240x128xf32, #tpu.memory_space<vmem_shared>> -> memref<128x128xf32, #tpu.memory_space<vmem_shared>>
        tpu.wait_dma2 semaphore(%run_scoped3A : memref<!tpu.dma_semaphore, #tpu.memory_space<semaphore_mem>>) src(%arg11 : memref<128x128xf32, #tpu.memory_space<vmem>>) dst(%dma_wait3A_55 : memref<128x128xf32, #tpu.memory_space<vmem_shared>>)
        tpu.yield
      }) : () -> ()
    }
    %scan3A_7 = arith.constant 5 : i32
    %barrier3A = arith.constant 0 : index
    tpu.barrier barrier_id(%barrier3A)
    %mul3A_8 = arith.constant 80 : i32
    %mul3A_9 = arith.muli %add3A, %mul3A_8 : i32
    %scan3A_10 = arith.constant 0 : i32
    %scan3A_11 = arith.constant 0 : i32
    %scan3A_12 = arith.constant 10 : i32
    %scan3A_13 = arith.addi %scan3A_11, %scan3A_12 : i32
    %scan3A_14 = arith.constant 1 : i32
    scf.for %scan3A_46 = %scan3A_11 to %scan3A_13 step %scan3A_14  : i32 {
      %mul3A_47 = arith.constant 8 : i32
      %mul3A_48 = arith.muli %scan3A_46, %mul3A_47 : i32
      %add3A_49 = arith.addi %mul3A_9, %mul3A_48 : i32
      "tpu.region"() ({
        %run_scoped3A_167 = tpu.sem_alloc : memref<!tpu.dma_semaphore, #tpu.memory_space<semaphore_mem>>
        %dma_start3A_168 = arith.constant 0 : i32
        %dma_start3A_169 = tpu.memref_slice %arg3[%add3A_49, %dma_start3A_168] : memref<2560x128xi32, #tpu.memory_space<hbm>> -> memref<8x128xi32, #tpu.memory_space<hbm>>
        %dma_start3A_170 = arith.constant 0 : i32
        %dma_start3A_171 = tpu.memref_slice %arg3[%add3A_49, %dma_start3A_170] : memref<2560x128xi32, #tpu.memory_space<hbm>> -> memref<8x128xi32, #tpu.memory_space<hbm>>
        tpu.enqueue_dma source(%dma_start3A_171 : memref<8x128xi32, #tpu.memory_space<hbm>>) target(%arg9 : memref<8x128xi32, #tpu.memory_space<vmem>>) target_semaphore(%run_scoped3A_167 : memref<!tpu.dma_semaphore, #tpu.memory_space<semaphore_mem>>)
        %dma_wait3A_172 = arith.constant 0 : i32
        %dma_wait3A_173 = tpu.memref_slice %arg3[%add3A_49, %dma_wait3A_172] : memref<2560x128xi32, #tpu.memory_space<hbm>> -> memref<8x128xi32, #tpu.memory_space<hbm>>
        %dma_wait3A_174 = arith.constant 0 : i32
        %dma_wait3A_175 = tpu.memref_slice %arg3[%add3A_49, %dma_wait3A_174] : memref<2560x128xi32, #tpu.memory_space<hbm>> -> memref<8x128xi32, #tpu.memory_space<hbm>>
        tpu.wait_dma2 semaphore(%run_scoped3A_167 : memref<!tpu.dma_semaphore, #tpu.memory_space<semaphore_mem>>) src(%dma_wait3A_175 : memref<8x128xi32, #tpu.memory_space<hbm>>) dst(%arg9 : memref<8x128xi32, #tpu.memory_space<vmem>>)
        tpu.yield
      }) : () -> ()
      "tpu.region"() ({
        %run_scoped3A_167 = tpu.sem_alloc : memref<!tpu.dma_semaphore, #tpu.memory_space<semaphore_mem>>
        %dma_start3A_168 = arith.constant 0 : i32
        %dma_start3A_169 = tpu.memref_slice %arg4[%add3A_49, %dma_start3A_168] : memref<2560x128xi32, #tpu.memory_space<hbm>> -> memref<8x128xi32, #tpu.memory_space<hbm>>
        %dma_start3A_170 = arith.constant 0 : i32
        %dma_start3A_171 = tpu.memref_slice %arg4[%add3A_49, %dma_start3A_170] : memref<2560x128xi32, #tpu.memory_space<hbm>> -> memref<8x128xi32, #tpu.memory_space<hbm>>
        tpu.enqueue_dma source(%dma_start3A_171 : memref<8x128xi32, #tpu.memory_space<hbm>>) target(%arg10 : memref<8x128xi32, #tpu.memory_space<vmem>>) target_semaphore(%run_scoped3A_167 : memref<!tpu.dma_semaphore, #tpu.memory_space<semaphore_mem>>)
        %dma_wait3A_172 = arith.constant 0 : i32
        %dma_wait3A_173 = tpu.memref_slice %arg4[%add3A_49, %dma_wait3A_172] : memref<2560x128xi32, #tpu.memory_space<hbm>> -> memref<8x128xi32, #tpu.memory_space<hbm>>
        %dma_wait3A_174 = arith.constant 0 : i32
        %dma_wait3A_175 = tpu.memref_slice %arg4[%add3A_49, %dma_wait3A_174] : memref<2560x128xi32, #tpu.memory_space<hbm>> -> memref<8x128xi32, #tpu.memory_space<hbm>>
        tpu.wait_dma2 semaphore(%run_scoped3A_167 : memref<!tpu.dma_semaphore, #tpu.memory_space<semaphore_mem>>) src(%dma_wait3A_175 : memref<8x128xi32, #tpu.memory_space<hbm>>) dst(%arg10 : memref<8x128xi32, #tpu.memory_space<vmem>>)
        tpu.yield
      }) : () -> ()
      %dma_start3A = arith.constant 0 : i32
      %dma_start3A_50 = arith.constant 0 : i32
      %dma_start3A_51 = tpu.memref_slice %arg9[%dma_start3A, %dma_start3A_50] : memref<8x128xi32, #tpu.memory_space<vmem>> -> memref<1x128xi32, #tpu.memory_space<vmem>>
      %dma_start3A_52 = tpu.memref_squeeze %dma_start3A_51 : memref<1x128xi32, #tpu.memory_space<vmem>> -> memref<128xi32, #tpu.memory_space<vmem>>
      %dma_start3A_53 = arith.constant 0 : i32
      %dma_start3A_54 = arith.constant 0 : i32
      %dma_start3A_55 = tpu.memref_slice %arg2[%dma_start3A_53, %dma_start3A_54] : memref<10240x128xf32, #tpu.memory_space<hbm>> -> memref<10240x128xf32, #tpu.memory_space<hbm>>
      tpu.enqueue_indirect_dma source(%dma_start3A_55 : memref<10240x128xf32, #tpu.memory_space<hbm>>) target(%arg11 : memref<128x128xf32, #tpu.memory_space<vmem>>) offsets(%dma_start3A_52 : memref<128xi32, #tpu.memory_space<vmem>>) semaphore(%arg13 : memref<!tpu.dma_semaphore, #tpu.memory_space<semaphore_mem>>)
      %dma_wait3A = arith.constant 0 : i32
      %dma_wait3A_56 = arith.constant 0 : i32
      %dma_wait3A_57 = tpu.memref_slice %arg9[%dma_wait3A, %dma_wait3A_56] : memref<8x128xi32, #tpu.memory_space<vmem>> -> memref<1x128xi32, #tpu.memory_space<vmem>>
      %dma_wait3A_58 = tpu.memref_squeeze %dma_wait3A_57 : memref<1x128xi32, #tpu.memory_space<vmem>> -> memref<128xi32, #tpu.memory_space<vmem>>
      %dma_wait3A_59 = arith.constant 0 : i32
      %dma_wait3A_60 = arith.constant 0 : i32
      %dma_wait3A_61 = tpu.memref_slice %arg2[%dma_wait3A_59, %dma_wait3A_60] : memref<10240x128xf32, #tpu.memory_space<hbm>> -> memref<10240x128xf32, #tpu.memory_space<hbm>>
      tpu.wait_indirect_dma semaphore(%arg13 : memref<!tpu.dma_semaphore, #tpu.memory_space<semaphore_mem>>) src(%dma_wait3A_61 : memref<10240x128xf32, #tpu.memory_space<hbm>>) dst(%arg11 : memref<128x128xf32, #tpu.memory_space<vmem>>)
      %dma_start3A_62 = arith.constant 1 : i32
      %dma_start3A_63 = arith.constant 0 : i32
      %dma_start3A_64 = tpu.memref_slice %arg9[%dma_start3A_62, %dma_start3A_63] : memref<8x128xi32, #tpu.memory_space<vmem>> -> memref<1x128xi32, #tpu.memory_space<vmem>>
      %dma_start3A_65 = tpu.memref_squeeze %dma_start3A_64 : memref<1x128xi32, #tpu.memory_space<vmem>> -> memref<128xi32, #tpu.memory_space<vmem>>
      %dma_start3A_66 = arith.constant 0 : i32
      %dma_start3A_67 = arith.constant 0 : i32
      %dma_start3A_68 = tpu.memref_slice %arg2[%dma_start3A_66, %dma_start3A_67] : memref<10240x128xf32, #tpu.memory_space<hbm>> -> memref<10240x128xf32, #tpu.memory_space<hbm>>
      tpu.enqueue_indirect_dma source(%dma_start3A_68 : memref<10240x128xf32, #tpu.memory_space<hbm>>) target(%arg12 : memref<128x128xf32, #tpu.memory_space<vmem>>) offsets(%dma_start3A_65 : memref<128xi32, #tpu.memory_space<vmem>>) semaphore(%arg13 : memref<!tpu.dma_semaphore, #tpu.memory_space<semaphore_mem>>)
      %run_scoped3A = arith.constant 0 : i32
      "tpu.region"() ({
        %run_scoped3A_167 = tpu.sem_alloc : memref<!tpu.dma_semaphore, #tpu.memory_space<semaphore_mem>>
        %dma_start3A_168 = arith.constant 0 : i32
        %dma_start3A_169 = tpu.memref_slice %arg10[%run_scoped3A, %dma_start3A_168] : memref<8x128xi32, #tpu.memory_space<vmem>> -> memref<1x128xi32, #tpu.memory_space<vmem>>
        %dma_start3A_170 = tpu.memref_squeeze %dma_start3A_169 : memref<1x128xi32, #tpu.memory_space<vmem>> -> memref<128xi32, #tpu.memory_space<vmem>>
        %dma_start3A_171 = arith.constant 0 : i32
        %dma_start3A_172 = arith.constant 0 : i32
        %dma_start3A_173 = tpu.memref_slice %arg15[%dma_start3A_171, %dma_start3A_172] : memref<10240x128xf32, #tpu.memory_space<vmem_shared>> -> memref<10240x128xf32, #tpu.memory_space<vmem_shared>>
        tpu.enqueue_indirect_dma source(%arg11 : memref<128x128xf32, #tpu.memory_space<vmem>>) target(%dma_start3A_173 : memref<10240x128xf32, #tpu.memory_space<vmem_shared>>) offsets(%dma_start3A_170 : memref<128xi32, #tpu.memory_space<vmem>>) semaphore(%run_scoped3A_167 : memref<!tpu.dma_semaphore, #tpu.memory_space<semaphore_mem>>) {add = true}
        %dma_wait3A_174 = arith.constant 0 : i32
        %dma_wait3A_175 = tpu.memref_slice %arg10[%run_scoped3A, %dma_wait3A_174] : memref<8x128xi32, #tpu.memory_space<vmem>> -> memref<1x128xi32, #tpu.memory_space<vmem>>
        %dma_wait3A_176 = tpu.memref_squeeze %dma_wait3A_175 : memref<1x128xi32, #tpu.memory_space<vmem>> -> memref<128xi32, #tpu.memory_space<vmem>>
        %dma_wait3A_177 = arith.constant 0 : i32
        %dma_wait3A_178 = arith.constant 0 : i32
        %dma_wait3A_179 = tpu.memref_slice %arg15[%dma_wait3A_177, %dma_wait3A_178] : memref<10240x128xf32, #tpu.memory_space<vmem_shared>> -> memref<10240x128xf32, #tpu.memory_space<vmem_shared>>
        tpu.wait_indirect_dma semaphore(%run_scoped3A_167 : memref<!tpu.dma_semaphore, #tpu.memory_space<semaphore_mem>>) src(%arg11 : memref<128x128xf32, #tpu.memory_space<vmem>>) dst(%dma_wait3A_179 : memref<10240x128xf32, #tpu.memory_space<vmem_shared>>)
        tpu.yield
      }) : () -> ()
      %dma_wait3A_69 = arith.constant 1 : i32
      %dma_wait3A_70 = arith.constant 0 : i32
      %dma_wait3A_71 = tpu.memref_slice %arg9[%dma_wait3A_69, %dma_wait3A_70] : memref<8x128xi32, #tpu.memory_space<vmem>> -> memref<1x128xi32, #tpu.memory_space<vmem>>
      %dma_wait3A_72 = tpu.memref_squeeze %dma_wait3A_71 : memref<1x128xi32, #tpu.memory_space<vmem>> -> memref<128xi32, #tpu.memory_space<vmem>>
      %dma_wait3A_73 = arith.constant 0 : i32
      %dma_wait3A_74 = arith.constant 0 : i32
      %dma_wait3A_75 = tpu.memref_slice %arg2[%dma_wait3A_73, %dma_wait3A_74] : memref<10240x128xf32, #tpu.memory_space<hbm>> -> memref<10240x128xf32, #tpu.memory_space<hbm>>
      tpu.wait_indirect_dma semaphore(%arg13 : memref<!tpu.dma_semaphore, #tpu.memory_space<semaphore_mem>>) src(%dma_wait3A_75 : memref<10240x128xf32, #tpu.memory_space<hbm>>) dst(%arg12 : memref<128x128xf32, #tpu.memory_space<vmem>>)
      %dma_start3A_76 = arith.constant 2 : i32
      %dma_start3A_77 = arith.constant 0 : i32
      %dma_start3A_78 = tpu.memref_slice %arg9[%dma_start3A_76, %dma_start3A_77] : memref<8x128xi32, #tpu.memory_space<vmem>> -> memref<1x128xi32, #tpu.memory_space<vmem>>
      %dma_start3A_79 = tpu.memref_squeeze %dma_start3A_78 : memref<1x128xi32, #tpu.memory_space<vmem>> -> memref<128xi32, #tpu.memory_space<vmem>>
      %dma_start3A_80 = arith.constant 0 : i32
      %dma_start3A_81 = arith.constant 0 : i32
      %dma_start3A_82 = tpu.memref_slice %arg2[%dma_start3A_80, %dma_start3A_81] : memref<10240x128xf32, #tpu.memory_space<hbm>> -> memref<10240x128xf32, #tpu.memory_space<hbm>>
      tpu.enqueue_indirect_dma source(%dma_start3A_82 : memref<10240x128xf32, #tpu.memory_space<hbm>>) target(%arg11 : memref<128x128xf32, #tpu.memory_space<vmem>>) offsets(%dma_start3A_79 : memref<128xi32, #tpu.memory_space<vmem>>) semaphore(%arg13 : memref<!tpu.dma_semaphore, #tpu.memory_space<semaphore_mem>>)
      %run_scoped3A_83 = arith.constant 1 : i32
      "tpu.region"() ({
        %run_scoped3A_167 = tpu.sem_alloc : memref<!tpu.dma_semaphore, #tpu.memory_space<semaphore_mem>>
        %dma_start3A_168 = arith.constant 0 : i32
        %dma_start3A_169 = tpu.memref_slice %arg10[%run_scoped3A_83, %dma_start3A_168] : memref<8x128xi32, #tpu.memory_space<vmem>> -> memref<1x128xi32, #tpu.memory_space<vmem>>
        %dma_start3A_170 = tpu.memref_squeeze %dma_start3A_169 : memref<1x128xi32, #tpu.memory_space<vmem>> -> memref<128xi32, #tpu.memory_space<vmem>>
        %dma_start3A_171 = arith.constant 0 : i32
        %dma_start3A_172 = arith.constant 0 : i32
        %dma_start3A_173 = tpu.memref_slice %arg15[%dma_start3A_171, %dma_start3A_172] : memref<10240x128xf32, #tpu.memory_space<vmem_shared>> -> memref<10240x128xf32, #tpu.memory_space<vmem_shared>>
        tpu.enqueue_indirect_dma source(%arg12 : memref<128x128xf32, #tpu.memory_space<vmem>>) target(%dma_start3A_173 : memref<10240x128xf32, #tpu.memory_space<vmem_shared>>) offsets(%dma_start3A_170 : memref<128xi32, #tpu.memory_space<vmem>>) semaphore(%run_scoped3A_167 : memref<!tpu.dma_semaphore, #tpu.memory_space<semaphore_mem>>) {add = true}
        %dma_wait3A_174 = arith.constant 0 : i32
        %dma_wait3A_175 = tpu.memref_slice %arg10[%run_scoped3A_83, %dma_wait3A_174] : memref<8x128xi32, #tpu.memory_space<vmem>> -> memref<1x128xi32, #tpu.memory_space<vmem>>
        %dma_wait3A_176 = tpu.memref_squeeze %dma_wait3A_175 : memref<1x128xi32, #tpu.memory_space<vmem>> -> memref<128xi32, #tpu.memory_space<vmem>>
        %dma_wait3A_177 = arith.constant 0 : i32
        %dma_wait3A_178 = arith.constant 0 : i32
        %dma_wait3A_179 = tpu.memref_slice %arg15[%dma_wait3A_177, %dma_wait3A_178] : memref<10240x128xf32, #tpu.memory_space<vmem_shared>> -> memref<10240x128xf32, #tpu.memory_space<vmem_shared>>
        tpu.wait_indirect_dma semaphore(%run_scoped3A_167 : memref<!tpu.dma_semaphore, #tpu.memory_space<semaphore_mem>>) src(%arg12 : memref<128x128xf32, #tpu.memory_space<vmem>>) dst(%dma_wait3A_179 : memref<10240x128xf32, #tpu.memory_space<vmem_shared>>)
        tpu.yield
      }) : () -> ()
      %dma_wait3A_84 = arith.constant 2 : i32
      %dma_wait3A_85 = arith.constant 0 : i32
      %dma_wait3A_86 = tpu.memref_slice %arg9[%dma_wait3A_84, %dma_wait3A_85] : memref<8x128xi32, #tpu.memory_space<vmem>> -> memref<1x128xi32, #tpu.memory_space<vmem>>
      %dma_wait3A_87 = tpu.memref_squeeze %dma_wait3A_86 : memref<1x128xi32, #tpu.memory_space<vmem>> -> memref<128xi32, #tpu.memory_space<vmem>>
      %dma_wait3A_88 = arith.constant 0 : i32
      %dma_wait3A_89 = arith.constant 0 : i32
      %dma_wait3A_90 = tpu.memref_slice %arg2[%dma_wait3A_88, %dma_wait3A_89] : memref<10240x128xf32, #tpu.memory_space<hbm>> -> memref<10240x128xf32, #tpu.memory_space<hbm>>
      tpu.wait_indirect_dma semaphore(%arg13 : memref<!tpu.dma_semaphore, #tpu.memory_space<semaphore_mem>>) src(%dma_wait3A_90 : memref<10240x128xf32, #tpu.memory_space<hbm>>) dst(%arg11 : memref<128x128xf32, #tpu.memory_space<vmem>>)
      %dma_start3A_91 = arith.constant 3 : i32
      %dma_start3A_92 = arith.constant 0 : i32
      %dma_start3A_93 = tpu.memref_slice %arg9[%dma_start3A_91, %dma_start3A_92] : memref<8x128xi32, #tpu.memory_space<vmem>> -> memref<1x128xi32, #tpu.memory_space<vmem>>
      %dma_start3A_94 = tpu.memref_squeeze %dma_start3A_93 : memref<1x128xi32, #tpu.memory_space<vmem>> -> memref<128xi32, #tpu.memory_space<vmem>>
      %dma_start3A_95 = arith.constant 0 : i32
      %dma_start3A_96 = arith.constant 0 : i32
      %dma_start3A_97 = tpu.memref_slice %arg2[%dma_start3A_95, %dma_start3A_96] : memref<10240x128xf32, #tpu.memory_space<hbm>> -> memref<10240x128xf32, #tpu.memory_space<hbm>>
      tpu.enqueue_indirect_dma source(%dma_start3A_97 : memref<10240x128xf32, #tpu.memory_space<hbm>>) target(%arg12 : memref<128x128xf32, #tpu.memory_space<vmem>>) offsets(%dma_start3A_94 : memref<128xi32, #tpu.memory_space<vmem>>) semaphore(%arg13 : memref<!tpu.dma_semaphore, #tpu.memory_space<semaphore_mem>>)
      %run_scoped3A_98 = arith.constant 2 : i32
      "tpu.region"() ({
        %run_scoped3A_167 = tpu.sem_alloc : memref<!tpu.dma_semaphore, #tpu.memory_space<semaphore_mem>>
        %dma_start3A_168 = arith.constant 0 : i32
        %dma_start3A_169 = tpu.memref_slice %arg10[%run_scoped3A_98, %dma_start3A_168] : memref<8x128xi32, #tpu.memory_space<vmem>> -> memref<1x128xi32, #tpu.memory_space<vmem>>
        %dma_start3A_170 = tpu.memref_squeeze %dma_start3A_169 : memref<1x128xi32, #tpu.memory_space<vmem>> -> memref<128xi32, #tpu.memory_space<vmem>>
        %dma_start3A_171 = arith.constant 0 : i32
        %dma_start3A_172 = arith.constant 0 : i32
        %dma_start3A_173 = tpu.memref_slice %arg15[%dma_start3A_171, %dma_start3A_172] : memref<10240x128xf32, #tpu.memory_space<vmem_shared>> -> memref<10240x128xf32, #tpu.memory_space<vmem_shared>>
        tpu.enqueue_indirect_dma source(%arg11 : memref<128x128xf32, #tpu.memory_space<vmem>>) target(%dma_start3A_173 : memref<10240x128xf32, #tpu.memory_space<vmem_shared>>) offsets(%dma_start3A_170 : memref<128xi32, #tpu.memory_space<vmem>>) semaphore(%run_scoped3A_167 : memref<!tpu.dma_semaphore, #tpu.memory_space<semaphore_mem>>) {add = true}
        %dma_wait3A_174 = arith.constant 0 : i32
        %dma_wait3A_175 = tpu.memref_slice %arg10[%run_scoped3A_98, %dma_wait3A_174] : memref<8x128xi32, #tpu.memory_space<vmem>> -> memref<1x128xi32, #tpu.memory_space<vmem>>
        %dma_wait3A_176 = tpu.memref_squeeze %dma_wait3A_175 : memref<1x128xi32, #tpu.memory_space<vmem>> -> memref<128xi32, #tpu.memory_space<vmem>>
        %dma_wait3A_177 = arith.constant 0 : i32
        %dma_wait3A_178 = arith.constant 0 : i32
        %dma_wait3A_179 = tpu.memref_slice %arg15[%dma_wait3A_177, %dma_wait3A_178] : memref<10240x128xf32, #tpu.memory_space<vmem_shared>> -> memref<10240x128xf32, #tpu.memory_space<vmem_shared>>
        tpu.wait_indirect_dma semaphore(%run_scoped3A_167 : memref<!tpu.dma_semaphore, #tpu.memory_space<semaphore_mem>>) src(%arg11 : memref<128x128xf32, #tpu.memory_space<vmem>>) dst(%dma_wait3A_179 : memref<10240x128xf32, #tpu.memory_space<vmem_shared>>)
        tpu.yield
      }) : () -> ()
      %dma_wait3A_99 = arith.constant 3 : i32
      %dma_wait3A_100 = arith.constant 0 : i32
      %dma_wait3A_101 = tpu.memref_slice %arg9[%dma_wait3A_99, %dma_wait3A_100] : memref<8x128xi32, #tpu.memory_space<vmem>> -> memref<1x128xi32, #tpu.memory_space<vmem>>
      %dma_wait3A_102 = tpu.memref_squeeze %dma_wait3A_101 : memref<1x128xi32, #tpu.memory_space<vmem>> -> memref<128xi32, #tpu.memory_space<vmem>>
      %dma_wait3A_103 = arith.constant 0 : i32
      %dma_wait3A_104 = arith.constant 0 : i32
      %dma_wait3A_105 = tpu.memref_slice %arg2[%dma_wait3A_103, %dma_wait3A_104] : memref<10240x128xf32, #tpu.memory_space<hbm>> -> memref<10240x128xf32, #tpu.memory_space<hbm>>
      tpu.wait_indirect_dma semaphore(%arg13 : memref<!tpu.dma_semaphore, #tpu.memory_space<semaphore_mem>>) src(%dma_wait3A_105 : memref<10240x128xf32, #tpu.memory_space<hbm>>) dst(%arg12 : memref<128x128xf32, #tpu.memory_space<vmem>>)
      %dma_start3A_106 = arith.constant 4 : i32
      %dma_start3A_107 = arith.constant 0 : i32
      %dma_start3A_108 = tpu.memref_slice %arg9[%dma_start3A_106, %dma_start3A_107] : memref<8x128xi32, #tpu.memory_space<vmem>> -> memref<1x128xi32, #tpu.memory_space<vmem>>
      %dma_start3A_109 = tpu.memref_squeeze %dma_start3A_108 : memref<1x128xi32, #tpu.memory_space<vmem>> -> memref<128xi32, #tpu.memory_space<vmem>>
      %dma_start3A_110 = arith.constant 0 : i32
      %dma_start3A_111 = arith.constant 0 : i32
      %dma_start3A_112 = tpu.memref_slice %arg2[%dma_start3A_110, %dma_start3A_111] : memref<10240x128xf32, #tpu.memory_space<hbm>> -> memref<10240x128xf32, #tpu.memory_space<hbm>>
      tpu.enqueue_indirect_dma source(%dma_start3A_112 : memref<10240x128xf32, #tpu.memory_space<hbm>>) target(%arg11 : memref<128x128xf32, #tpu.memory_space<vmem>>) offsets(%dma_start3A_109 : memref<128xi32, #tpu.memory_space<vmem>>) semaphore(%arg13 : memref<!tpu.dma_semaphore, #tpu.memory_space<semaphore_mem>>)
      %run_scoped3A_113 = arith.constant 3 : i32
      "tpu.region"() ({
        %run_scoped3A_167 = tpu.sem_alloc : memref<!tpu.dma_semaphore, #tpu.memory_space<semaphore_mem>>
        %dma_start3A_168 = arith.constant 0 : i32
        %dma_start3A_169 = tpu.memref_slice %arg10[%run_scoped3A_113, %dma_start3A_168] : memref<8x128xi32, #tpu.memory_space<vmem>> -> memref<1x128xi32, #tpu.memory_space<vmem>>
        %dma_start3A_170 = tpu.memref_squeeze %dma_start3A_169 : memref<1x128xi32, #tpu.memory_space<vmem>> -> memref<128xi32, #tpu.memory_space<vmem>>
        %dma_start3A_171 = arith.constant 0 : i32
        %dma_start3A_172 = arith.constant 0 : i32
        %dma_start3A_173 = tpu.memref_slice %arg15[%dma_start3A_171, %dma_start3A_172] : memref<10240x128xf32, #tpu.memory_space<vmem_shared>> -> memref<10240x128xf32, #tpu.memory_space<vmem_shared>>
        tpu.enqueue_indirect_dma source(%arg12 : memref<128x128xf32, #tpu.memory_space<vmem>>) target(%dma_start3A_173 : memref<10240x128xf32, #tpu.memory_space<vmem_shared>>) offsets(%dma_start3A_170 : memref<128xi32, #tpu.memory_space<vmem>>) semaphore(%run_scoped3A_167 : memref<!tpu.dma_semaphore, #tpu.memory_space<semaphore_mem>>) {add = true}
        %dma_wait3A_174 = arith.constant 0 : i32
        %dma_wait3A_175 = tpu.memref_slice %arg10[%run_scoped3A_113, %dma_wait3A_174] : memref<8x128xi32, #tpu.memory_space<vmem>> -> memref<1x128xi32, #tpu.memory_space<vmem>>
        %dma_wait3A_176 = tpu.memref_squeeze %dma_wait3A_175 : memref<1x128xi32, #tpu.memory_space<vmem>> -> memref<128xi32, #tpu.memory_space<vmem>>
        %dma_wait3A_177 = arith.constant 0 : i32
        %dma_wait3A_178 = arith.constant 0 : i32
        %dma_wait3A_179 = tpu.memref_slice %arg15[%dma_wait3A_177, %dma_wait3A_178] : memref<10240x128xf32, #tpu.memory_space<vmem_shared>> -> memref<10240x128xf32, #tpu.memory_space<vmem_shared>>
        tpu.wait_indirect_dma semaphore(%run_scoped3A_167 : memref<!tpu.dma_semaphore, #tpu.memory_space<semaphore_mem>>) src(%arg12 : memref<128x128xf32, #tpu.memory_space<vmem>>) dst(%dma_wait3A_179 : memref<10240x128xf32, #tpu.memory_space<vmem_shared>>)
        tpu.yield
      }) : () -> ()
      %dma_wait3A_114 = arith.constant 4 : i32
      %dma_wait3A_115 = arith.constant 0 : i32
      %dma_wait3A_116 = tpu.memref_slice %arg9[%dma_wait3A_114, %dma_wait3A_115] : memref<8x128xi32, #tpu.memory_space<vmem>> -> memref<1x128xi32, #tpu.memory_space<vmem>>
      %dma_wait3A_117 = tpu.memref_squeeze %dma_wait3A_116 : memref<1x128xi32, #tpu.memory_space<vmem>> -> memref<128xi32, #tpu.memory_space<vmem>>
      %dma_wait3A_118 = arith.constant 0 : i32
      %dma_wait3A_119 = arith.constant 0 : i32
      %dma_wait3A_120 = tpu.memref_slice %arg2[%dma_wait3A_118, %dma_wait3A_119] : memref<10240x128xf32, #tpu.memory_space<hbm>> -> memref<10240x128xf32, #tpu.memory_space<hbm>>
      tpu.wait_indirect_dma semaphore(%arg13 : memref<!tpu.dma_semaphore, #tpu.memory_space<semaphore_mem>>) src(%dma_wait3A_120 : memref<10240x128xf32, #tpu.memory_space<hbm>>) dst(%arg11 : memref<128x128xf32, #tpu.memory_space<vmem>>)
      %dma_start3A_121 = arith.constant 5 : i32
      %dma_start3A_122 = arith.constant 0 : i32
      %dma_start3A_123 = tpu.memref_slice %arg9[%dma_start3A_121, %dma_start3A_122] : memref<8x128xi32, #tpu.memory_space<vmem>> -> memref<1x128xi32, #tpu.memory_space<vmem>>
      %dma_start3A_124 = tpu.memref_squeeze %dma_start3A_123 : memref<1x128xi32, #tpu.memory_space<vmem>> -> memref<128xi32, #tpu.memory_space<vmem>>
      %dma_start3A_125 = arith.constant 0 : i32
      %dma_start3A_126 = arith.constant 0 : i32
      %dma_start3A_127 = tpu.memref_slice %arg2[%dma_start3A_125, %dma_start3A_126] : memref<10240x128xf32, #tpu.memory_space<hbm>> -> memref<10240x128xf32, #tpu.memory_space<hbm>>
      tpu.enqueue_indirect_dma source(%dma_start3A_127 : memref<10240x128xf32, #tpu.memory_space<hbm>>) target(%arg12 : memref<128x128xf32, #tpu.memory_space<vmem>>) offsets(%dma_start3A_124 : memref<128xi32, #tpu.memory_space<vmem>>) semaphore(%arg13 : memref<!tpu.dma_semaphore, #tpu.memory_space<semaphore_mem>>)
      %run_scoped3A_128 = arith.constant 4 : i32
      "tpu.region"() ({
        %run_scoped3A_167 = tpu.sem_alloc : memref<!tpu.dma_semaphore, #tpu.memory_space<semaphore_mem>>
        %dma_start3A_168 = arith.constant 0 : i32
        %dma_start3A_169 = tpu.memref_slice %arg10[%run_scoped3A_128, %dma_start3A_168] : memref<8x128xi32, #tpu.memory_space<vmem>> -> memref<1x128xi32, #tpu.memory_space<vmem>>
        %dma_start3A_170 = tpu.memref_squeeze %dma_start3A_169 : memref<1x128xi32, #tpu.memory_space<vmem>> -> memref<128xi32, #tpu.memory_space<vmem>>
        %dma_start3A_171 = arith.constant 0 : i32
        %dma_start3A_172 = arith.constant 0 : i32
        %dma_start3A_173 = tpu.memref_slice %arg15[%dma_start3A_171, %dma_start3A_172] : memref<10240x128xf32, #tpu.memory_space<vmem_shared>> -> memref<10240x128xf32, #tpu.memory_space<vmem_shared>>
        tpu.enqueue_indirect_dma source(%arg11 : memref<128x128xf32, #tpu.memory_space<vmem>>) target(%dma_start3A_173 : memref<10240x128xf32, #tpu.memory_space<vmem_shared>>) offsets(%dma_start3A_170 : memref<128xi32, #tpu.memory_space<vmem>>) semaphore(%run_scoped3A_167 : memref<!tpu.dma_semaphore, #tpu.memory_space<semaphore_mem>>) {add = true}
        %dma_wait3A_174 = arith.constant 0 : i32
        %dma_wait3A_175 = tpu.memref_slice %arg10[%run_scoped3A_128, %dma_wait3A_174] : memref<8x128xi32, #tpu.memory_space<vmem>> -> memref<1x128xi32, #tpu.memory_space<vmem>>
        %dma_wait3A_176 = tpu.memref_squeeze %dma_wait3A_175 : memref<1x128xi32, #tpu.memory_space<vmem>> -> memref<128xi32, #tpu.memory_space<vmem>>
        %dma_wait3A_177 = arith.constant 0 : i32
        %dma_wait3A_178 = arith.constant 0 : i32
        %dma_wait3A_179 = tpu.memref_slice %arg15[%dma_wait3A_177, %dma_wait3A_178] : memref<10240x128xf32, #tpu.memory_space<vmem_shared>> -> memref<10240x128xf32, #tpu.memory_space<vmem_shared>>
        tpu.wait_indirect_dma semaphore(%run_scoped3A_167 : memref<!tpu.dma_semaphore, #tpu.memory_space<semaphore_mem>>) src(%arg11 : memref<128x128xf32, #tpu.memory_space<vmem>>) dst(%dma_wait3A_179 : memref<10240x128xf32, #tpu.memory_space<vmem_shared>>)
        tpu.yield
      }) : () -> ()
      %dma_wait3A_129 = arith.constant 5 : i32
      %dma_wait3A_130 = arith.constant 0 : i32
      %dma_wait3A_131 = tpu.memref_slice %arg9[%dma_wait3A_129, %dma_wait3A_130] : memref<8x128xi32, #tpu.memory_space<vmem>> -> memref<1x128xi32, #tpu.memory_space<vmem>>
      %dma_wait3A_132 = tpu.memref_squeeze %dma_wait3A_131 : memref<1x128xi32, #tpu.memory_space<vmem>> -> memref<128xi32, #tpu.memory_space<vmem>>
      %dma_wait3A_133 = arith.constant 0 : i32
      %dma_wait3A_134 = arith.constant 0 : i32
      %dma_wait3A_135 = tpu.memref_slice %arg2[%dma_wait3A_133, %dma_wait3A_134] : memref<10240x128xf32, #tpu.memory_space<hbm>> -> memref<10240x128xf32, #tpu.memory_space<hbm>>
      tpu.wait_indirect_dma semaphore(%arg13 : memref<!tpu.dma_semaphore, #tpu.memory_space<semaphore_mem>>) src(%dma_wait3A_135 : memref<10240x128xf32, #tpu.memory_space<hbm>>) dst(%arg12 : memref<128x128xf32, #tpu.memory_space<vmem>>)
      %dma_start3A_136 = arith.constant 6 : i32
      %dma_start3A_137 = arith.constant 0 : i32
      %dma_start3A_138 = tpu.memref_slice %arg9[%dma_start3A_136, %dma_start3A_137] : memref<8x128xi32, #tpu.memory_space<vmem>> -> memref<1x128xi32, #tpu.memory_space<vmem>>
      %dma_start3A_139 = tpu.memref_squeeze %dma_start3A_138 : memref<1x128xi32, #tpu.memory_space<vmem>> -> memref<128xi32, #tpu.memory_space<vmem>>
      %dma_start3A_140 = arith.constant 0 : i32
      %dma_start3A_141 = arith.constant 0 : i32
      %dma_start3A_142 = tpu.memref_slice %arg2[%dma_start3A_140, %dma_start3A_141] : memref<10240x128xf32, #tpu.memory_space<hbm>> -> memref<10240x128xf32, #tpu.memory_space<hbm>>
      tpu.enqueue_indirect_dma source(%dma_start3A_142 : memref<10240x128xf32, #tpu.memory_space<hbm>>) target(%arg11 : memref<128x128xf32, #tpu.memory_space<vmem>>) offsets(%dma_start3A_139 : memref<128xi32, #tpu.memory_space<vmem>>) semaphore(%arg13 : memref<!tpu.dma_semaphore, #tpu.memory_space<semaphore_mem>>)
      %run_scoped3A_143 = arith.constant 5 : i32
      "tpu.region"() ({
        %run_scoped3A_167 = tpu.sem_alloc : memref<!tpu.dma_semaphore, #tpu.memory_space<semaphore_mem>>
        %dma_start3A_168 = arith.constant 0 : i32
        %dma_start3A_169 = tpu.memref_slice %arg10[%run_scoped3A_143, %dma_start3A_168] : memref<8x128xi32, #tpu.memory_space<vmem>> -> memref<1x128xi32, #tpu.memory_space<vmem>>
        %dma_start3A_170 = tpu.memref_squeeze %dma_start3A_169 : memref<1x128xi32, #tpu.memory_space<vmem>> -> memref<128xi32, #tpu.memory_space<vmem>>
        %dma_start3A_171 = arith.constant 0 : i32
        %dma_start3A_172 = arith.constant 0 : i32
        %dma_start3A_173 = tpu.memref_slice %arg15[%dma_start3A_171, %dma_start3A_172] : memref<10240x128xf32, #tpu.memory_space<vmem_shared>> -> memref<10240x128xf32, #tpu.memory_space<vmem_shared>>
        tpu.enqueue_indirect_dma source(%arg12 : memref<128x128xf32, #tpu.memory_space<vmem>>) target(%dma_start3A_173 : memref<10240x128xf32, #tpu.memory_space<vmem_shared>>) offsets(%dma_start3A_170 : memref<128xi32, #tpu.memory_space<vmem>>) semaphore(%run_scoped3A_167 : memref<!tpu.dma_semaphore, #tpu.memory_space<semaphore_mem>>) {add = true}
        %dma_wait3A_174 = arith.constant 0 : i32
        %dma_wait3A_175 = tpu.memref_slice %arg10[%run_scoped3A_143, %dma_wait3A_174] : memref<8x128xi32, #tpu.memory_space<vmem>> -> memref<1x128xi32, #tpu.memory_space<vmem>>
        %dma_wait3A_176 = tpu.memref_squeeze %dma_wait3A_175 : memref<1x128xi32, #tpu.memory_space<vmem>> -> memref<128xi32, #tpu.memory_space<vmem>>
        %dma_wait3A_177 = arith.constant 0 : i32
        %dma_wait3A_178 = arith.constant 0 : i32
        %dma_wait3A_179 = tpu.memref_slice %arg15[%dma_wait3A_177, %dma_wait3A_178] : memref<10240x128xf32, #tpu.memory_space<vmem_shared>> -> memref<10240x128xf32, #tpu.memory_space<vmem_shared>>
        tpu.wait_indirect_dma semaphore(%run_scoped3A_167 : memref<!tpu.dma_semaphore, #tpu.memory_space<semaphore_mem>>) src(%arg12 : memref<128x128xf32, #tpu.memory_space<vmem>>) dst(%dma_wait3A_179 : memref<10240x128xf32, #tpu.memory_space<vmem_shared>>)
        tpu.yield
      }) : () -> ()
      %dma_wait3A_144 = arith.constant 6 : i32
      %dma_wait3A_145 = arith.constant 0 : i32
      %dma_wait3A_146 = tpu.memref_slice %arg9[%dma_wait3A_144, %dma_wait3A_145] : memref<8x128xi32, #tpu.memory_space<vmem>> -> memref<1x128xi32, #tpu.memory_space<vmem>>
      %dma_wait3A_147 = tpu.memref_squeeze %dma_wait3A_146 : memref<1x128xi32, #tpu.memory_space<vmem>> -> memref<128xi32, #tpu.memory_space<vmem>>
      %dma_wait3A_148 = arith.constant 0 : i32
      %dma_wait3A_149 = arith.constant 0 : i32
      %dma_wait3A_150 = tpu.memref_slice %arg2[%dma_wait3A_148, %dma_wait3A_149] : memref<10240x128xf32, #tpu.memory_space<hbm>> -> memref<10240x128xf32, #tpu.memory_space<hbm>>
      tpu.wait_indirect_dma semaphore(%arg13 : memref<!tpu.dma_semaphore, #tpu.memory_space<semaphore_mem>>) src(%dma_wait3A_150 : memref<10240x128xf32, #tpu.memory_space<hbm>>) dst(%arg11 : memref<128x128xf32, #tpu.memory_space<vmem>>)
      %dma_start3A_151 = arith.constant 7 : i32
      %dma_start3A_152 = arith.constant 0 : i32
      %dma_start3A_153 = tpu.memref_slice %arg9[%dma_start3A_151, %dma_start3A_152] : memref<8x128xi32, #tpu.memory_space<vmem>> -> memref<1x128xi32, #tpu.memory_space<vmem>>
      %dma_start3A_154 = tpu.memref_squeeze %dma_start3A_153 : memref<1x128xi32, #tpu.memory_space<vmem>> -> memref<128xi32, #tpu.memory_space<vmem>>
      %dma_start3A_155 = arith.constant 0 : i32
      %dma_start3A_156 = arith.constant 0 : i32
      %dma_start3A_157 = tpu.memref_slice %arg2[%dma_start3A_155, %dma_start3A_156] : memref<10240x128xf32, #tpu.memory_space<hbm>> -> memref<10240x128xf32, #tpu.memory_space<hbm>>
      tpu.enqueue_indirect_dma source(%dma_start3A_157 : memref<10240x128xf32, #tpu.memory_space<hbm>>) target(%arg12 : memref<128x128xf32, #tpu.memory_space<vmem>>) offsets(%dma_start3A_154 : memref<128xi32, #tpu.memory_space<vmem>>) semaphore(%arg13 : memref<!tpu.dma_semaphore, #tpu.memory_space<semaphore_mem>>)
      %run_scoped3A_158 = arith.constant 6 : i32
      "tpu.region"() ({
        %run_scoped3A_167 = tpu.sem_alloc : memref<!tpu.dma_semaphore, #tpu.memory_space<semaphore_mem>>
        %dma_start3A_168 = arith.constant 0 : i32
        %dma_start3A_169 = tpu.memref_slice %arg10[%run_scoped3A_158, %dma_start3A_168] : memref<8x128xi32, #tpu.memory_space<vmem>> -> memref<1x128xi32, #tpu.memory_space<vmem>>
        %dma_start3A_170 = tpu.memref_squeeze %dma_start3A_169 : memref<1x128xi32, #tpu.memory_space<vmem>> -> memref<128xi32, #tpu.memory_space<vmem>>
        %dma_start3A_171 = arith.constant 0 : i32
        %dma_start3A_172 = arith.constant 0 : i32
        %dma_start3A_173 = tpu.memref_slice %arg15[%dma_start3A_171, %dma_start3A_172] : memref<10240x128xf32, #tpu.memory_space<vmem_shared>> -> memref<10240x128xf32, #tpu.memory_space<vmem_shared>>
        tpu.enqueue_indirect_dma source(%arg11 : memref<128x128xf32, #tpu.memory_space<vmem>>) target(%dma_start3A_173 : memref<10240x128xf32, #tpu.memory_space<vmem_shared>>) offsets(%dma_start3A_170 : memref<128xi32, #tpu.memory_space<vmem>>) semaphore(%run_scoped3A_167 : memref<!tpu.dma_semaphore, #tpu.memory_space<semaphore_mem>>) {add = true}
        %dma_wait3A_174 = arith.constant 0 : i32
        %dma_wait3A_175 = tpu.memref_slice %arg10[%run_scoped3A_158, %dma_wait3A_174] : memref<8x128xi32, #tpu.memory_space<vmem>> -> memref<1x128xi32, #tpu.memory_space<vmem>>
        %dma_wait3A_176 = tpu.memref_squeeze %dma_wait3A_175 : memref<1x128xi32, #tpu.memory_space<vmem>> -> memref<128xi32, #tpu.memory_space<vmem>>
        %dma_wait3A_177 = arith.constant 0 : i32
        %dma_wait3A_178 = arith.constant 0 : i32
        %dma_wait3A_179 = tpu.memref_slice %arg15[%dma_wait3A_177, %dma_wait3A_178] : memref<10240x128xf32, #tpu.memory_space<vmem_shared>> -> memref<10240x128xf32, #tpu.memory_space<vmem_shared>>
        tpu.wait_indirect_dma semaphore(%run_scoped3A_167 : memref<!tpu.dma_semaphore, #tpu.memory_space<semaphore_mem>>) src(%arg11 : memref<128x128xf32, #tpu.memory_space<vmem>>) dst(%dma_wait3A_179 : memref<10240x128xf32, #tpu.memory_space<vmem_shared>>)
        tpu.yield
      }) : () -> ()
      %dma_wait3A_159 = arith.constant 7 : i32
      %dma_wait3A_160 = arith.constant 0 : i32
      %dma_wait3A_161 = tpu.memref_slice %arg9[%dma_wait3A_159, %dma_wait3A_160] : memref<8x128xi32, #tpu.memory_space<vmem>> -> memref<1x128xi32, #tpu.memory_space<vmem>>
      %dma_wait3A_162 = tpu.memref_squeeze %dma_wait3A_161 : memref<1x128xi32, #tpu.memory_space<vmem>> -> memref<128xi32, #tpu.memory_space<vmem>>
      %dma_wait3A_163 = arith.constant 0 : i32
      %dma_wait3A_164 = arith.constant 0 : i32
      %dma_wait3A_165 = tpu.memref_slice %arg2[%dma_wait3A_163, %dma_wait3A_164] : memref<10240x128xf32, #tpu.memory_space<hbm>> -> memref<10240x128xf32, #tpu.memory_space<hbm>>
      tpu.wait_indirect_dma semaphore(%arg13 : memref<!tpu.dma_semaphore, #tpu.memory_space<semaphore_mem>>) src(%dma_wait3A_165 : memref<10240x128xf32, #tpu.memory_space<hbm>>) dst(%arg12 : memref<128x128xf32, #tpu.memory_space<vmem>>)
      %run_scoped3A_166 = arith.constant 7 : i32
      "tpu.region"() ({
        %run_scoped3A_167 = tpu.sem_alloc : memref<!tpu.dma_semaphore, #tpu.memory_space<semaphore_mem>>
        %dma_start3A_168 = arith.constant 0 : i32
        %dma_start3A_169 = tpu.memref_slice %arg10[%run_scoped3A_166, %dma_start3A_168] : memref<8x128xi32, #tpu.memory_space<vmem>> -> memref<1x128xi32, #tpu.memory_space<vmem>>
        %dma_start3A_170 = tpu.memref_squeeze %dma_start3A_169 : memref<1x128xi32, #tpu.memory_space<vmem>> -> memref<128xi32, #tpu.memory_space<vmem>>
        %dma_start3A_171 = arith.constant 0 : i32
        %dma_start3A_172 = arith.constant 0 : i32
        %dma_start3A_173 = tpu.memref_slice %arg15[%dma_start3A_171, %dma_start3A_172] : memref<10240x128xf32, #tpu.memory_space<vmem_shared>> -> memref<10240x128xf32, #tpu.memory_space<vmem_shared>>
        tpu.enqueue_indirect_dma source(%arg12 : memref<128x128xf32, #tpu.memory_space<vmem>>) target(%dma_start3A_173 : memref<10240x128xf32, #tpu.memory_space<vmem_shared>>) offsets(%dma_start3A_170 : memref<128xi32, #tpu.memory_space<vmem>>) semaphore(%run_scoped3A_167 : memref<!tpu.dma_semaphore, #tpu.memory_space<semaphore_mem>>) {add = true}
        %dma_wait3A_174 = arith.constant 0 : i32
        %dma_wait3A_175 = tpu.memref_slice %arg10[%run_scoped3A_166, %dma_wait3A_174] : memref<8x128xi32, #tpu.memory_space<vmem>> -> memref<1x128xi32, #tpu.memory_space<vmem>>
        %dma_wait3A_176 = tpu.memref_squeeze %dma_wait3A_175 : memref<1x128xi32, #tpu.memory_space<vmem>> -> memref<128xi32, #tpu.memory_space<vmem>>
        %dma_wait3A_177 = arith.constant 0 : i32
        %dma_wait3A_178 = arith.constant 0 : i32
        %dma_wait3A_179 = tpu.memref_slice %arg15[%dma_wait3A_177, %dma_wait3A_178] : memref<10240x128xf32, #tpu.memory_space<vmem_shared>> -> memref<10240x128xf32, #tpu.memory_space<vmem_shared>>
        tpu.wait_indirect_dma semaphore(%run_scoped3A_167 : memref<!tpu.dma_semaphore, #tpu.memory_space<semaphore_mem>>) src(%arg12 : memref<128x128xf32, #tpu.memory_space<vmem>>) dst(%dma_wait3A_179 : memref<10240x128xf32, #tpu.memory_space<vmem_shared>>)
        tpu.yield
      }) : () -> ()
    }
    %scan3A_15 = arith.constant 10 : i32
    %barrier3A_16 = arith.constant 0 : index
    tpu.barrier barrier_id(%barrier3A_16)
    %mul3A_17 = arith.constant 10240 : i32
    %mul3A_18 = arith.muli %arg0, %mul3A_17 : i32
    %add3A_19 = arith.addi %mul3A_18, %mul3A_2 : i32
    %scan3A_20 = arith.constant 0 : i32
    %scan3A_21 = arith.constant 0 : i32
    %scan3A_22 = arith.constant 5 : i32
    %scan3A_23 = arith.addi %scan3A_21, %scan3A_22 : i32
    %scan3A_24 = arith.constant 1 : i32
    scf.for %scan3A_46 = %scan3A_21 to %scan3A_23 step %scan3A_24  : i32 {
      %mul3A_47 = arith.constant 128 : i32
      %mul3A_48 = arith.muli %scan3A_46, %mul3A_47 : i32
      %add3A_49 = arith.addi %mul3A_2, %mul3A_48 : i32
      "tpu.region"() ({
        %run_scoped3A = tpu.sem_alloc : memref<!tpu.dma_semaphore, #tpu.memory_space<semaphore_mem>>
        %dma_start3A = arith.constant 0 : i32
        %dma_start3A_53 = tpu.memref_slice %arg15[%add3A_49, %dma_start3A] : memref<10240x128xf32, #tpu.memory_space<vmem_shared>> -> memref<128x128xf32, #tpu.memory_space<vmem_shared>>
        %dma_start3A_54 = arith.constant 0 : i32
        %dma_start3A_55 = tpu.memref_slice %arg15[%add3A_49, %dma_start3A_54] : memref<10240x128xf32, #tpu.memory_space<vmem_shared>> -> memref<128x128xf32, #tpu.memory_space<vmem_shared>>
        tpu.enqueue_dma source(%dma_start3A_55 : memref<128x128xf32, #tpu.memory_space<vmem_shared>>) target(%arg11 : memref<128x128xf32, #tpu.memory_space<vmem>>) target_semaphore(%run_scoped3A : memref<!tpu.dma_semaphore, #tpu.memory_space<semaphore_mem>>)
        %dma_wait3A = arith.constant 0 : i32
        %dma_wait3A_56 = tpu.memref_slice %arg15[%add3A_49, %dma_wait3A] : memref<10240x128xf32, #tpu.memory_space<vmem_shared>> -> memref<128x128xf32, #tpu.memory_space<vmem_shared>>
        %dma_wait3A_57 = arith.constant 0 : i32
        %dma_wait3A_58 = tpu.memref_slice %arg15[%add3A_49, %dma_wait3A_57] : memref<10240x128xf32, #tpu.memory_space<vmem_shared>> -> memref<128x128xf32, #tpu.memory_space<vmem_shared>>
        tpu.wait_dma2 semaphore(%run_scoped3A : memref<!tpu.dma_semaphore, #tpu.memory_space<semaphore_mem>>) src(%dma_wait3A_58 : memref<128x128xf32, #tpu.memory_space<vmem_shared>>) dst(%arg11 : memref<128x128xf32, #tpu.memory_space<vmem>>)
        tpu.yield
      }) : () -> ()
      %mul3A_50 = arith.constant 128 : i32
      %mul3A_51 = arith.muli %scan3A_46, %mul3A_50 : i32
      %add3A_52 = arith.addi %add3A_19, %mul3A_51 : i32
      "tpu.region"() ({
        %run_scoped3A = tpu.sem_alloc : memref<!tpu.dma_semaphore, #tpu.memory_space<semaphore_mem>>
        %dma_start3A = arith.constant 0 : i32
        %dma_start3A_53 = tpu.memref_slice %arg7[%add3A_52, %dma_start3A] : memref<20480x128xf32, #tpu.memory_space<hbm>> -> memref<128x128xf32, #tpu.memory_space<hbm>>
        %dma_start3A_54 = arith.constant 0 : i32
        %dma_start3A_55 = tpu.memref_slice %arg7[%add3A_52, %dma_start3A_54] : memref<20480x128xf32, #tpu.memory_space<hbm>> -> memref<128x128xf32, #tpu.memory_space<hbm>>
        tpu.enqueue_dma source(%arg11 : memref<128x128xf32, #tpu.memory_space<vmem>>) target(%dma_start3A_55 : memref<128x128xf32, #tpu.memory_space<hbm>>) target_semaphore(%run_scoped3A : memref<!tpu.dma_semaphore, #tpu.memory_space<semaphore_mem>>)
        %dma_wait3A = arith.constant 0 : i32
        %dma_wait3A_56 = tpu.memref_slice %arg7[%add3A_52, %dma_wait3A] : memref<20480x128xf32, #tpu.memory_space<hbm>> -> memref<128x128xf32, #tpu.memory_space<hbm>>
        %dma_wait3A_57 = arith.constant 0 : i32
        %dma_wait3A_58 = tpu.memref_slice %arg7[%add3A_52, %dma_wait3A_57] : memref<20480x128xf32, #tpu.memory_space<hbm>> -> memref<128x128xf32, #tpu.memory_space<hbm>>
        tpu.wait_dma2 semaphore(%run_scoped3A : memref<!tpu.dma_semaphore, #tpu.memory_space<semaphore_mem>>) src(%arg11 : memref<128x128xf32, #tpu.memory_space<vmem>>) dst(%dma_wait3A_58 : memref<128x128xf32, #tpu.memory_space<hbm>>)
        tpu.yield
      }) : () -> ()
    }
    %scan3A_25 = arith.constant 5 : i32
    "tpu.region"() ({
      %run_scoped3A = tpu.sem_alloc : memref<!tpu.dma_semaphore, #tpu.memory_space<semaphore_mem>>
      tpu.enqueue_dma source(%arg5 : memref<128x128xf32, #tpu.memory_space<hbm>>) target(%arg11 : memref<128x128xf32, #tpu.memory_space<vmem>>) target_semaphore(%run_scoped3A : memref<!tpu.dma_semaphore, #tpu.memory_space<semaphore_mem>>)
      tpu.wait_dma2 semaphore(%run_scoped3A : memref<!tpu.dma_semaphore, #tpu.memory_space<semaphore_mem>>) src(%arg5 : memref<128x128xf32, #tpu.memory_space<hbm>>) dst(%arg11 : memref<128x128xf32, #tpu.memory_space<vmem>>)
      tpu.yield
    }) : () -> ()
    %scan3A_26 = arith.constant 0 : i32
    %scan3A_27 = arith.constant 0 : i32
    %scan3A_28 = arith.constant 5 : i32
    %scan3A_29 = arith.addi %scan3A_27, %scan3A_28 : i32
    %scan3A_30 = arith.constant 1 : i32
    scf.for %scan3A_46 = %scan3A_27 to %scan3A_29 step %scan3A_30  : i32 {
      %mul3A_47 = arith.constant 128 : i32
      %mul3A_48 = arith.muli %scan3A_46, %mul3A_47 : i32
      %add3A_49 = arith.addi %mul3A_2, %mul3A_48 : i32
      "tpu.region"() ({
        %run_scoped3A = tpu.sem_alloc : memref<!tpu.dma_semaphore, #tpu.memory_space<semaphore_mem>>
        %dma_start3A = arith.constant 0 : i32
        %dma_start3A_50 = tpu.memref_slice %arg15[%add3A_49, %dma_start3A] : memref<10240x128xf32, #tpu.memory_space<vmem_shared>> -> memref<128x128xf32, #tpu.memory_space<vmem_shared>>
        %dma_start3A_51 = arith.constant 0 : i32
        %dma_start3A_52 = tpu.memref_slice %arg15[%add3A_49, %dma_start3A_51] : memref<10240x128xf32, #tpu.memory_space<vmem_shared>> -> memref<128x128xf32, #tpu.memory_space<vmem_shared>>
        tpu.enqueue_dma source(%arg11 : memref<128x128xf32, #tpu.memory_space<vmem>>) target(%dma_start3A_52 : memref<128x128xf32, #tpu.memory_space<vmem_shared>>) target_semaphore(%run_scoped3A : memref<!tpu.dma_semaphore, #tpu.memory_space<semaphore_mem>>)
        %dma_wait3A = arith.constant 0 : i32
        %dma_wait3A_53 = tpu.memref_slice %arg15[%add3A_49, %dma_wait3A] : memref<10240x128xf32, #tpu.memory_space<vmem_shared>> -> memref<128x128xf32, #tpu.memory_space<vmem_shared>>
        %dma_wait3A_54 = arith.constant 0 : i32
        %dma_wait3A_55 = tpu.memref_slice %arg15[%add3A_49, %dma_wait3A_54] : memref<10240x128xf32, #tpu.memory_space<vmem_shared>> -> memref<128x128xf32, #tpu.memory_space<vmem_shared>>
        tpu.wait_dma2 semaphore(%run_scoped3A : memref<!tpu.dma_semaphore, #tpu.memory_space<semaphore_mem>>) src(%arg11 : memref<128x128xf32, #tpu.memory_space<vmem>>) dst(%dma_wait3A_55 : memref<128x128xf32, #tpu.memory_space<vmem_shared>>)
        tpu.yield
      }) : () -> ()
    }
    %scan3A_31 = arith.constant 5 : i32
    %barrier3A_32 = arith.constant 0 : index
    tpu.barrier barrier_id(%barrier3A_32)
    "tpu.region"() ({
      %run_scoped3A = tpu.sem_alloc : memref<!tpu.dma_semaphore, #tpu.memory_space<semaphore_mem>>
      tpu.enqueue_dma source(%arg6 : memref<128x128xf32, #tpu.memory_space<hbm>>) target(%arg11 : memref<128x128xf32, #tpu.memory_space<vmem>>) target_semaphore(%run_scoped3A : memref<!tpu.dma_semaphore, #tpu.memory_space<semaphore_mem>>)
      tpu.wait_dma2 semaphore(%run_scoped3A : memref<!tpu.dma_semaphore, #tpu.memory_space<semaphore_mem>>) src(%arg6 : memref<128x128xf32, #tpu.memory_space<hbm>>) dst(%arg11 : memref<128x128xf32, #tpu.memory_space<vmem>>)
      tpu.yield
    }) : () -> ()
    %scan3A_33 = arith.constant 0 : i32
    %scan3A_34 = arith.constant 0 : i32
    %scan3A_35 = arith.constant 10 : i32
    %scan3A_36 = arith.addi %scan3A_34, %scan3A_35 : i32
    %scan3A_37 = arith.constant 1 : i32
    scf.for %scan3A_46 = %scan3A_34 to %scan3A_36 step %scan3A_37  : i32 {
      %mul3A_47 = arith.constant 8 : i32
      %mul3A_48 = arith.muli %scan3A_46, %mul3A_47 : i32
      %add3A_49 = arith.addi %mul3A_9, %mul3A_48 : i32
      "tpu.region"() ({
        %run_scoped3A = tpu.sem_alloc : memref<!tpu.dma_semaphore, #tpu.memory_space<semaphore_mem>>
        %dma_start3A_160 = arith.constant 0 : i32
        %dma_start3A_161 = tpu.memref_slice %arg4[%add3A_49, %dma_start3A_160] : memref<2560x128xi32, #tpu.memory_space<hbm>> -> memref<8x128xi32, #tpu.memory_space<hbm>>
        %dma_start3A_162 = arith.constant 0 : i32
        %dma_start3A_163 = tpu.memref_slice %arg4[%add3A_49, %dma_start3A_162] : memref<2560x128xi32, #tpu.memory_space<hbm>> -> memref<8x128xi32, #tpu.memory_space<hbm>>
        tpu.enqueue_dma source(%dma_start3A_163 : memref<8x128xi32, #tpu.memory_space<hbm>>) target(%arg10 : memref<8x128xi32, #tpu.memory_space<vmem>>) target_semaphore(%run_scoped3A : memref<!tpu.dma_semaphore, #tpu.memory_space<semaphore_mem>>)
        %dma_wait3A_164 = arith.constant 0 : i32
        %dma_wait3A_165 = tpu.memref_slice %arg4[%add3A_49, %dma_wait3A_164] : memref<2560x128xi32, #tpu.memory_space<hbm>> -> memref<8x128xi32, #tpu.memory_space<hbm>>
        %dma_wait3A_166 = arith.constant 0 : i32
        %dma_wait3A_167 = tpu.memref_slice %arg4[%add3A_49, %dma_wait3A_166] : memref<2560x128xi32, #tpu.memory_space<hbm>> -> memref<8x128xi32, #tpu.memory_space<hbm>>
        tpu.wait_dma2 semaphore(%run_scoped3A : memref<!tpu.dma_semaphore, #tpu.memory_space<semaphore_mem>>) src(%dma_wait3A_167 : memref<8x128xi32, #tpu.memory_space<hbm>>) dst(%arg10 : memref<8x128xi32, #tpu.memory_space<vmem>>)
        tpu.yield
      }) : () -> ()
      %dma_start3A = arith.constant 0 : i32
      %dma_start3A_50 = arith.constant 0 : i32
      %dma_start3A_51 = tpu.memref_slice %arg10[%dma_start3A, %dma_start3A_50] : memref<8x128xi32, #tpu.memory_space<vmem>> -> memref<1x128xi32, #tpu.memory_space<vmem>>
      %dma_start3A_52 = tpu.memref_squeeze %dma_start3A_51 : memref<1x128xi32, #tpu.memory_space<vmem>> -> memref<128xi32, #tpu.memory_space<vmem>>
      %dma_start3A_53 = arith.constant 0 : i32
      %dma_start3A_54 = arith.constant 0 : i32
      %dma_start3A_55 = tpu.memref_slice %arg15[%dma_start3A_53, %dma_start3A_54] : memref<10240x128xf32, #tpu.memory_space<vmem_shared>> -> memref<10240x128xf32, #tpu.memory_space<vmem_shared>>
      tpu.enqueue_indirect_dma source(%arg11 : memref<128x128xf32, #tpu.memory_space<vmem>>) target(%dma_start3A_55 : memref<10240x128xf32, #tpu.memory_space<vmem_shared>>) offsets(%dma_start3A_52 : memref<128xi32, #tpu.memory_space<vmem>>) semaphore(%arg14 : memref<!tpu.dma_semaphore, #tpu.memory_space<semaphore_mem>>) {add = true}
      %dma_start3A_56 = arith.constant 1 : i32
      %dma_start3A_57 = arith.constant 0 : i32
      %dma_start3A_58 = tpu.memref_slice %arg10[%dma_start3A_56, %dma_start3A_57] : memref<8x128xi32, #tpu.memory_space<vmem>> -> memref<1x128xi32, #tpu.memory_space<vmem>>
      %dma_start3A_59 = tpu.memref_squeeze %dma_start3A_58 : memref<1x128xi32, #tpu.memory_space<vmem>> -> memref<128xi32, #tpu.memory_space<vmem>>
      %dma_start3A_60 = arith.constant 0 : i32
      %dma_start3A_61 = arith.constant 0 : i32
      %dma_start3A_62 = tpu.memref_slice %arg15[%dma_start3A_60, %dma_start3A_61] : memref<10240x128xf32, #tpu.memory_space<vmem_shared>> -> memref<10240x128xf32, #tpu.memory_space<vmem_shared>>
      tpu.enqueue_indirect_dma source(%arg11 : memref<128x128xf32, #tpu.memory_space<vmem>>) target(%dma_start3A_62 : memref<10240x128xf32, #tpu.memory_space<vmem_shared>>) offsets(%dma_start3A_59 : memref<128xi32, #tpu.memory_space<vmem>>) semaphore(%arg14 : memref<!tpu.dma_semaphore, #tpu.memory_space<semaphore_mem>>) {add = true}
      %dma_start3A_63 = arith.constant 2 : i32
      %dma_start3A_64 = arith.constant 0 : i32
      %dma_start3A_65 = tpu.memref_slice %arg10[%dma_start3A_63, %dma_start3A_64] : memref<8x128xi32, #tpu.memory_space<vmem>> -> memref<1x128xi32, #tpu.memory_space<vmem>>
      %dma_start3A_66 = tpu.memref_squeeze %dma_start3A_65 : memref<1x128xi32, #tpu.memory_space<vmem>> -> memref<128xi32, #tpu.memory_space<vmem>>
      %dma_start3A_67 = arith.constant 0 : i32
      %dma_start3A_68 = arith.constant 0 : i32
      %dma_start3A_69 = tpu.memref_slice %arg15[%dma_start3A_67, %dma_start3A_68] : memref<10240x128xf32, #tpu.memory_space<vmem_shared>> -> memref<10240x128xf32, #tpu.memory_space<vmem_shared>>
      tpu.enqueue_indirect_dma source(%arg11 : memref<128x128xf32, #tpu.memory_space<vmem>>) target(%dma_start3A_69 : memref<10240x128xf32, #tpu.memory_space<vmem_shared>>) offsets(%dma_start3A_66 : memref<128xi32, #tpu.memory_space<vmem>>) semaphore(%arg14 : memref<!tpu.dma_semaphore, #tpu.memory_space<semaphore_mem>>) {add = true}
      %dma_start3A_70 = arith.constant 3 : i32
      %dma_start3A_71 = arith.constant 0 : i32
      %dma_start3A_72 = tpu.memref_slice %arg10[%dma_start3A_70, %dma_start3A_71] : memref<8x128xi32, #tpu.memory_space<vmem>> -> memref<1x128xi32, #tpu.memory_space<vmem>>
      %dma_start3A_73 = tpu.memref_squeeze %dma_start3A_72 : memref<1x128xi32, #tpu.memory_space<vmem>> -> memref<128xi32, #tpu.memory_space<vmem>>
      %dma_start3A_74 = arith.constant 0 : i32
      %dma_start3A_75 = arith.constant 0 : i32
      %dma_start3A_76 = tpu.memref_slice %arg15[%dma_start3A_74, %dma_start3A_75] : memref<10240x128xf32, #tpu.memory_space<vmem_shared>> -> memref<10240x128xf32, #tpu.memory_space<vmem_shared>>
      tpu.enqueue_indirect_dma source(%arg11 : memref<128x128xf32, #tpu.memory_space<vmem>>) target(%dma_start3A_76 : memref<10240x128xf32, #tpu.memory_space<vmem_shared>>) offsets(%dma_start3A_73 : memref<128xi32, #tpu.memory_space<vmem>>) semaphore(%arg14 : memref<!tpu.dma_semaphore, #tpu.memory_space<semaphore_mem>>) {add = true}
      %dma_start3A_77 = arith.constant 4 : i32
      %dma_start3A_78 = arith.constant 0 : i32
      %dma_start3A_79 = tpu.memref_slice %arg10[%dma_start3A_77, %dma_start3A_78] : memref<8x128xi32, #tpu.memory_space<vmem>> -> memref<1x128xi32, #tpu.memory_space<vmem>>
      %dma_start3A_80 = tpu.memref_squeeze %dma_start3A_79 : memref<1x128xi32, #tpu.memory_space<vmem>> -> memref<128xi32, #tpu.memory_space<vmem>>
      %dma_start3A_81 = arith.constant 0 : i32
      %dma_start3A_82 = arith.constant 0 : i32
      %dma_start3A_83 = tpu.memref_slice %arg15[%dma_start3A_81, %dma_start3A_82] : memref<10240x128xf32, #tpu.memory_space<vmem_shared>> -> memref<10240x128xf32, #tpu.memory_space<vmem_shared>>
      tpu.enqueue_indirect_dma source(%arg11 : memref<128x128xf32, #tpu.memory_space<vmem>>) target(%dma_start3A_83 : memref<10240x128xf32, #tpu.memory_space<vmem_shared>>) offsets(%dma_start3A_80 : memref<128xi32, #tpu.memory_space<vmem>>) semaphore(%arg14 : memref<!tpu.dma_semaphore, #tpu.memory_space<semaphore_mem>>) {add = true}
      %dma_start3A_84 = arith.constant 5 : i32
      %dma_start3A_85 = arith.constant 0 : i32
      %dma_start3A_86 = tpu.memref_slice %arg10[%dma_start3A_84, %dma_start3A_85] : memref<8x128xi32, #tpu.memory_space<vmem>> -> memref<1x128xi32, #tpu.memory_space<vmem>>
      %dma_start3A_87 = tpu.memref_squeeze %dma_start3A_86 : memref<1x128xi32, #tpu.memory_space<vmem>> -> memref<128xi32, #tpu.memory_space<vmem>>
      %dma_start3A_88 = arith.constant 0 : i32
      %dma_start3A_89 = arith.constant 0 : i32
      %dma_start3A_90 = tpu.memref_slice %arg15[%dma_start3A_88, %dma_start3A_89] : memref<10240x128xf32, #tpu.memory_space<vmem_shared>> -> memref<10240x128xf32, #tpu.memory_space<vmem_shared>>
      tpu.enqueue_indirect_dma source(%arg11 : memref<128x128xf32, #tpu.memory_space<vmem>>) target(%dma_start3A_90 : memref<10240x128xf32, #tpu.memory_space<vmem_shared>>) offsets(%dma_start3A_87 : memref<128xi32, #tpu.memory_space<vmem>>) semaphore(%arg14 : memref<!tpu.dma_semaphore, #tpu.memory_space<semaphore_mem>>) {add = true}
      %dma_start3A_91 = arith.constant 6 : i32
      %dma_start3A_92 = arith.constant 0 : i32
      %dma_start3A_93 = tpu.memref_slice %arg10[%dma_start3A_91, %dma_start3A_92] : memref<8x128xi32, #tpu.memory_space<vmem>> -> memref<1x128xi32, #tpu.memory_space<vmem>>
      %dma_start3A_94 = tpu.memref_squeeze %dma_start3A_93 : memref<1x128xi32, #tpu.memory_space<vmem>> -> memref<128xi32, #tpu.memory_space<vmem>>
      %dma_start3A_95 = arith.constant 0 : i32
      %dma_start3A_96 = arith.constant 0 : i32
      %dma_start3A_97 = tpu.memref_slice %arg15[%dma_start3A_95, %dma_start3A_96] : memref<10240x128xf32, #tpu.memory_space<vmem_shared>> -> memref<10240x128xf32, #tpu.memory_space<vmem_shared>>
      tpu.enqueue_indirect_dma source(%arg11 : memref<128x128xf32, #tpu.memory_space<vmem>>) target(%dma_start3A_97 : memref<10240x128xf32, #tpu.memory_space<vmem_shared>>) offsets(%dma_start3A_94 : memref<128xi32, #tpu.memory_space<vmem>>) semaphore(%arg14 : memref<!tpu.dma_semaphore, #tpu.memory_space<semaphore_mem>>) {add = true}
      %dma_start3A_98 = arith.constant 7 : i32
      %dma_start3A_99 = arith.constant 0 : i32
      %dma_start3A_100 = tpu.memref_slice %arg10[%dma_start3A_98, %dma_start3A_99] : memref<8x128xi32, #tpu.memory_space<vmem>> -> memref<1x128xi32, #tpu.memory_space<vmem>>
      %dma_start3A_101 = tpu.memref_squeeze %dma_start3A_100 : memref<1x128xi32, #tpu.memory_space<vmem>> -> memref<128xi32, #tpu.memory_space<vmem>>
      %dma_start3A_102 = arith.constant 0 : i32
      %dma_start3A_103 = arith.constant 0 : i32
      %dma_start3A_104 = tpu.memref_slice %arg15[%dma_start3A_102, %dma_start3A_103] : memref<10240x128xf32, #tpu.memory_space<vmem_shared>> -> memref<10240x128xf32, #tpu.memory_space<vmem_shared>>
      tpu.enqueue_indirect_dma source(%arg11 : memref<128x128xf32, #tpu.memory_space<vmem>>) target(%dma_start3A_104 : memref<10240x128xf32, #tpu.memory_space<vmem_shared>>) offsets(%dma_start3A_101 : memref<128xi32, #tpu.memory_space<vmem>>) semaphore(%arg14 : memref<!tpu.dma_semaphore, #tpu.memory_space<semaphore_mem>>) {add = true}
      %dma_wait3A = arith.constant 0 : i32
      %dma_wait3A_105 = arith.constant 0 : i32
      %dma_wait3A_106 = tpu.memref_slice %arg10[%dma_wait3A, %dma_wait3A_105] : memref<8x128xi32, #tpu.memory_space<vmem>> -> memref<1x128xi32, #tpu.memory_space<vmem>>
      %dma_wait3A_107 = tpu.memref_squeeze %dma_wait3A_106 : memref<1x128xi32, #tpu.memory_space<vmem>> -> memref<128xi32, #tpu.memory_space<vmem>>
      %dma_wait3A_108 = arith.constant 0 : i32
      %dma_wait3A_109 = arith.constant 0 : i32
      %dma_wait3A_110 = tpu.memref_slice %arg15[%dma_wait3A_108, %dma_wait3A_109] : memref<10240x128xf32, #tpu.memory_space<vmem_shared>> -> memref<10240x128xf32, #tpu.memory_space<vmem_shared>>
      tpu.wait_indirect_dma semaphore(%arg14 : memref<!tpu.dma_semaphore, #tpu.memory_space<semaphore_mem>>) src(%arg11 : memref<128x128xf32, #tpu.memory_space<vmem>>) dst(%dma_wait3A_110 : memref<10240x128xf32, #tpu.memory_space<vmem_shared>>)
      %dma_wait3A_111 = arith.constant 1 : i32
      %dma_wait3A_112 = arith.constant 0 : i32
      %dma_wait3A_113 = tpu.memref_slice %arg10[%dma_wait3A_111, %dma_wait3A_112] : memref<8x128xi32, #tpu.memory_space<vmem>> -> memref<1x128xi32, #tpu.memory_space<vmem>>
      %dma_wait3A_114 = tpu.memref_squeeze %dma_wait3A_113 : memref<1x128xi32, #tpu.memory_space<vmem>> -> memref<128xi32, #tpu.memory_space<vmem>>
      %dma_wait3A_115 = arith.constant 0 : i32
      %dma_wait3A_116 = arith.constant 0 : i32
      %dma_wait3A_117 = tpu.memref_slice %arg15[%dma_wait3A_115, %dma_wait3A_116] : memref<10240x128xf32, #tpu.memory_space<vmem_shared>> -> memref<10240x128xf32, #tpu.memory_space<vmem_shared>>
      tpu.wait_indirect_dma semaphore(%arg14 : memref<!tpu.dma_semaphore, #tpu.memory_space<semaphore_mem>>) src(%arg11 : memref<128x128xf32, #tpu.memory_space<vmem>>) dst(%dma_wait3A_117 : memref<10240x128xf32, #tpu.memory_space<vmem_shared>>)
      %dma_wait3A_118 = arith.constant 2 : i32
      %dma_wait3A_119 = arith.constant 0 : i32
      %dma_wait3A_120 = tpu.memref_slice %arg10[%dma_wait3A_118, %dma_wait3A_119] : memref<8x128xi32, #tpu.memory_space<vmem>> -> memref<1x128xi32, #tpu.memory_space<vmem>>
      %dma_wait3A_121 = tpu.memref_squeeze %dma_wait3A_120 : memref<1x128xi32, #tpu.memory_space<vmem>> -> memref<128xi32, #tpu.memory_space<vmem>>
      %dma_wait3A_122 = arith.constant 0 : i32
      %dma_wait3A_123 = arith.constant 0 : i32
      %dma_wait3A_124 = tpu.memref_slice %arg15[%dma_wait3A_122, %dma_wait3A_123] : memref<10240x128xf32, #tpu.memory_space<vmem_shared>> -> memref<10240x128xf32, #tpu.memory_space<vmem_shared>>
      tpu.wait_indirect_dma semaphore(%arg14 : memref<!tpu.dma_semaphore, #tpu.memory_space<semaphore_mem>>) src(%arg11 : memref<128x128xf32, #tpu.memory_space<vmem>>) dst(%dma_wait3A_124 : memref<10240x128xf32, #tpu.memory_space<vmem_shared>>)
      %dma_wait3A_125 = arith.constant 3 : i32
      %dma_wait3A_126 = arith.constant 0 : i32
      %dma_wait3A_127 = tpu.memref_slice %arg10[%dma_wait3A_125, %dma_wait3A_126] : memref<8x128xi32, #tpu.memory_space<vmem>> -> memref<1x128xi32, #tpu.memory_space<vmem>>
      %dma_wait3A_128 = tpu.memref_squeeze %dma_wait3A_127 : memref<1x128xi32, #tpu.memory_space<vmem>> -> memref<128xi32, #tpu.memory_space<vmem>>
      %dma_wait3A_129 = arith.constant 0 : i32
      %dma_wait3A_130 = arith.constant 0 : i32
      %dma_wait3A_131 = tpu.memref_slice %arg15[%dma_wait3A_129, %dma_wait3A_130] : memref<10240x128xf32, #tpu.memory_space<vmem_shared>> -> memref<10240x128xf32, #tpu.memory_space<vmem_shared>>
      tpu.wait_indirect_dma semaphore(%arg14 : memref<!tpu.dma_semaphore, #tpu.memory_space<semaphore_mem>>) src(%arg11 : memref<128x128xf32, #tpu.memory_space<vmem>>) dst(%dma_wait3A_131 : memref<10240x128xf32, #tpu.memory_space<vmem_shared>>)
      %dma_wait3A_132 = arith.constant 4 : i32
      %dma_wait3A_133 = arith.constant 0 : i32
      %dma_wait3A_134 = tpu.memref_slice %arg10[%dma_wait3A_132, %dma_wait3A_133] : memref<8x128xi32, #tpu.memory_space<vmem>> -> memref<1x128xi32, #tpu.memory_space<vmem>>
      %dma_wait3A_135 = tpu.memref_squeeze %dma_wait3A_134 : memref<1x128xi32, #tpu.memory_space<vmem>> -> memref<128xi32, #tpu.memory_space<vmem>>
      %dma_wait3A_136 = arith.constant 0 : i32
      %dma_wait3A_137 = arith.constant 0 : i32
      %dma_wait3A_138 = tpu.memref_slice %arg15[%dma_wait3A_136, %dma_wait3A_137] : memref<10240x128xf32, #tpu.memory_space<vmem_shared>> -> memref<10240x128xf32, #tpu.memory_space<vmem_shared>>
      tpu.wait_indirect_dma semaphore(%arg14 : memref<!tpu.dma_semaphore, #tpu.memory_space<semaphore_mem>>) src(%arg11 : memref<128x128xf32, #tpu.memory_space<vmem>>) dst(%dma_wait3A_138 : memref<10240x128xf32, #tpu.memory_space<vmem_shared>>)
      %dma_wait3A_139 = arith.constant 5 : i32
      %dma_wait3A_140 = arith.constant 0 : i32
      %dma_wait3A_141 = tpu.memref_slice %arg10[%dma_wait3A_139, %dma_wait3A_140] : memref<8x128xi32, #tpu.memory_space<vmem>> -> memref<1x128xi32, #tpu.memory_space<vmem>>
      %dma_wait3A_142 = tpu.memref_squeeze %dma_wait3A_141 : memref<1x128xi32, #tpu.memory_space<vmem>> -> memref<128xi32, #tpu.memory_space<vmem>>
      %dma_wait3A_143 = arith.constant 0 : i32
      %dma_wait3A_144 = arith.constant 0 : i32
      %dma_wait3A_145 = tpu.memref_slice %arg15[%dma_wait3A_143, %dma_wait3A_144] : memref<10240x128xf32, #tpu.memory_space<vmem_shared>> -> memref<10240x128xf32, #tpu.memory_space<vmem_shared>>
      tpu.wait_indirect_dma semaphore(%arg14 : memref<!tpu.dma_semaphore, #tpu.memory_space<semaphore_mem>>) src(%arg11 : memref<128x128xf32, #tpu.memory_space<vmem>>) dst(%dma_wait3A_145 : memref<10240x128xf32, #tpu.memory_space<vmem_shared>>)
      %dma_wait3A_146 = arith.constant 6 : i32
      %dma_wait3A_147 = arith.constant 0 : i32
      %dma_wait3A_148 = tpu.memref_slice %arg10[%dma_wait3A_146, %dma_wait3A_147] : memref<8x128xi32, #tpu.memory_space<vmem>> -> memref<1x128xi32, #tpu.memory_space<vmem>>
      %dma_wait3A_149 = tpu.memref_squeeze %dma_wait3A_148 : memref<1x128xi32, #tpu.memory_space<vmem>> -> memref<128xi32, #tpu.memory_space<vmem>>
      %dma_wait3A_150 = arith.constant 0 : i32
      %dma_wait3A_151 = arith.constant 0 : i32
      %dma_wait3A_152 = tpu.memref_slice %arg15[%dma_wait3A_150, %dma_wait3A_151] : memref<10240x128xf32, #tpu.memory_space<vmem_shared>> -> memref<10240x128xf32, #tpu.memory_space<vmem_shared>>
      tpu.wait_indirect_dma semaphore(%arg14 : memref<!tpu.dma_semaphore, #tpu.memory_space<semaphore_mem>>) src(%arg11 : memref<128x128xf32, #tpu.memory_space<vmem>>) dst(%dma_wait3A_152 : memref<10240x128xf32, #tpu.memory_space<vmem_shared>>)
      %dma_wait3A_153 = arith.constant 7 : i32
      %dma_wait3A_154 = arith.constant 0 : i32
      %dma_wait3A_155 = tpu.memref_slice %arg10[%dma_wait3A_153, %dma_wait3A_154] : memref<8x128xi32, #tpu.memory_space<vmem>> -> memref<1x128xi32, #tpu.memory_space<vmem>>
      %dma_wait3A_156 = tpu.memref_squeeze %dma_wait3A_155 : memref<1x128xi32, #tpu.memory_space<vmem>> -> memref<128xi32, #tpu.memory_space<vmem>>
      %dma_wait3A_157 = arith.constant 0 : i32
      %dma_wait3A_158 = arith.constant 0 : i32
      %dma_wait3A_159 = tpu.memref_slice %arg15[%dma_wait3A_157, %dma_wait3A_158] : memref<10240x128xf32, #tpu.memory_space<vmem_shared>> -> memref<10240x128xf32, #tpu.memory_space<vmem_shared>>
      tpu.wait_indirect_dma semaphore(%arg14 : memref<!tpu.dma_semaphore, #tpu.memory_space<semaphore_mem>>) src(%arg11 : memref<128x128xf32, #tpu.memory_space<vmem>>) dst(%dma_wait3A_159 : memref<10240x128xf32, #tpu.memory_space<vmem_shared>>)
    }
    %scan3A_38 = arith.constant 10 : i32
    %barrier3A_39 = arith.constant 0 : index
    tpu.barrier barrier_id(%barrier3A_39)
    %scan3A_40 = arith.constant 0 : i32
    %scan3A_41 = arith.constant 0 : i32
    %scan3A_42 = arith.constant 5 : i32
    %scan3A_43 = arith.addi %scan3A_41, %scan3A_42 : i32
    %scan3A_44 = arith.constant 1 : i32
    scf.for %scan3A_46 = %scan3A_41 to %scan3A_43 step %scan3A_44  : i32 {
      %mul3A_47 = arith.constant 128 : i32
      %mul3A_48 = arith.muli %scan3A_46, %mul3A_47 : i32
      %add3A_49 = arith.addi %mul3A_2, %mul3A_48 : i32
      "tpu.region"() ({
        %run_scoped3A = tpu.sem_alloc : memref<!tpu.dma_semaphore, #tpu.memory_space<semaphore_mem>>
        %dma_start3A = arith.constant 0 : i32
        %dma_start3A_53 = tpu.memref_slice %arg15[%add3A_49, %dma_start3A] : memref<10240x128xf32, #tpu.memory_space<vmem_shared>> -> memref<128x128xf32, #tpu.memory_space<vmem_shared>>
        %dma_start3A_54 = arith.constant 0 : i32
        %dma_start3A_55 = tpu.memref_slice %arg15[%add3A_49, %dma_start3A_54] : memref<10240x128xf32, #tpu.memory_space<vmem_shared>> -> memref<128x128xf32, #tpu.memory_space<vmem_shared>>
        tpu.enqueue_dma source(%dma_start3A_55 : memref<128x128xf32, #tpu.memory_space<vmem_shared>>) target(%arg11 : memref<128x128xf32, #tpu.memory_space<vmem>>) target_semaphore(%run_scoped3A : memref<!tpu.dma_semaphore, #tpu.memory_space<semaphore_mem>>)
        %dma_wait3A = arith.constant 0 : i32
        %dma_wait3A_56 = tpu.memref_slice %arg15[%add3A_49, %dma_wait3A] : memref<10240x128xf32, #tpu.memory_space<vmem_shared>> -> memref<128x128xf32, #tpu.memory_space<vmem_shared>>
        %dma_wait3A_57 = arith.constant 0 : i32
        %dma_wait3A_58 = tpu.memref_slice %arg15[%add3A_49, %dma_wait3A_57] : memref<10240x128xf32, #tpu.memory_space<vmem_shared>> -> memref<128x128xf32, #tpu.memory_space<vmem_shared>>
        tpu.wait_dma2 semaphore(%run_scoped3A : memref<!tpu.dma_semaphore, #tpu.memory_space<semaphore_mem>>) src(%dma_wait3A_58 : memref<128x128xf32, #tpu.memory_space<vmem_shared>>) dst(%arg11 : memref<128x128xf32, #tpu.memory_space<vmem>>)
        tpu.yield
      }) : () -> ()
      %mul3A_50 = arith.constant 128 : i32
      %mul3A_51 = arith.muli %scan3A_46, %mul3A_50 : i32
      %add3A_52 = arith.addi %add3A_19, %mul3A_51 : i32
      "tpu.region"() ({
        %run_scoped3A = tpu.sem_alloc : memref<!tpu.dma_semaphore, #tpu.memory_space<semaphore_mem>>
        %dma_start3A = arith.constant 0 : i32
        %dma_start3A_53 = tpu.memref_slice %arg8[%add3A_52, %dma_start3A] : memref<20480x128xf32, #tpu.memory_space<hbm>> -> memref<128x128xf32, #tpu.memory_space<hbm>>
        %dma_start3A_54 = arith.constant 0 : i32
        %dma_start3A_55 = tpu.memref_slice %arg8[%add3A_52, %dma_start3A_54] : memref<20480x128xf32, #tpu.memory_space<hbm>> -> memref<128x128xf32, #tpu.memory_space<hbm>>
        tpu.enqueue_dma source(%arg11 : memref<128x128xf32, #tpu.memory_space<vmem>>) target(%dma_start3A_55 : memref<128x128xf32, #tpu.memory_space<hbm>>) target_semaphore(%run_scoped3A : memref<!tpu.dma_semaphore, #tpu.memory_space<semaphore_mem>>)
        %dma_wait3A = arith.constant 0 : i32
        %dma_wait3A_56 = tpu.memref_slice %arg8[%add3A_52, %dma_wait3A] : memref<20480x128xf32, #tpu.memory_space<hbm>> -> memref<128x128xf32, #tpu.memory_space<hbm>>
        %dma_wait3A_57 = arith.constant 0 : i32
        %dma_wait3A_58 = tpu.memref_slice %arg8[%add3A_52, %dma_wait3A_57] : memref<20480x128xf32, #tpu.memory_space<hbm>> -> memref<128x128xf32, #tpu.memory_space<hbm>>
        tpu.wait_dma2 semaphore(%run_scoped3A : memref<!tpu.dma_semaphore, #tpu.memory_space<semaphore_mem>>) src(%arg11 : memref<128x128xf32, #tpu.memory_space<vmem>>) dst(%dma_wait3A_58 : memref<128x128xf32, #tpu.memory_space<hbm>>)
        tpu.yield
      }) : () -> ()
    }
    %scan3A_45 = arith.constant 5 : i32
    return
  }
}

module attributes {stable_mosaic.version = 14 : i64} {
  func.func @_inproj_body(%arg0: i32, %arg1: memref<512x128xf32, #tpu.memory_space<vmem>>, %arg2: memref<128x128xf32, #tpu.memory_space<vmem>>, %arg3: memref<1x128xf32, #tpu.memory_space<vmem>>, %arg4: memref<128x16xf32, #tpu.memory_space<vmem>>, %arg5: memref<16x128xf32, #tpu.memory_space<vmem>>, %arg6: memref<1x128xf32, #tpu.memory_space<vmem>>, %arg7: memref<1x128xf32, #tpu.memory_space<vmem>>, %arg8: memref<512x128xf32, #tpu.memory_space<vmem>>) attributes {dimension_semantics = [#tpu.dimension_semantics<arbitrary>], iteration_bounds = array<i64: 20>, scalar_prefetch = 0 : i64, scratch_operands = 0 : i64, tpu.core_type = #tpu.core_type<tc>, window_params = [{transform_indices = @transform_0, window_bounds = array<i64: 512, 128>}, {pipeline_mode = #tpu.pipeline_mode<synchronous>, transform_indices = @transform_1, window_bounds = array<i64: 128, 128>}, {pipeline_mode = #tpu.pipeline_mode<synchronous>, transform_indices = @transform_2, window_bounds = array<i64: 1, 128>}, {pipeline_mode = #tpu.pipeline_mode<synchronous>, transform_indices = @transform_3, window_bounds = array<i64: 128, 16>}, {pipeline_mode = #tpu.pipeline_mode<synchronous>, transform_indices = @transform_4, window_bounds = array<i64: 16, 128>}, {pipeline_mode = #tpu.pipeline_mode<synchronous>, transform_indices = @transform_5, window_bounds = array<i64: 1, 128>}, {pipeline_mode = #tpu.pipeline_mode<synchronous>, transform_indices = @transform_6, window_bounds = array<i64: 1, 128>}, {transform_indices = @transform_7, window_bounds = array<i64: 512, 128>}]} {
    %get3A = arith.constant 0 : index
    %get3A_0 = arith.constant 0 : index
    %get3A_1 = vector.load %arg1[%get3A, %get3A_0] : memref<512x128xf32, #tpu.memory_space<vmem>>, vector<512x128xf32>
    %get3A_2 = arith.constant 0 : index
    %get3A_3 = arith.constant 0 : index
    %get3A_4 = vector.load %arg2[%get3A_2, %get3A_3] : memref<128x128xf32, #tpu.memory_space<vmem>>, vector<128x128xf32>
    %dot_general3A = arith.constant dense<0.000000e+00> : vector<512x128xf32>
    %dot_general3A_5 = tpu.matmul %get3A_1, %get3A_4, %dot_general3A {dimension_numbers = #tpu.dot_dimension_numbers<[1], [0], [0], [1], [0, 0, 1, 1], [], []>, transpose_lhs_hint = false} : vector<512x128xf32>, vector<128x128xf32>, vector<512x128xf32> -> vector<512x128xf32>
    %get3A_6 = arith.constant 0 : index
    %get3A_7 = arith.constant 0 : index
    %get3A_8 = vector.load %arg4[%get3A_6, %get3A_7] : memref<128x16xf32, #tpu.memory_space<vmem>>, vector<128x16xf32>
    %dot_general3A_9 = arith.constant dense<0.000000e+00> : vector<512x16xf32>
    %dot_general3A_10 = tpu.matmul %get3A_1, %get3A_8, %dot_general3A_9 {dimension_numbers = #tpu.dot_dimension_numbers<[1], [0], [0], [1], [0, 0, 1, 1], [], []>, transpose_lhs_hint = false} : vector<512x128xf32>, vector<128x16xf32>, vector<512x16xf32> -> vector<512x16xf32>
    %get3A_11 = arith.constant 0 : index
    %get3A_12 = arith.constant 0 : index
    %get3A_13 = vector.load %arg5[%get3A_11, %get3A_12] : memref<16x128xf32, #tpu.memory_space<vmem>>, vector<16x128xf32>
    %dot_general3A_14 = arith.constant dense<0.000000e+00> : vector<512x128xf32>
    %dot_general3A_15 = tpu.matmul %dot_general3A_10, %get3A_13, %dot_general3A_14 {dimension_numbers = #tpu.dot_dimension_numbers<[1], [0], [0], [1], [0, 0, 1, 1], [], []>, transpose_lhs_hint = false} : vector<512x16xf32>, vector<16x128xf32>, vector<512x128xf32> -> vector<512x128xf32>
    %add3A = arith.addf %dot_general3A_5, %dot_general3A_15 : vector<512x128xf32>
    %get3A_16 = arith.constant 0 : index
    %get3A_17 = arith.constant 0 : index
    %get3A_18 = vector.load %arg3[%get3A_16, %get3A_17] : memref<1x128xf32, #tpu.memory_space<vmem>>, vector<1x128xf32>
    %add3A_19 = vector.broadcast %get3A_18 : vector<1x128xf32> to vector<512x128xf32>
    %add3A_20 = arith.addf %add3A, %add3A_19 : vector<512x128xf32>
    %get3A_21 = arith.constant 0 : index
    %get3A_22 = arith.constant 0 : index
    %get3A_23 = vector.load %arg6[%get3A_21, %get3A_22] : memref<1x128xf32, #tpu.memory_space<vmem>>, vector<1x128xf32>
    %get3A_24 = arith.constant 0 : index
    %get3A_25 = arith.constant 0 : index
    %get3A_26 = vector.load %arg7[%get3A_24, %get3A_25] : memref<1x128xf32, #tpu.memory_space<vmem>>, vector<1x128xf32>
    %reduce_sum3A = arith.constant dense<0.000000e+00> : vector<512xf32>
    %reduce_sum3A_27 = vector.multi_reduction <add>, %add3A_20, %reduce_sum3A [1] : vector<512x128xf32> to vector<512xf32>
    %broadcast_in_dim3A = vector.shape_cast %reduce_sum3A_27 : vector<512xf32> to vector<512x1xf32>
    %div3A = arith.constant 1.280000e+02 : f32
    %div3A_28 = vector.broadcast %div3A : f32 to vector<512x1xf32>
    %div3A_29 = arith.divf %broadcast_in_dim3A, %div3A_28 : vector<512x1xf32>
    %sub3A = vector.broadcast %div3A_29 : vector<512x1xf32> to vector<512x128xf32>
    %sub3A_30 = arith.subf %add3A_20, %sub3A : vector<512x128xf32>
    %integer_pow3A = arith.mulf %sub3A_30, %sub3A_30 : vector<512x128xf32>
    %reduce_sum3A_31 = arith.constant dense<0.000000e+00> : vector<512xf32>
    %reduce_sum3A_32 = vector.multi_reduction <add>, %integer_pow3A, %reduce_sum3A_31 [1] : vector<512x128xf32> to vector<512xf32>
    %broadcast_in_dim3A_33 = vector.shape_cast %reduce_sum3A_32 : vector<512xf32> to vector<512x1xf32>
    %div3A_34 = arith.constant 1.280000e+02 : f32
    %div3A_35 = vector.broadcast %div3A_34 : f32 to vector<512x1xf32>
    %div3A_36 = arith.divf %broadcast_in_dim3A_33, %div3A_35 : vector<512x1xf32>
    %sub3A_37 = vector.broadcast %div3A_29 : vector<512x1xf32> to vector<512x128xf32>
    %sub3A_38 = arith.subf %add3A_20, %sub3A_37 : vector<512x128xf32>
    %add3A_39 = arith.constant 9.99999974E-6 : f32
    %add3A_40 = vector.broadcast %add3A_39 : f32 to vector<512x1xf32>
    %add3A_41 = arith.addf %div3A_36, %add3A_40 : vector<512x1xf32>
    %rsqrt3A = math.rsqrt %add3A_41 : vector<512x1xf32>
    %mul3A = vector.broadcast %rsqrt3A : vector<512x1xf32> to vector<512x128xf32>
    %mul3A_42 = arith.mulf %sub3A_38, %mul3A : vector<512x128xf32>
    %mul3A_43 = vector.broadcast %get3A_23 : vector<1x128xf32> to vector<512x128xf32>
    %mul3A_44 = arith.mulf %mul3A_42, %mul3A_43 : vector<512x128xf32>
    %add3A_45 = vector.broadcast %get3A_26 : vector<1x128xf32> to vector<512x128xf32>
    %add3A_46 = arith.addf %mul3A_44, %add3A_45 : vector<512x128xf32>
    %swap3A = arith.constant 0 : index
    %swap3A_47 = arith.constant 0 : index
    %swap3A_48 = vector.load %arg8[%swap3A, %swap3A_47] : memref<512x128xf32, #tpu.memory_space<vmem>>, vector<512x128xf32>
    tpu.vector_store %arg8[%swap3A, %swap3A_47], %add3A_46 {strides = array<i32>} : memref<512x128xf32, #tpu.memory_space<vmem>>, vector<512x128xf32>,
    return
  }
  func.func @transform_0(%arg0: i32) -> (i32, i32) {
    %c0_i32 = arith.constant 0 : i32
    %c0_i32_0 = arith.constant 0 : i32
    return %arg0, %c0_i32 : i32, i32
  }
  func.func @transform_1(%arg0: i32) -> (i32, i32) {
    %c0_i32 = arith.constant 0 : i32
    %c0_i32_0 = arith.constant 0 : i32
    %c0_i32_1 = arith.constant 0 : i32
    return %c0_i32, %c0_i32_0 : i32, i32
  }
  func.func @transform_2(%arg0: i32) -> (i32, i32) {
    %c0_i32 = arith.constant 0 : i32
    %c0_i32_0 = arith.constant 0 : i32
    %c0_i32_1 = arith.constant 0 : i32
    return %c0_i32, %c0_i32_0 : i32, i32
  }
  func.func @transform_3(%arg0: i32) -> (i32, i32) {
    %c0_i32 = arith.constant 0 : i32
    %c0_i32_0 = arith.constant 0 : i32
    %c0_i32_1 = arith.constant 0 : i32
    return %c0_i32, %c0_i32_0 : i32, i32
  }
  func.func @transform_4(%arg0: i32) -> (i32, i32) {
    %c0_i32 = arith.constant 0 : i32
    %c0_i32_0 = arith.constant 0 : i32
    %c0_i32_1 = arith.constant 0 : i32
    return %c0_i32, %c0_i32_0 : i32, i32
  }
  func.func @transform_5(%arg0: i32) -> (i32, i32) {
    %c0_i32 = arith.constant 0 : i32
    %c0_i32_0 = arith.constant 0 : i32
    %c0_i32_1 = arith.constant 0 : i32
    return %c0_i32, %c0_i32_0 : i32, i32
  }
  func.func @transform_6(%arg0: i32) -> (i32, i32) {
    %c0_i32 = arith.constant 0 : i32
    %c0_i32_0 = arith.constant 0 : i32
    %c0_i32_1 = arith.constant 0 : i32
    return %c0_i32, %c0_i32_0 : i32, i32
  }
  func.func @transform_7(%arg0: i32) -> (i32, i32) {
    %c0_i32 = arith.constant 0 : i32
    %c0_i32_0 = arith.constant 0 : i32
    return %arg0, %c0_i32 : i32, i32
  }
}

module attributes {stable_mosaic.version = 14 : i64} {
  func.func @_layer_body(%arg0: i32, %arg1: memref<640x128xf32, #tpu.memory_space<vmem>>, %arg2: memref<2x640x128xf32, #tpu.memory_space<vmem>>, %arg3: memref<2x640x128xf32, #tpu.memory_space<vmem>>, %arg4: memref<128x128xf32, #tpu.memory_space<vmem>>, %arg5: memref<128x128xf32, #tpu.memory_space<vmem>>, %arg6: memref<1x128xf32, #tpu.memory_space<vmem>>, %arg7: memref<1x128xf32, #tpu.memory_space<vmem>>, %arg8: memref<1x128xf32, #tpu.memory_space<vmem>>, %arg9: memref<640x128xf32, #tpu.memory_space<vmem>>) attributes {dimension_semantics = [#tpu.dimension_semantics<arbitrary>], iteration_bounds = array<i64: 16>, scalar_prefetch = 0 : i64, scratch_operands = 0 : i64, tpu.core_type = #tpu.core_type<tc>, window_params = [{transform_indices = @transform_0, window_bounds = array<i64: 640, 128>}, {transform_indices = @transform_1, window_bounds = array<i64: 2, 640, 128>}, {transform_indices = @transform_2, window_bounds = array<i64: 2, 640, 128>}, {pipeline_mode = #tpu.pipeline_mode<synchronous>, transform_indices = @transform_3, window_bounds = array<i64: 128, 128>}, {pipeline_mode = #tpu.pipeline_mode<synchronous>, transform_indices = @transform_4, window_bounds = array<i64: 128, 128>}, {pipeline_mode = #tpu.pipeline_mode<synchronous>, transform_indices = @transform_5, window_bounds = array<i64: 1, 128>}, {pipeline_mode = #tpu.pipeline_mode<synchronous>, transform_indices = @transform_6, window_bounds = array<i64: 1, 128>}, {pipeline_mode = #tpu.pipeline_mode<synchronous>, transform_indices = @transform_7, window_bounds = array<i64: 1, 128>}, {transform_indices = @transform_8, window_bounds = array<i64: 640, 128>}]} {
    %get3A = arith.constant 0 : index
    %get3A_0 = arith.constant 0 : index
    %get3A_1 = vector.load %arg1[%get3A, %get3A_0] : memref<640x128xf32, #tpu.memory_space<vmem>>, vector<640x128xf32>
    %get3A_2 = arith.constant 0 : index
    %get3A_3 = arith.constant 0 : index
    %get3A_4 = arith.constant 0 : index
    %get3A_5 = vector.load %arg2[%get3A_2, %get3A_3, %get3A_4] : memref<2x640x128xf32, #tpu.memory_space<vmem>>, vector<1x640x128xf32>
    %get3A_6 = vector.shape_cast %get3A_5 : vector<1x640x128xf32> to vector<640x128xf32>
    %get3A_7 = arith.constant 1 : index
    %get3A_8 = arith.constant 0 : index
    %get3A_9 = arith.constant 0 : index
    %get3A_10 = vector.load %arg2[%get3A_7, %get3A_8, %get3A_9] : memref<2x640x128xf32, #tpu.memory_space<vmem>>, vector<1x640x128xf32>
    %get3A_11 = vector.shape_cast %get3A_10 : vector<1x640x128xf32> to vector<640x128xf32>
    %add3A = arith.addf %get3A_6, %get3A_11 : vector<640x128xf32>
    %get3A_12 = arith.constant 0 : index
    %get3A_13 = arith.constant 0 : index
    %get3A_14 = arith.constant 0 : index
    %get3A_15 = vector.load %arg3[%get3A_12, %get3A_13, %get3A_14] : memref<2x640x128xf32, #tpu.memory_space<vmem>>, vector<1x640x1xf32>
    %get3A_16 = vector.shape_cast %get3A_15 : vector<1x640x1xf32> to vector<640x1xf32>
    %get3A_17 = arith.constant 1 : index
    %get3A_18 = arith.constant 0 : index
    %get3A_19 = arith.constant 0 : index
    %get3A_20 = vector.load %arg3[%get3A_17, %get3A_18, %get3A_19] : memref<2x640x128xf32, #tpu.memory_space<vmem>>, vector<1x640x1xf32>
    %get3A_21 = vector.shape_cast %get3A_20 : vector<1x640x1xf32> to vector<640x1xf32>
    %add3A_22 = arith.addf %get3A_16, %get3A_21 : vector<640x1xf32>
    %max3A = arith.constant 1.000000e+00 : f32
    %max3A_23 = vector.broadcast %max3A : f32 to vector<640x1xf32>
    %max3A_24 = arith.maximumf %add3A_22, %max3A_23 : vector<640x1xf32>
    %div3A = vector.broadcast %max3A_24 : vector<640x1xf32> to vector<640x128xf32>
    %div3A_25 = arith.divf %add3A, %div3A : vector<640x128xf32>
    %get3A_26 = arith.constant 0 : index
    %get3A_27 = arith.constant 0 : index
    %get3A_28 = vector.load %arg4[%get3A_26, %get3A_27] : memref<128x128xf32, #tpu.memory_space<vmem>>, vector<128x128xf32>
    %dot_general3A = arith.constant dense<0.000000e+00> : vector<640x128xf32>
    %dot_general3A_29 = tpu.matmul %get3A_1, %get3A_28, %dot_general3A {dimension_numbers = #tpu.dot_dimension_numbers<[1], [0], [0], [1], [0, 0, 1, 1], [], []>, transpose_lhs_hint = false} : vector<640x128xf32>, vector<128x128xf32>, vector<640x128xf32> -> vector<640x128xf32>
    %get3A_30 = arith.constant 0 : index
    %get3A_31 = arith.constant 0 : index
    %get3A_32 = vector.load %arg5[%get3A_30, %get3A_31] : memref<128x128xf32, #tpu.memory_space<vmem>>, vector<128x128xf32>
    %dot_general3A_33 = arith.constant dense<0.000000e+00> : vector<640x128xf32>
    %dot_general3A_34 = tpu.matmul %div3A_25, %get3A_32, %dot_general3A_33 {dimension_numbers = #tpu.dot_dimension_numbers<[1], [0], [0], [1], [0, 0, 1, 1], [], []>, transpose_lhs_hint = false} : vector<640x128xf32>, vector<128x128xf32>, vector<640x128xf32> -> vector<640x128xf32>
    %add3A_35 = arith.addf %dot_general3A_29, %dot_general3A_34 : vector<640x128xf32>
    %get3A_36 = arith.constant 0 : index
    %get3A_37 = arith.constant 0 : index
    %get3A_38 = vector.load %arg6[%get3A_36, %get3A_37] : memref<1x128xf32, #tpu.memory_space<vmem>>, vector<1x128xf32>
    %add3A_39 = vector.broadcast %get3A_38 : vector<1x128xf32> to vector<640x128xf32>
    %add3A_40 = arith.addf %add3A_35, %add3A_39 : vector<640x128xf32>
    %max3A_41 = arith.constant 0.000000e+00 : f32
    %max3A_42 = vector.broadcast %max3A_41 : f32 to vector<640x128xf32>
    %max3A_43 = arith.maximumf %add3A_40, %max3A_42 : vector<640x128xf32>
    %get3A_44 = arith.constant 0 : index
    %get3A_45 = arith.constant 0 : index
    %get3A_46 = vector.load %arg7[%get3A_44, %get3A_45] : memref<1x128xf32, #tpu.memory_space<vmem>>, vector<1x128xf32>
    %get3A_47 = arith.constant 0 : index
    %get3A_48 = arith.constant 0 : index
    %get3A_49 = vector.load %arg8[%get3A_47, %get3A_48] : memref<1x128xf32, #tpu.memory_space<vmem>>, vector<1x128xf32>
    %reduce_sum3A = arith.constant dense<0.000000e+00> : vector<640xf32>
    %reduce_sum3A_50 = vector.multi_reduction <add>, %max3A_43, %reduce_sum3A [1] : vector<640x128xf32> to vector<640xf32>
    %broadcast_in_dim3A = vector.shape_cast %reduce_sum3A_50 : vector<640xf32> to vector<640x1xf32>
    %div3A_51 = arith.constant 1.280000e+02 : f32
    %div3A_52 = vector.broadcast %div3A_51 : f32 to vector<640x1xf32>
    %div3A_53 = arith.divf %broadcast_in_dim3A, %div3A_52 : vector<640x1xf32>
    %sub3A = vector.broadcast %div3A_53 : vector<640x1xf32> to vector<640x128xf32>
    %sub3A_54 = arith.subf %max3A_43, %sub3A : vector<640x128xf32>
    %integer_pow3A = arith.mulf %sub3A_54, %sub3A_54 : vector<640x128xf32>
    %reduce_sum3A_55 = arith.constant dense<0.000000e+00> : vector<640xf32>
    %reduce_sum3A_56 = vector.multi_reduction <add>, %integer_pow3A, %reduce_sum3A_55 [1] : vector<640x128xf32> to vector<640xf32>
    %broadcast_in_dim3A_57 = vector.shape_cast %reduce_sum3A_56 : vector<640xf32> to vector<640x1xf32>
    %div3A_58 = arith.constant 1.280000e+02 : f32
    %div3A_59 = vector.broadcast %div3A_58 : f32 to vector<640x1xf32>
    %div3A_60 = arith.divf %broadcast_in_dim3A_57, %div3A_59 : vector<640x1xf32>
    %sub3A_61 = vector.broadcast %div3A_53 : vector<640x1xf32> to vector<640x128xf32>
    %sub3A_62 = arith.subf %max3A_43, %sub3A_61 : vector<640x128xf32>
    %add3A_63 = arith.constant 9.99999974E-6 : f32
    %add3A_64 = vector.broadcast %add3A_63 : f32 to vector<640x1xf32>
    %add3A_65 = arith.addf %div3A_60, %add3A_64 : vector<640x1xf32>
    %rsqrt3A = math.rsqrt %add3A_65 : vector<640x1xf32>
    %mul3A = vector.broadcast %rsqrt3A : vector<640x1xf32> to vector<640x128xf32>
    %mul3A_66 = arith.mulf %sub3A_62, %mul3A : vector<640x128xf32>
    %mul3A_67 = vector.broadcast %get3A_46 : vector<1x128xf32> to vector<640x128xf32>
    %mul3A_68 = arith.mulf %mul3A_66, %mul3A_67 : vector<640x128xf32>
    %add3A_69 = vector.broadcast %get3A_49 : vector<1x128xf32> to vector<640x128xf32>
    %add3A_70 = arith.addf %mul3A_68, %add3A_69 : vector<640x128xf32>
    %swap3A = arith.constant 0 : index
    %swap3A_71 = arith.constant 0 : index
    %swap3A_72 = vector.load %arg9[%swap3A, %swap3A_71] : memref<640x128xf32, #tpu.memory_space<vmem>>, vector<640x128xf32>
    tpu.vector_store %arg9[%swap3A, %swap3A_71], %add3A_70 {strides = array<i32>} : memref<640x128xf32, #tpu.memory_space<vmem>>, vector<640x128xf32>,
    return
  }
  func.func @transform_0(%arg0: i32) -> (i32, i32) {
    %c0_i32 = arith.constant 0 : i32
    %c0_i32_0 = arith.constant 0 : i32
    return %arg0, %c0_i32 : i32, i32
  }
  func.func @transform_1(%arg0: i32) -> (i32, i32, i32) {
    %c0_i32 = arith.constant 0 : i32
    %c0_i32_0 = arith.constant 0 : i32
    %c0_i32_1 = arith.constant 0 : i32
    return %c0_i32, %arg0, %c0_i32_0 : i32, i32, i32
  }
  func.func @transform_2(%arg0: i32) -> (i32, i32, i32) {
    %c0_i32 = arith.constant 0 : i32
    %c0_i32_0 = arith.constant 0 : i32
    %c0_i32_1 = arith.constant 0 : i32
    return %c0_i32, %arg0, %c0_i32_0 : i32, i32, i32
  }
  func.func @transform_3(%arg0: i32) -> (i32, i32) {
    %c0_i32 = arith.constant 0 : i32
    %c0_i32_0 = arith.constant 0 : i32
    %c0_i32_1 = arith.constant 0 : i32
    return %c0_i32, %c0_i32_0 : i32, i32
  }
  func.func @transform_4(%arg0: i32) -> (i32, i32) {
    %c0_i32 = arith.constant 0 : i32
    %c0_i32_0 = arith.constant 0 : i32
    %c0_i32_1 = arith.constant 0 : i32
    return %c0_i32, %c0_i32_0 : i32, i32
  }
  func.func @transform_5(%arg0: i32) -> (i32, i32) {
    %c0_i32 = arith.constant 0 : i32
    %c0_i32_0 = arith.constant 0 : i32
    %c0_i32_1 = arith.constant 0 : i32
    return %c0_i32, %c0_i32_0 : i32, i32
  }
  func.func @transform_6(%arg0: i32) -> (i32, i32) {
    %c0_i32 = arith.constant 0 : i32
    %c0_i32_0 = arith.constant 0 : i32
    %c0_i32_1 = arith.constant 0 : i32
    return %c0_i32, %c0_i32_0 : i32, i32
  }
  func.func @transform_7(%arg0: i32) -> (i32, i32) {
    %c0_i32 = arith.constant 0 : i32
    %c0_i32_0 = arith.constant 0 : i32
    %c0_i32_1 = arith.constant 0 : i32
    return %c0_i32, %c0_i32_0 : i32, i32
  }
  func.func @transform_8(%arg0: i32) -> (i32, i32) {
    %c0_i32 = arith.constant 0 : i32
    %c0_i32_0 = arith.constant 0 : i32
    return %arg0, %c0_i32 : i32, i32
  }
}

module attributes {stable_mosaic.version = 14 : i64} {
  func.func @_score_body(%arg0: i32, %arg1: memref<4x512x128xf32, #tpu.memory_space<vmem>>, %arg2: memref<512xf32, #tpu.memory_space<vmem>>, %arg3: memref<512xf32, #tpu.memory_space<vmem>>) attributes {dimension_semantics = [#tpu.dimension_semantics<arbitrary>], iteration_bounds = array<i64: 20>, scalar_prefetch = 0 : i64, scratch_operands = 0 : i64, tpu.core_type = #tpu.core_type<tc>, window_params = [{transform_indices = @transform_0, window_bounds = array<i64: 4, 512, 128>}, {transform_indices = @transform_1, window_bounds = array<i64: 512>}, {transform_indices = @transform_2, window_bounds = array<i64: 512>}]} {
    %get3A = arith.constant 0 : index
    %get3A_0 = arith.constant 0 : index
    %get3A_1 = arith.constant 0 : index
    %get3A_2 = vector.load %arg1[%get3A, %get3A_0, %get3A_1] : memref<4x512x128xf32, #tpu.memory_space<vmem>>, vector<1x512x128xf32>
    %get3A_3 = vector.shape_cast %get3A_2 : vector<1x512x128xf32> to vector<512x128xf32>
    %get3A_4 = arith.constant 1 : index
    %get3A_5 = arith.constant 0 : index
    %get3A_6 = arith.constant 0 : index
    %get3A_7 = vector.load %arg1[%get3A_4, %get3A_5, %get3A_6] : memref<4x512x128xf32, #tpu.memory_space<vmem>>, vector<1x512x128xf32>
    %get3A_8 = vector.shape_cast %get3A_7 : vector<1x512x128xf32> to vector<512x128xf32>
    %mul3A = arith.mulf %get3A_3, %get3A_8 : vector<512x128xf32>
    %reduce_sum3A = arith.constant dense<0.000000e+00> : vector<512xf32>
    %reduce_sum3A_9 = vector.multi_reduction <add>, %mul3A, %reduce_sum3A [1] : vector<512x128xf32> to vector<512xf32>
    %swap3A = arith.constant 0 : index
    %swap3A_10 = vector.load %arg2[%swap3A] : memref<512xf32, #tpu.memory_space<vmem>>, vector<512xf32>
    tpu.vector_store %arg2[%swap3A], %reduce_sum3A_9 {strides = array<i32>} : memref<512xf32, #tpu.memory_space<vmem>>, vector<512xf32>,
    %get3A_11 = arith.constant 2 : index
    %get3A_12 = arith.constant 0 : index
    %get3A_13 = arith.constant 0 : index
    %get3A_14 = vector.load %arg1[%get3A_11, %get3A_12, %get3A_13] : memref<4x512x128xf32, #tpu.memory_space<vmem>>, vector<1x512x128xf32>
    %get3A_15 = vector.shape_cast %get3A_14 : vector<1x512x128xf32> to vector<512x128xf32>
    %get3A_16 = arith.constant 3 : index
    %get3A_17 = arith.constant 0 : index
    %get3A_18 = arith.constant 0 : index
    %get3A_19 = vector.load %arg1[%get3A_16, %get3A_17, %get3A_18] : memref<4x512x128xf32, #tpu.memory_space<vmem>>, vector<1x512x128xf32>
    %get3A_20 = vector.shape_cast %get3A_19 : vector<1x512x128xf32> to vector<512x128xf32>
    %mul3A_21 = arith.mulf %get3A_15, %get3A_20 : vector<512x128xf32>
    %reduce_sum3A_22 = arith.constant dense<0.000000e+00> : vector<512xf32>
    %reduce_sum3A_23 = vector.multi_reduction <add>, %mul3A_21, %reduce_sum3A_22 [1] : vector<512x128xf32> to vector<512xf32>
    %swap3A_24 = arith.constant 0 : index
    %swap3A_25 = vector.load %arg3[%swap3A_24] : memref<512xf32, #tpu.memory_space<vmem>>, vector<512xf32>
    tpu.vector_store %arg3[%swap3A_24], %reduce_sum3A_23 {strides = array<i32>} : memref<512xf32, #tpu.memory_space<vmem>>, vector<512xf32>,
    return
  }
  func.func @transform_0(%arg0: i32) -> (i32, i32, i32) {
    %c0_i32 = arith.constant 0 : i32
    %c0_i32_0 = arith.constant 0 : i32
    %c0_i32_1 = arith.constant 0 : i32
    return %c0_i32, %arg0, %c0_i32_0 : i32, i32, i32
  }
  func.func @transform_1(%arg0: i32) -> i32 {
    %c0_i32 = arith.constant 0 : i32
    return %arg0 : i32
  }
  func.func @transform_2(%arg0: i32) -> i32 {
    %c0_i32 = arith.constant 0 : i32
    return %arg0 : i32
  }
}

module attributes {stable_mosaic.version = 14 : i64} {
  func.func @_layer_body(%arg0: i32, %arg1: memref<640x128xf32, #tpu.memory_space<vmem>>, %arg2: memref<2x640x128xf32, #tpu.memory_space<vmem>>, %arg3: memref<2x640x128xf32, #tpu.memory_space<vmem>>, %arg4: memref<128x128xf32, #tpu.memory_space<vmem>>, %arg5: memref<128x128xf32, #tpu.memory_space<vmem>>, %arg6: memref<1x128xf32, #tpu.memory_space<vmem>>, %arg7: memref<1x128xf32, #tpu.memory_space<vmem>>, %arg8: memref<1x128xf32, #tpu.memory_space<vmem>>, %arg9: memref<640x128xf32, #tpu.memory_space<vmem>>) attributes {dimension_semantics = [#tpu.dimension_semantics<arbitrary>], iteration_bounds = array<i64: 16>, scalar_prefetch = 0 : i64, scratch_operands = 0 : i64, tpu.core_type = #tpu.core_type<tc>, window_params = [{transform_indices = @transform_0, window_bounds = array<i64: 640, 128>}, {transform_indices = @transform_1, window_bounds = array<i64: 2, 640, 128>}, {transform_indices = @transform_2, window_bounds = array<i64: 2, 640, 128>}, {pipeline_mode = #tpu.pipeline_mode<synchronous>, transform_indices = @transform_3, window_bounds = array<i64: 128, 128>}, {pipeline_mode = #tpu.pipeline_mode<synchronous>, transform_indices = @transform_4, window_bounds = array<i64: 128, 128>}, {pipeline_mode = #tpu.pipeline_mode<synchronous>, transform_indices = @transform_5, window_bounds = array<i64: 1, 128>}, {pipeline_mode = #tpu.pipeline_mode<synchronous>, transform_indices = @transform_6, window_bounds = array<i64: 1, 128>}, {pipeline_mode = #tpu.pipeline_mode<synchronous>, transform_indices = @transform_7, window_bounds = array<i64: 1, 128>}, {transform_indices = @transform_8, window_bounds = array<i64: 640, 128>}]} {
    %get3A = arith.constant 0 : index
    %get3A_0 = arith.constant 0 : index
    %get3A_1 = vector.load %arg1[%get3A, %get3A_0] : memref<640x128xf32, #tpu.memory_space<vmem>>, vector<640x128xf32>
    %get3A_2 = arith.constant 0 : index
    %get3A_3 = arith.constant 0 : index
    %get3A_4 = arith.constant 0 : index
    %get3A_5 = vector.load %arg2[%get3A_2, %get3A_3, %get3A_4] : memref<2x640x128xf32, #tpu.memory_space<vmem>>, vector<1x640x128xf32>
    %get3A_6 = vector.shape_cast %get3A_5 : vector<1x640x128xf32> to vector<640x128xf32>
    %get3A_7 = arith.constant 1 : index
    %get3A_8 = arith.constant 0 : index
    %get3A_9 = arith.constant 0 : index
    %get3A_10 = vector.load %arg2[%get3A_7, %get3A_8, %get3A_9] : memref<2x640x128xf32, #tpu.memory_space<vmem>>, vector<1x640x128xf32>
    %get3A_11 = vector.shape_cast %get3A_10 : vector<1x640x128xf32> to vector<640x128xf32>
    %add3A = arith.addf %get3A_6, %get3A_11 : vector<640x128xf32>
    %get3A_12 = arith.constant 0 : index
    %get3A_13 = arith.constant 0 : index
    %get3A_14 = arith.constant 0 : index
    %get3A_15 = vector.load %arg3[%get3A_12, %get3A_13, %get3A_14] : memref<2x640x128xf32, #tpu.memory_space<vmem>>, vector<1x640x1xf32>
    %get3A_16 = vector.shape_cast %get3A_15 : vector<1x640x1xf32> to vector<640x1xf32>
    %get3A_17 = arith.constant 1 : index
    %get3A_18 = arith.constant 0 : index
    %get3A_19 = arith.constant 0 : index
    %get3A_20 = vector.load %arg3[%get3A_17, %get3A_18, %get3A_19] : memref<2x640x128xf32, #tpu.memory_space<vmem>>, vector<1x640x1xf32>
    %get3A_21 = vector.shape_cast %get3A_20 : vector<1x640x1xf32> to vector<640x1xf32>
    %add3A_22 = arith.addf %get3A_16, %get3A_21 : vector<640x1xf32>
    %max3A = arith.constant 1.000000e+00 : f32
    %max3A_23 = vector.broadcast %max3A : f32 to vector<640x1xf32>
    %max3A_24 = arith.maximumf %add3A_22, %max3A_23 : vector<640x1xf32>
    %div3A = vector.broadcast %max3A_24 : vector<640x1xf32> to vector<640x128xf32>
    %div3A_25 = arith.divf %add3A, %div3A : vector<640x128xf32>
    %get3A_26 = arith.constant 0 : index
    %get3A_27 = arith.constant 0 : index
    %get3A_28 = vector.load %arg4[%get3A_26, %get3A_27] : memref<128x128xf32, #tpu.memory_space<vmem>>, vector<128x128xf32>
    %dot_general3A = arith.constant dense<0.000000e+00> : vector<640x128xf32>
    %dot_general3A_29 = tpu.matmul %get3A_1, %get3A_28, %dot_general3A {dimension_numbers = #tpu.dot_dimension_numbers<[1], [0], [0], [1], [0, 0, 1, 1], [], []>, transpose_lhs_hint = false} : vector<640x128xf32>, vector<128x128xf32>, vector<640x128xf32> -> vector<640x128xf32>
    %get3A_30 = arith.constant 0 : index
    %get3A_31 = arith.constant 0 : index
    %get3A_32 = vector.load %arg5[%get3A_30, %get3A_31] : memref<128x128xf32, #tpu.memory_space<vmem>>, vector<128x128xf32>
    %dot_general3A_33 = arith.constant dense<0.000000e+00> : vector<640x128xf32>
    %dot_general3A_34 = tpu.matmul %div3A_25, %get3A_32, %dot_general3A_33 {dimension_numbers = #tpu.dot_dimension_numbers<[1], [0], [0], [1], [0, 0, 1, 1], [], []>, transpose_lhs_hint = false} : vector<640x128xf32>, vector<128x128xf32>, vector<640x128xf32> -> vector<640x128xf32>
    %add3A_35 = arith.addf %dot_general3A_29, %dot_general3A_34 : vector<640x128xf32>
    %get3A_36 = arith.constant 0 : index
    %get3A_37 = arith.constant 0 : index
    %get3A_38 = vector.load %arg6[%get3A_36, %get3A_37] : memref<1x128xf32, #tpu.memory_space<vmem>>, vector<1x128xf32>
    %add3A_39 = vector.broadcast %get3A_38 : vector<1x128xf32> to vector<640x128xf32>
    %add3A_40 = arith.addf %add3A_35, %add3A_39 : vector<640x128xf32>
    %max3A_41 = arith.constant 0.000000e+00 : f32
    %max3A_42 = vector.broadcast %max3A_41 : f32 to vector<640x128xf32>
    %max3A_43 = arith.maximumf %add3A_40, %max3A_42 : vector<640x128xf32>
    %add3A_44 = arith.addf %max3A_43, %get3A_1 : vector<640x128xf32>
    %get3A_45 = arith.constant 0 : index
    %get3A_46 = arith.constant 0 : index
    %get3A_47 = vector.load %arg7[%get3A_45, %get3A_46] : memref<1x128xf32, #tpu.memory_space<vmem>>, vector<1x128xf32>
    %get3A_48 = arith.constant 0 : index
    %get3A_49 = arith.constant 0 : index
    %get3A_50 = vector.load %arg8[%get3A_48, %get3A_49] : memref<1x128xf32, #tpu.memory_space<vmem>>, vector<1x128xf32>
    %reduce_sum3A = arith.constant dense<0.000000e+00> : vector<640xf32>
    %reduce_sum3A_51 = vector.multi_reduction <add>, %add3A_44, %reduce_sum3A [1] : vector<640x128xf32> to vector<640xf32>
    %broadcast_in_dim3A = vector.shape_cast %reduce_sum3A_51 : vector<640xf32> to vector<640x1xf32>
    %div3A_52 = arith.constant 1.280000e+02 : f32
    %div3A_53 = vector.broadcast %div3A_52 : f32 to vector<640x1xf32>
    %div3A_54 = arith.divf %broadcast_in_dim3A, %div3A_53 : vector<640x1xf32>
    %sub3A = vector.broadcast %div3A_54 : vector<640x1xf32> to vector<640x128xf32>
    %sub3A_55 = arith.subf %add3A_44, %sub3A : vector<640x128xf32>
    %integer_pow3A = arith.mulf %sub3A_55, %sub3A_55 : vector<640x128xf32>
    %reduce_sum3A_56 = arith.constant dense<0.000000e+00> : vector<640xf32>
    %reduce_sum3A_57 = vector.multi_reduction <add>, %integer_pow3A, %reduce_sum3A_56 [1] : vector<640x128xf32> to vector<640xf32>
    %broadcast_in_dim3A_58 = vector.shape_cast %reduce_sum3A_57 : vector<640xf32> to vector<640x1xf32>
    %div3A_59 = arith.constant 1.280000e+02 : f32
    %div3A_60 = vector.broadcast %div3A_59 : f32 to vector<640x1xf32>
    %div3A_61 = arith.divf %broadcast_in_dim3A_58, %div3A_60 : vector<640x1xf32>
    %sub3A_62 = vector.broadcast %div3A_54 : vector<640x1xf32> to vector<640x128xf32>
    %sub3A_63 = arith.subf %add3A_44, %sub3A_62 : vector<640x128xf32>
    %add3A_64 = arith.constant 9.99999974E-6 : f32
    %add3A_65 = vector.broadcast %add3A_64 : f32 to vector<640x1xf32>
    %add3A_66 = arith.addf %div3A_61, %add3A_65 : vector<640x1xf32>
    %rsqrt3A = math.rsqrt %add3A_66 : vector<640x1xf32>
    %mul3A = vector.broadcast %rsqrt3A : vector<640x1xf32> to vector<640x128xf32>
    %mul3A_67 = arith.mulf %sub3A_63, %mul3A : vector<640x128xf32>
    %mul3A_68 = vector.broadcast %get3A_47 : vector<1x128xf32> to vector<640x128xf32>
    %mul3A_69 = arith.mulf %mul3A_67, %mul3A_68 : vector<640x128xf32>
    %add3A_70 = vector.broadcast %get3A_50 : vector<1x128xf32> to vector<640x128xf32>
    %add3A_71 = arith.addf %mul3A_69, %add3A_70 : vector<640x128xf32>
    %swap3A = arith.constant 0 : index
    %swap3A_72 = arith.constant 0 : index
    %swap3A_73 = vector.load %arg9[%swap3A, %swap3A_72] : memref<640x128xf32, #tpu.memory_space<vmem>>, vector<640x128xf32>
    tpu.vector_store %arg9[%swap3A, %swap3A_72], %add3A_71 {strides = array<i32>} : memref<640x128xf32, #tpu.memory_space<vmem>>, vector<640x128xf32>,
    return
  }
  func.func @transform_0(%arg0: i32) -> (i32, i32) {
    %c0_i32 = arith.constant 0 : i32
    %c0_i32_0 = arith.constant 0 : i32
    return %arg0, %c0_i32 : i32, i32
  }
  func.func @transform_1(%arg0: i32) -> (i32, i32, i32) {
    %c0_i32 = arith.constant 0 : i32
    %c0_i32_0 = arith.constant 0 : i32
    %c0_i32_1 = arith.constant 0 : i32
    return %c0_i32, %arg0, %c0_i32_0 : i32, i32, i32
  }
  func.func @transform_2(%arg0: i32) -> (i32, i32, i32) {
    %c0_i32 = arith.constant 0 : i32
    %c0_i32_0 = arith.constant 0 : i32
    %c0_i32_1 = arith.constant 0 : i32
    return %c0_i32, %arg0, %c0_i32_0 : i32, i32, i32
  }
  func.func @transform_3(%arg0: i32) -> (i32, i32) {
    %c0_i32 = arith.constant 0 : i32
    %c0_i32_0 = arith.constant 0 : i32
    %c0_i32_1 = arith.constant 0 : i32
    return %c0_i32, %c0_i32_0 : i32, i32
  }
  func.func @transform_4(%arg0: i32) -> (i32, i32) {
    %c0_i32 = arith.constant 0 : i32
    %c0_i32_0 = arith.constant 0 : i32
    %c0_i32_1 = arith.constant 0 : i32
    return %c0_i32, %c0_i32_0 : i32, i32
  }
  func.func @transform_5(%arg0: i32) -> (i32, i32) {
    %c0_i32 = arith.constant 0 : i32
    %c0_i32_0 = arith.constant 0 : i32
    %c0_i32_1 = arith.constant 0 : i32
    return %c0_i32, %c0_i32_0 : i32, i32
  }
  func.func @transform_6(%arg0: i32) -> (i32, i32) {
    %c0_i32 = arith.constant 0 : i32
    %c0_i32_0 = arith.constant 0 : i32
    %c0_i32_1 = arith.constant 0 : i32
    return %c0_i32, %c0_i32_0 : i32, i32
  }
  func.func @transform_7(%arg0: i32) -> (i32, i32) {
    %c0_i32 = arith.constant 0 : i32
    %c0_i32_0 = arith.constant 0 : i32
    %c0_i32_1 = arith.constant 0 : i32
    return %c0_i32, %c0_i32_0 : i32, i32
  }
  func.func @transform_8(%arg0: i32) -> (i32, i32) {
    %c0_i32 = arith.constant 0 : i32
    %c0_i32_0 = arith.constant 0 : i32
    return %arg0, %c0_i32 : i32, i32
  }
}

</mosaic_0001>

<sc_bundles>
// kernel: kernel.12.cloned.1.call-start
scs
__scs_entry_jumppad:
0x0: {  	(pc) =	sbr.rel $0x88, $3  }
0x1: {  	(tag) =	ssettag $0x0;
	lr =	simm.s32 $0x1  }
0x2: {  	[smem:$0x3F8C] =	sst lr;
	_ =	strace $0xD0000000  }
0x3: {  	_ = 	snop  }
0x4: {  	_ = 	snop  }
0x5: {  	_ = 	snop  }
0x6: {  	_ = 	snop  }
0x7: {  	_ = 	snop  }
__scs_overlays_trampoline_lowered:
0x8: {  	[smem:$0x3F9B] =	sst s0  }
0x9: {  	[smem:$0x3F9C] =	sst s1  }
0xa: {  	[smem:$0x3F9D] =	sst s2  }
0xb: {  	[smem:$0x3F9E] =	sst s3  }
0xc: {  	[smem:$0x3F9F] =	sst s4  }
0xd: {  	[smem:$0x3FA0] =	sst s5  }
0xe: {  	[smem:$0x3FA1] =	sst s6  }
0xf: {  	[smem:$0x3FA2] =	sst s7  }
0x10: {  	[smem:$0x3FA3] =	sst s8  }
0x11: {  	[smem:$0x3FA4] =	sst s9;
	s0 =	simm.s32 @!p0 $0x0  }
0x12: {  	s1 =	sld [smem:$0x3F8A];
	s0 =	simm.s32 @p0 $0x1  }
0x13: {  	[smem:$0x3FA5] =	sst s0;
	s0 =	simm.s32 @!p1 $0x0  }
0x14: {  	s2 =	sld [smem:$0x3F89];
	s0 =	simm.s32 @p1 $0x1  }
0x15: {  	[smem:$0x3FA6] =	sst s0;
	s0 =	simm.s32 @!p2 $0x0  }
0x16: {  	s3 =	sld [smem:$0x3FDB];
	s0 =	simm.s32 @p2 $0x1  }
0x17: {  	s4 =	simm.s32 $0x1BF5;
	[smem:$0x3FA8] =	sst s0  }
0x18: {  	s0 =	sld [smem:$0x3F8B];
	_ =	swait.ge [sflag:s4], $0x0  }
0x19: {  	s7 =	sld [smem:$0x3F8C]  }
0x1a: {  	s8 =	sadd.s32 $0xFFFFE003, lr  }
0x1b: {  	s9 =	sadd.s32 $0xFFFFFEF7, lr;
	s5 =	simm.s32 $0xFFFFFFFF;
	p2 =	slt.u32 s8, $0xFFFFF086  }
0x1c: {  	p1 =	slt.u32 s9, $0xF7A;
	s5 =	simm.s32 @!p2 $0x0  }
0x1d: {  	s5 =	simm.s32 @p1 $0x1;
	p0 =	seq.s32 s7, s2  }
0x1e: {  	s7 =	smul.u32 @!p0 $0xF7A, s2;
	p2 =	seq.s32 @!p0 s5, $0x0  }
0x1f: {  	s9 =	smul.u32 $0xF7A, s1;
	s8 =	simm.s32 @!p0 $0x1BF5;
	p2 =	por !p2, p0  }
0x20: {  	[sflag:s8] =	ssyncset.s32 @!p0 $0xFFFFF086;
	s6 =	sadd.s32 @!p0 s3, s7;
	s7 =	simm.s32 @!p0 $0x108  }
0x21: {  	s3 =	sadd.s32 s3, s9;
	s6 =	sadd.s32 @!p0 $0x88, s6;
	s7 =	simm.s32 @p2 $0x1082  }
0x22: {  	[simem:s7], [sflag:s8] =	dma.local @!p0 [hbm:s6], $0xF7A  }
0x23: {  	s9 =	sor.u32 $0xD0000000, s2;
	s6 =	simm.s32 $0x108;
	_ =	swait.ge @!p0 [sflag:s8], $0x0  }
0x24: {  	s3 =	sadd.s32 $0x88, s3;
	s6 =	simm.s32 @!p1 $0x1082;
	[sflag:s4] =	ssyncset.s32 $0xFFFFF086  }
0x25: {  	[simem:s6], [sflag:s4] =	dma.local [hbm:s3], $0xF7A  }
0x26: {  	[smem:$0x3F8C] =	sst s1;
	(tag) =	ssettag s2;
	_ =	strace s9  }
0x27: {  	s1 =	sld [smem:$0x3F9C]  }
0x28: {  	s2 =	sld [smem:$0x3F9D]  }
0x29: {  	s4 =	sld [smem:$0x3F9F]  }
0x2a: {  	p0 =	seq.s32 s5, $0x0;
	s5 =	sld [smem:$0x3FA0]  }
0x2b: {  	s6 =	sld [smem:$0x3FA1]  }
0x2c: {  	s7 =	sld [smem:$0x3FA2]  }
0x2d: {  	s3 =	simm.s32 $0x108;
	s8 =	sld [smem:$0x3FA3]  }
0x2e: {  	s3 =	simm.s32 @!p0 $0x1082;
	s9 =	sld [smem:$0x3FA4]  }
0x2f: {  	lr =	sadd.s32 s0, s3;
	s0 =	sld [smem:$0x3F9B]  }
0x30: {  	s3 =	sld [smem:$0x3F9E]  }
0x31: {  	[smem:$0x3FA7] =	sst s10  }
0x32: {  	s10 =	sld [smem:$0x3FA5];
	_ =	sdelay $0x3  }
0x33: {  	p0 =	seq.s32 s10, $0x1;
	s10 =	sld [smem:$0x3FA7];
	_ =	sdelay $0x3  }
0x34: {  	[smem:$0x3FA7] =	sst s10  }
0x35: {  	s10 =	sld [smem:$0x3FA6];
	_ =	sdelay $0x3  }
0x36: {  	p1 =	seq.s32 s10, $0x1;
	s10 =	sld [smem:$0x3FA7];
	_ =	sdelay $0x3  }
0x37: {  	[smem:$0x3FA7] =	sst s10  }
0x38: {  	s10 =	sld [smem:$0x3FA8]  }
0x39: {  	_ = 	snop;
	(pc) =	sbr.ind lr, $3  }
0x3a: {  	_ = 	snop  }
0x3b: {  	_ = 	snop  }
0x3c: {  	p2 =	seq.s32 s10, $0x1;
	s10 =	sld [smem:$0x3FA7]  }
0x3d: {  	_ =	shalt  }
0x3e: {  	_ =	shalt  }
0x3f: {  	_ =	shalt  }
0x40: {  	_ =	shalt  }
0x41: {  	_ =	shalt  }
0x42: {  	_ =	shalt  }
0x43: {  	_ =	shalt  }
0x44: {  	_ =	shalt  }
0x45: {  	_ =	shalt  }
0x46: {  	_ =	shalt  }
0x47: {  	_ =	shalt  }
0x48: {  	_ =	shalt  }
0x49: {  	_ =	shalt  }
0x4a: {  	_ =	shalt  }
0x4b: {  	_ =	shalt  }
0x4c: {  	_ =	shalt  }
0x4d: {  	_ =	shalt  }
0x4e: {  	_ =	shalt  }
0x4f: {  	_ =	shalt  }
0x50: {  	_ =	shalt  }
0x51: {  	_ =	shalt  }
0x52: {  	_ =	shalt  }
0x53: {  	_ =	shalt  }
0x54: {  	_ =	shalt  }
0x55: {  	_ =	shalt  }
0x56: {  	_ =	shalt  }
0x57: {  	_ =	shalt  }
0x58: {  	_ =	shalt  }
0x59: {  	_ =	shalt  }
0x5a: {  	_ =	shalt  }
0x5b: {  	_ =	shalt  }
0x5c: {  	_ =	shalt  }
0x5d: {  	_ =	shalt  }
0x5e: {  	_ =	shalt  }
0x5f: {  	_ =	shalt  }
0x60: {  	_ =	shalt  }
0x61: {  	_ =	shalt  }
0x62: {  	_ =	shalt  }
0x63: {  	_ =	shalt  }
0x64: {  	_ =	shalt  }
0x65: {  	_ =	shalt  }
0x66: {  	_ =	shalt  }
0x67: {  	_ =	shalt  }
0x68: {  	_ =	shalt  }
0x69: {  	_ =	shalt  }
0x6a: {  	_ =	shalt  }
0x6b: {  	_ =	shalt  }
0x6c: {  	_ =	shalt  }
0x6d: {  	_ =	shalt  }
0x6e: {  	_ =	shalt  }
0x6f: {  	_ =	shalt  }
0x70: {  	_ =	shalt  }
0x71: {  	_ =	shalt  }
0x72: {  	_ =	shalt  }
0x73: {  	_ =	shalt  }
0x74: {  	_ =	shalt  }
0x75: {  	_ =	shalt  }
0x76: {  	_ =	shalt  }
0x77: {  	_ =	shalt  }
0x78: {  	_ =	shalt  }
0x79: {  	_ =	shalt  }
0x7a: {  	_ =	shalt  }
0x7b: {  	_ =	shalt  }
0x7c: {  	_ =	shalt  }
0x7d: {  	_ =	shalt  }
0x7e: {  	_ =	shalt  }
0x7f: {  	_ =	shalt  }
0x80: {  	_ =	shalt  }
0x81: {  	_ =	shalt  }
0x82: {  	_ =	shalt  }
0x83: {  	_ =	shalt  }
0x84: {  	_ =	shalt  }
0x85: {  	_ =	shalt  }
0x86: {  	_ =	shalt  }
0x87: {  	_ =	shalt  }
.Lfunc_end0:
.L_simem_size_0:
called_computation.1_lowered:
.L_overlay_start_0:
0x88: {  	s2 =	sld [smem:$0x3FD9]  }
0x89: {  	s3 =	sld [smem:$0x3FFE];
	_ =	sdelay $0x1  }
0x8a: {  	s1 =	srdreg.scid  }
0x8b: {  	s0 =	sand.u32 $0x1, s1  }
0x8c: {  	s16 =	sshll.u32 s0, $0xA;
	s2 =	sadd.s32 s3, s2  }
0x8d: {  	s2 =	sadd.s32 s2, s16  }
0x8e: {  	[smem:$0x3FB3] =	sst s2  }
0x8f: {  	_ = 	snop  }
0x90: {  	(tm) =	ssettm $0x1  }
0x91: {  	s17 =	sld [smem:$0x3FFB];
	_ =	sdelay $0x3  }
0x92: {  	_ =	strace s17  }
0x93: {  	s2 =	sld [smem:$0x3FFC];
	_ =	sdelay $0x3  }
0x94: {  	_ =	strace s2  }
0x95: {  	s2 =	sld [smem:$0x3FFD];
	_ =	sdelay $0x3  }
0x96: {  	_ =	strace s2  }
0x97: {  	_ =	strace $0x8FFFFFFF  }
0x98: {  	s18 =	sld [smem:$0x3FDB];
	_ =	sdelay $0x1  }
0x99: {  	s19 =	simm.s32 $_scs_section_size  }
0x9a: {  	s4 =	simm.s32 $_size__tile_overlayer_lowered;
	s5 =	simm.s32 $_tile_overlayer_lowered  }
0x9b: {  	s22 =	simm.s32 $0x1BFF;
	s21 =	sshll.u32 s5, $0x1;
	s2 =	sadd.s32 s19, s18  }
0x9c: {  	s6 =	simm.s32 $0x0;
	s20 =	sshll.u32 s4, $0x1;
	s4 =	sadd.s32 s21, s2  }
0x9d: {  	[timem:s6], [sflag:s22] =	dma.local [hbm:s4], s20  }
0x9e: {  	_ =	swait.ge [sflag:s22], s20  }
0x9f: {  	s3 =	ssub.s32 $0x0, s20;
	[sflag:s22] =	ssyncset.done $0x0  }
0xa0: {  	[sflag:s22] =	ssyncadd.s32 s3;
	_ =	sdelay $0x1  }
0xa1: {  	s23 =	simm.s32 $0x1B8B  }
0xa2: {  	_ =	swait.ge [sflag:s23], $0x1  }
0xa3: {  	[sflag:s23] =	ssyncset.done $0x0  }
0xa4: {  	s25 =	simm.s32 $0x1B8E;
	s24 =	sld [smem:$0x3FFE];
	[sflag:s23] =	ssyncadd.s32 $0xFFFFFFFF  }
0xa5: {  	s26 =	simm.s32 $execute0_lowered;
	[smem:$0x3FD2] =	sst s25  }
0xa6: {  	s4 =	sshll.u32 s26, $0x1;
	_ =	strace $0x80000049;
	[dreg:$0x1] =	wrdreg $0xFFFFFFFF  }
0xa7: {  	s28 =	simm.s32 $_size_execute0_lowered;
	s2 =	sadd.s32 s2, s4;
	[dreg:$0x0] =	wrdreg $0x0  }
0xa8: {  	s4 =	sshll.u32 s28, $0x1;
	[dreg:$0x2] =	wrdreg s2  }
0xa9: {  	[dreg:$0x3] =	wrdreg s4  }
0xaa: {  	[dreg:$0x4] =	wrdreg $0xC0  }
0xab: {  	_ =	task [dreg:s6], $0x5FFFF  }
0xac: {  	[dreg:$0x1] =	wrdreg $0xFFFFFFFF  }
0xad: {  	[dreg:$0x0] =	wrdreg $0x60  }
0xae: {  	[dreg:$0x2] =	wrdreg s24  }
0xaf: {  	[dreg:$0x3] =	wrdreg $0x88000  }
0xb0: {  	[dreg:$0x4] =	wrdreg $0x9  }
0xb1: {  	_ =	task.clear_ibuf [dreg:s6], $0x5FFFF;
	_ =	strace $0x90000049  }
0xb2: {  	s29 =	simm.s32 $0x9;
	_ =	strace $0x8000004B  }
0xb3: {  	_ =	swait.ge [sflag:s29], $0x1  }
0xb4: {  	[sflag:s29] =	ssyncadd.s32 $0xFFFFFFFF  }
0xb5: {  	_ =	strace $0x9000004B  }
0xb6: {  	_ =	sfence  }
0xb7: {  	s30 =	sld [smem:$0x0];
	_ =	sdelay $0x2  }
0xb8: {  	s31 =	sshll.u32 s1, $0xD;
	s1 =	sshrl.u32 s1, $0x2  }
0xb9: {  	s3 =	sand.u32 $0x4000, s31;
	s1 =	sadd.s32 s1, s30  }
0xba: {  	s0 =	sor.u32 s3, s0;
	s1 =	sshll.u32 s1, $0x11  }
0xbb: {  	s0 =	sor.u32 s1, s0  }
0xbc: {  	s0 =	sadd.s32 $0x8F2B, s0  }
0xbd: {  	[sflag:s0] =	ssyncadd.remote.s32 $0x1  }
0xbe: {  	_ =	sfence.sel $0xFFFF  }
0xbf: {  	[dreg:$0x0] =	wrdreg $0xFFFFFFFF;
	(pc) =	sbr.abs _section_cstart, $3  }
0xc0: {  	[dreg:$0x1] =	wrdreg $0xFFFFFFFF  }
0xc1: {  	_ =	task.clear_ibuf [dreg:s6], $0x2FFFF;
	_ =	strace $0x9FFFFFFF  }
0xc2: {  	(tm) =	ssettm $0x7FFFFFFF  }
0xc3: {  	_ =	shalt  }
tec
execute0_lowered:
.L_overlay_start_1:
0x0: {  	(tag) =	ssettag $0x1  }
0x1: {  	s0 =	rddreg [dreg:$0x0]  }
0x2: {  	s2 =	rddreg [dreg:$0x1];
	s7 =	stileid.u32  }
0x3: {  	s3 =	simm.s32 $0x0;
	s25 =	srdreg.scid;
	s28 =	simm.s32 $0x400  }
0x4: {  	s29 =	simm.s32 $0x80;
	s30 =	simm.s32 $0x1;
	s1 =	smul.u32 $0xA00, s7  }
0x5: {  	[smem:$0x7FF] =	sst s3;
	s4 =	sadd.s32 $0x3600, s0;
	s5 =	sadd.s32 $0x3FE00, s0  }
0x6: {  	s6 =	smul.u32 $0x280, s7;
	s8 =	sadd.s32 $0x3F600, s0;
	s16 =	sand.u32 $0x1, s25  }
0x7: {  	s7 =	smul.u32 $0x50000, s7;
	_ =	strace $0x8000004A;
	[dreg:$0x3] =	wrdreg s5  }
0x8: {  	s26 =	sadd.s32 $0x40600, s0;
	[dreg:$0x4] =	wrdreg s8;
	s9 =	ssub.s32 $0x2, s16  }
0x9: {  	s10 =	smul.u32 $0x2800, s16;
	s11 =	sshrl.u32 s9, $0x1;
	s7 =	sshrl.u32 s7, $0x2  }
0xa: {  	s1 =	sadd.s32 s1, s0;
	s9 =	ssub.s32 s9, s11;
	s7 =	sadd.s32 s7, s2  }
0xb: {  	s6 =	sadd.s32 s6, s10;
	s9 =	smax.u32 s9, $0x1;
	s14 =	sadd.s32 $0x4000, s7  }
0xc: {  	s15 =	sadd.s32 $0x8000, s7;
	s5 =	sadd.s32 $0xC000, s7;
	[dreg:$0x5] =	wrdreg s7  }
0xd: {  	s12 =	sadd.s32 $0x10000, s7;
	s7 =	simm.s32 $0x0;
	[dreg:$0x6] =	wrdreg s9  }
0xe: {  	s0 =	sadd.s32 $0x90600, s0;
	s6 =	sshll.u32 s6, $0x4;
	[dreg:$0x15] =	wrdreg s7  }
0xf: {  	s17 =	sadd.s32 s26, s6;
	s18 =	sadd.s32 $0x800, s6;
	[dreg:$0x9] =	wrdreg s5  }
0x10: {  	s19 =	sadd.s32 $0x1000, s6;
	s22 =	sadd.s32 $0x1800, s6;
	[dreg:$0xa] =	wrdreg s12  }
0x11: {  	s23 =	sadd.s32 $0x2000, s6;
	s6 =	sadd.s32 s0, s6;
	[dreg:$0xb] =	wrdreg s17  }
0x12: {  	s16 =	smul.u32 $0x500, s16;
	s10 =	smov.u32 s14;
	[dreg:$0x10] =	wrdreg s6  }
0x13: {  	s31 =	simm.s32 $0x4800;
	s11 =	smov.u32 s15;
	[dreg:$0x7] =	wrdreg s10  }
0x14: {  	s1 =	sadd.s32 s16, s1;
	s20 =	sadd.s32 s26, s18;
	[dreg:$0x8] =	wrdreg s11  }
0x15: {  	s16 =	simm.s32 $0x600;
	s21 =	sadd.s32 s26, s19;
	[dreg:$0xc] =	wrdreg s20  }
0x16: {  	s14 =	simm.s32 $0x580;
	s13 =	sadd.s32 s26, s22;
	[dreg:$0xd] =	wrdreg s21  }
0x17: {  	s15 =	simm.s32 $0x280;
	s8 =	sadd.s32 s26, s23;
	[dreg:$0xe] =	wrdreg s13  }
0x18: {  	s24 =	sadd.s32 s0, s18;
	s25 =	sadd.s32 s0, s19;
	[dreg:$0xf] =	wrdreg s8  }
0x19: {  	s26 =	sadd.s32 s0, s22;
	s0 =	sadd.s32 s0, s23;
	[dreg:$0x11] =	wrdreg s24  }
0x1a: {  	s23 =	sadd.s32 $0xE0600, s1;
	s6 =	simm.s32 $0x180;
	[dreg:$0x12] =	wrdreg s25  }
0x1b: {  	s17 =	simm.s32 $0x300;
	s18 =	simm.s32 $0x680;
	[dreg:$0x13] =	wrdreg s26  }
0x1c: {  	s19 =	simm.s32 $0x380;
	s22 =	simm.s32 $0x2;
	[dreg:$0x14] =	wrdreg s0  }
0x1d: {  	s24 =	sadd.s32 $0xEA600, s1;
	s25 =	simm.s32 $0x800;
	s26 =	simm.s32 $0x3  }
0x1e: {  	s0 =	simm.s32 $0x100;
	s1 =	simm.s32 $0x480;
	s8 =	simm.s32 $0x500  }
0x1f: {  	s13 =	simm.s32 $0x200;
	s20 =	simm.s32 $0x700;
	s21 =	simm.s32 $0x780  }
.LBB2_1:
0x20: {  	s7 =	rddreg [dreg:$0x3]  }
0x21: {  	[tilespmem:s25], [sflag:$0x3] =	stream.linear.gather [hbm4b:s7+s3], $0x4000, $0x38;
	[tilespmem:$0x1C800] =	vst v63  }
0x22: {  	_ =	swait.ge [sflag:s26], $0x4000  }
0x23: {  	[sflag:s26] =	ssyncset.done $0x0  }
0x24: {  	s9 =	rddreg [dreg:$0x5];
	[sflag:s26] =	ssyncadd.s32 $0xFFFFC000  }
0x25: {  	[spmem:s9] =	stream.linear.scatter [tilespmem:s25], [sflag:$0x3], $0x4000, $0x38;
	[tilespmem:$0x1C800] =	vst v63  }
0x26: {  	_ =	swait.ge [sflag:s26], $0x4000  }
0x27: {  	[sflag:s26] =	ssyncset.done $0x0  }
0x28: {  	[sflag:s26] =	ssyncadd.s32 $0xFFFFC000  }
0x29: {  	[spmem:s10] =	stream.linear.scatter [tilespmem:s25], [sflag:$0x3], $0x4000, $0x38;
	[tilespmem:$0x1C800] =	vst v63  }
0x2a: {  	_ =	swait.ge [sflag:s26], $0x4000  }
0x2b: {  	[sflag:s26] =	ssyncset.done $0x0  }
0x2c: {  	[sflag:s26] =	ssyncadd.s32 $0xFFFFC000  }
0x2d: {  	[spmem:s11] =	stream.linear.scatter [tilespmem:s25], [sflag:$0x3], $0x4000, $0x38;
	[tilespmem:$0x1C800] =	vst v63  }
0x2e: {  	_ =	swait.ge [sflag:s26], $0x4000  }
0x2f: {  	[sflag:s26] =	ssyncset.done $0x0  }
0x30: {  	[sflag:s26] =	ssyncadd.s32 $0xFFFFC000  }
0x31: {  	[spmem:s5] =	stream.linear.scatter [tilespmem:s25], [sflag:$0x3], $0x4000, $0x38;
	[tilespmem:$0x1C800] =	vst v63  }
0x32: {  	_ =	swait.ge [sflag:s26], $0x4000  }
0x33: {  	[sflag:s26] =	ssyncset.done $0x0  }
0x34: {  	[sflag:s26] =	ssyncadd.s32 $0xFFFFC000  }
0x35: {  	[spmem:s12] =	stream.linear.scatter [tilespmem:s25], [sflag:$0x3], $0x4000, $0x38;
	[tilespmem:$0x1C800] =	vst v63  }
0x36: {  	_ =	swait.ge [sflag:s26], $0x4000  }
0x37: {  	[sflag:s26] =	ssyncset.done $0x0  }
0x38: {  	[sflag:s26] =	ssyncadd.s32 $0xFFFFC000  }
0x39: {  	s9 =	sadd.s32 $0x0, s24;
	[bflag:$0x0] =	sbarrier.arrive $0xFFFF  }
0x3a: {  	[tilespmem:s3], [sflag:$0x3] =	stream.linear.gather [hbm4b:s9+s3], $0x400, $0x38;
	[tilespmem:$0x1C800] =	vst v63  }
0x3b: {  	_ =	swait.ge [sflag:s26], $0x400  }
0x3c: {  	[sflag:s26] =	ssyncset.done $0x0  }
0x3d: {  	s12 =	sadd.s32 $0x0, s23;
	[sflag:s26] =	ssyncadd.s32 $0xFFFFFC00  }
0x3e: {  	[tilespmem:s28], [sflag:$0x3] =	stream.linear.gather [hbm4b:s12+s3], $0x400, $0x38;
	[tilespmem:$0x1C800] =	vst v63  }
0x3f: {  	_ =	swait.ge [sflag:s26], $0x400  }
0x40: {  	[sflag:s26] =	ssyncset.done $0x0  }
0x41: {  	[sflag:s26] =	ssyncadd.s32 $0xFFFFFC00  }
0x42: {  	[tilespmem:s25], [sflag:$0x1] =	stream.indirect.gather [hbm4b:s4+s29], $0x80, s3, s29, $0xb8;
	[tilespmem:$0x1C800] =	vst v63  }
0x43: {  	_ =	swait.ge [sflag:s30], $0x4000  }
0x44: {  	[sflag:s30] =	ssyncset.done $0x0  }
0x45: {  	[sflag:s30] =	ssyncadd.s32 $0xFFFFC000  }
0x46: {  	[tilespmem:s31], [sflag:$0x1] =	stream.indirect.gather [hbm4b:s4+s29], $0x80, s29, s29, $0xb8;
	[tilespmem:$0x1C800] =	vst v63  }
0x47: {  	_ = 	snop  }
0x48: {  	[spmem:s2] =	stream.indirect.scatter.add.f32 [tilespmem:s25], [sflag:$0x3], $0x80, s28, s29, $0xb8;
	[tilespmem:$0x1C800] =	vst v63  }
0x49: {  	_ =	swait.ge [sflag:s26], $0x4000  }
0x4a: {  	[sflag:s26] =	ssyncset.done $0x0  }
0x4b: {  	[sflag:s26] =	ssyncadd.s32 $0xFFFFC000  }
0x4c: {  	_ =	swait.ge [sflag:s30], $0x4000  }
0x4d: {  	[sflag:s30] =	ssyncset.done $0x0  }
0x4e: {  	[sflag:s30] =	ssyncadd.s32 $0xFFFFC000  }
0x4f: {  	[tilespmem:s25], [sflag:$0x1] =	stream.indirect.gather [hbm4b:s4+s29], $0x80, s0, s29, $0xb8;
	[tilespmem:$0x1C800] =	vst v63  }
0x50: {  	_ = 	snop  }
0x51: {  	[spmem:s2] =	stream.indirect.scatter.add.f32 [tilespmem:s31], [sflag:$0x3], $0x80, s1, s29, $0xb8;
	[tilespmem:$0x1C800] =	vst v63  }
0x52: {  	_ =	swait.ge [sflag:s26], $0x4000  }
0x53: {  	[sflag:s26] =	ssyncset.done $0x0  }
0x54: {  	[sflag:s26] =	ssyncadd.s32 $0xFFFFC000  }
0x55: {  	_ =	swait.ge [sflag:s30], $0x4000  }
0x56: {  	[sflag:s30] =	ssyncset.done $0x0  }
0x57: {  	[sflag:s30] =	ssyncadd.s32 $0xFFFFC000  }
0x58: {  	[tilespmem:s31], [sflag:$0x1] =	stream.indirect.gather [hbm4b:s4+s29], $0x80, s6, s29, $0xb8;
	[tilespmem:$0x1C800] =	vst v63  }
0x59: {  	_ = 	snop  }
0x5a: {  	[spmem:s2] =	stream.indirect.scatter.add.f32 [tilespmem:s25], [sflag:$0x3], $0x80, s8, s29, $0xb8;
	[tilespmem:$0x1C800] =	vst v63  }
0x5b: {  	_ =	swait.ge [sflag:s26], $0x4000  }
0x5c: {  	[sflag:s26] =	ssyncset.done $0x0  }
0x5d: {  	[sflag:s26] =	ssyncadd.s32 $0xFFFFC000  }
0x5e: {  	_ =	swait.ge [sflag:s30], $0x4000  }
0x5f: {  	[sflag:s30] =	ssyncset.done $0x0  }
0x60: {  	[sflag:s30] =	ssyncadd.s32 $0xFFFFC000  }
0x61: {  	[tilespmem:s25], [sflag:$0x1] =	stream.indirect.gather [hbm4b:s4+s29], $0x80, s13, s29, $0xb8;
	[tilespmem:$0x1C800] =	vst v63  }
0x62: {  	_ = 	snop  }
0x63: {  	[spmem:s2] =	stream.indirect.scatter.add.f32 [tilespmem:s31], [sflag:$0x3], $0x80, s14, s29, $0xb8;
	[tilespmem:$0x1C800] =	vst v63  }
0x64: {  	_ =	swait.ge [sflag:s26], $0x4000  }
0x65: {  	[sflag:s26] =	ssyncset.done $0x0  }
0x66: {  	[sflag:s26] =	ssyncadd.s32 $0xFFFFC000  }
0x67: {  	_ =	swait.ge [sflag:s30], $0x4000  }
0x68: {  	[sflag:s30] =	ssyncset.done $0x0  }
0x69: {  	[sflag:s30] =	ssyncadd.s32 $0xFFFFC000  }
0x6a: {  	[tilespmem:s31], [sflag:$0x1] =	stream.indirect.gather [hbm4b:s4+s29], $0x80, s15, s29, $0xb8;
	[tilespmem:$0x1C800] =	vst v63  }
0x6b: {  	_ = 	snop  }
0x6c: {  	[spmem:s2] =	stream.indirect.scatter.add.f32 [tilespmem:s25], [sflag:$0x3], $0x80, s16, s29, $0xb8;
	[tilespmem:$0x1C800] =	vst v63  }
0x6d: {  	_ =	swait.ge [sflag:s26], $0x4000  }
0x6e: {  	[sflag:s26] =	ssyncset.done $0x0  }
0x6f: {  	[sflag:s26] =	ssyncadd.s32 $0xFFFFC000  }
0x70: {  	_ =	swait.ge [sflag:s30], $0x4000  }
0x71: {  	[sflag:s30] =	ssyncset.done $0x0  }
0x72: {  	[sflag:s30] =	ssyncadd.s32 $0xFFFFC000  }
0x73: {  	[tilespmem:s25], [sflag:$0x1] =	stream.indirect.gather [hbm4b:s4+s29], $0x80, s17, s29, $0xb8;
	[tilespmem:$0x1C800] =	vst v63  }
0x74: {  	_ = 	snop  }
0x75: {  	[spmem:s2] =	stream.indirect.scatter.add.f32 [tilespmem:s31], [sflag:$0x3], $0x80, s18, s29, $0xb8;
	[tilespmem:$0x1C800] =	vst v63  }
0x76: {  	_ =	swait.ge [sflag:s26], $0x4000  }
0x77: {  	[sflag:s26] =	ssyncset.done $0x0  }
0x78: {  	[sflag:s26] =	ssyncadd.s32 $0xFFFFC000  }
0x79: {  	_ =	swait.ge [sflag:s30], $0x4000  }
0x7a: {  	[sflag:s30] =	ssyncset.done $0x0  }
0x7b: {  	[sflag:s30] =	ssyncadd.s32 $0xFFFFC000  }
0x7c: {  	[tilespmem:s31], [sflag:$0x1] =	stream.indirect.gather [hbm4b:s4+s29], $0x80, s19, s29, $0xb8;
	[tilespmem:$0x1C800] =	vst v63  }
0x7d: {  	_ = 	snop  }
0x7e: {  	[spmem:s2] =	stream.indirect.scatter.add.f32 [tilespmem:s25], [sflag:$0x3], $0x80, s20, s29, $0xb8;
	[tilespmem:$0x1C800] =	vst v63  }
0x7f: {  	_ =	swait.ge [sflag:s26], $0x4000  }
0x80: {  	[sflag:s26] =	ssyncset.done $0x0  }
0x81: {  	[sflag:s26] =	ssyncadd.s32 $0xFFFFC000  }
0x82: {  	_ =	swait.ge [sflag:s30], $0x4000  }
0x83: {  	[sflag:s30] =	ssyncset.done $0x0  }
0x84: {  	[sflag:s30] =	ssyncadd.s32 $0xFFFFC000  }
0x85: {  	[spmem:s2] =	stream.indirect.scatter.add.f32 [tilespmem:s31], [sflag:$0x3], $0x80, s21, s29, $0xb8;
	[tilespmem:$0x1C800] =	vst v63  }
0x86: {  	_ =	swait.ge [sflag:s26], $0x4000  }
0x87: {  	s10 =	simm.s32 $0x100;
	s9 =	simm.s32 $0x80;
	[sflag:s26] =	ssyncset.done $0x0  }
.LBB2_2:
0x88: {  	s12 =	sadd.s32 s9, s24  }
0x89: {  	[sflag:s26] =	ssyncadd.s32 $0xFFFFC000;
	s7 =	smov.u32 s10;
	s11 =	sadd.s32 $0x80, s10  }
0x8a: {  	[tilespmem:s3], [sflag:$0x3] =	stream.linear.gather [hbm4b:s12+s3], $0x400, $0x38;
	[tilespmem:$0x1C800] =	vst v63  }
0x8b: {  	p0 =	sne.s32 s10, $0x480;
	_ =	swait.ge [sflag:s26], $0x400  }
0x8c: {  	[sflag:s26] =	ssyncset.done $0x0  }
0x8d: {  	s10 =	sadd.s32 s9, s23;
	s9 =	smov.u32 s7;
	[sflag:s26] =	ssyncadd.s32 $0xFFFFFC00  }
0x8e: {  	[tilespmem:s28], [sflag:$0x3] =	stream.linear.gather [hbm4b:s10+s3], $0x400, $0x38;
	[tilespmem:$0x1C800] =	vst v63  }
0x8f: {  	_ =	swait.ge [sflag:s26], $0x400  }
0x90: {  	[sflag:s26] =	ssyncset.done $0x0  }
0x91: {  	[sflag:s26] =	ssyncadd.s32 $0xFFFFFC00  }
0x92: {  	[tilespmem:s25], [sflag:$0x1] =	stream.indirect.gather [hbm4b:s4+s29], $0x80, s3, s29, $0xb8;
	[tilespmem:$0x1C800] =	vst v63  }
0x93: {  	_ =	swait.ge [sflag:s30], $0x4000  }
0x94: {  	[sflag:s30] =	ssyncset.done $0x0  }
0x95: {  	[sflag:s30] =	ssyncadd.s32 $0xFFFFC000  }
0x96: {  	[tilespmem:s31], [sflag:$0x1] =	stream.indirect.gather [hbm4b:s4+s29], $0x80, s29, s29, $0xb8;
	[tilespmem:$0x1C800] =	vst v63  }
0x97: {  	_ = 	snop  }
0x98: {  	[spmem:s2] =	stream.indirect.scatter.add.f32 [tilespmem:s25], [sflag:$0x3], $0x80, s28, s29, $0xb8;
	[tilespmem:$0x1C800] =	vst v63  }
0x99: {  	_ =	swait.ge [sflag:s26], $0x4000  }
0x9a: {  	[sflag:s26] =	ssyncset.done $0x0  }
0x9b: {  	[sflag:s26] =	ssyncadd.s32 $0xFFFFC000  }
0x9c: {  	_ =	swait.ge [sflag:s30], $0x4000  }
0x9d: {  	[sflag:s30] =	ssyncset.done $0x0  }
0x9e: {  	[sflag:s30] =	ssyncadd.s32 $0xFFFFC000  }
0x9f: {  	[tilespmem:s25], [sflag:$0x1] =	stream.indirect.gather [hbm4b:s4+s29], $0x80, s0, s29, $0xb8;
	[tilespmem:$0x1C800] =	vst v63  }
0xa0: {  	_ = 	snop  }
0xa1: {  	[spmem:s2] =	stream.indirect.scatter.add.f32 [tilespmem:s31], [sflag:$0x3], $0x80, s1, s29, $0xb8;
	[tilespmem:$0x1C800] =	vst v63  }
0xa2: {  	_ =	swait.ge [sflag:s26], $0x4000  }
0xa3: {  	[sflag:s26] =	ssyncset.done $0x0  }
0xa4: {  	[sflag:s26] =	ssyncadd.s32 $0xFFFFC000  }
0xa5: {  	_ =	swait.ge [sflag:s30], $0x4000  }
0xa6: {  	[sflag:s30] =	ssyncset.done $0x0  }
0xa7: {  	[sflag:s30] =	ssyncadd.s32 $0xFFFFC000  }
0xa8: {  	[tilespmem:s31], [sflag:$0x1] =	stream.indirect.gather [hbm4b:s4+s29], $0x80, s6, s29, $0xb8;
	[tilespmem:$0x1C800] =	vst v63  }
0xa9: {  	_ = 	snop  }
0xaa: {  	[spmem:s2] =	stream.indirect.scatter.add.f32 [tilespmem:s25], [sflag:$0x3], $0x80, s8, s29, $0xb8;
	[tilespmem:$0x1C800] =	vst v63  }
0xab: {  	_ =	swait.ge [sflag:s26], $0x4000  }
0xac: {  	[sflag:s26] =	ssyncset.done $0x0  }
0xad: {  	[sflag:s26] =	ssyncadd.s32 $0xFFFFC000  }
0xae: {  	_ =	swait.ge [sflag:s30], $0x4000  }
0xaf: {  	[sflag:s30] =	ssyncset.done $0x0  }
0xb0: {  	[sflag:s30] =	ssyncadd.s32 $0xFFFFC000  }
0xb1: {  	[tilespmem:s25], [sflag:$0x1] =	stream.indirect.gather [hbm4b:s4+s29], $0x80, s13, s29, $0xb8;
	[tilespmem:$0x1C800] =	vst v63  }
0xb2: {  	_ = 	snop  }
0xb3: {  	[spmem:s2] =	stream.indirect.scatter.add.f32 [tilespmem:s31], [sflag:$0x3], $0x80, s14, s29, $0xb8;
	[tilespmem:$0x1C800] =	vst v63  }
0xb4: {  	_ =	swait.ge [sflag:s26], $0x4000  }
0xb5: {  	[sflag:s26] =	ssyncset.done $0x0  }
0xb6: {  	[sflag:s26] =	ssyncadd.s32 $0xFFFFC000  }
0xb7: {  	_ =	swait.ge [sflag:s30], $0x4000  }
0xb8: {  	[sflag:s30] =	ssyncset.done $0x0  }
0xb9: {  	[sflag:s30] =	ssyncadd.s32 $0xFFFFC000  }
0xba: {  	[tilespmem:s31], [sflag:$0x1] =	stream.indirect.gather [hbm4b:s4+s29], $0x80, s15, s29, $0xb8;
	[tilespmem:$0x1C800] =	vst v63  }
0xbb: {  	_ = 	snop  }
0xbc: {  	[spmem:s2] =	stream.indirect.scatter.add.f32 [tilespmem:s25], [sflag:$0x3], $0x80, s16, s29, $0xb8;
	[tilespmem:$0x1C800] =	vst v63  }
0xbd: {  	_ =	swait.ge [sflag:s26], $0x4000  }
0xbe: {  	[sflag:s26] =	ssyncset.done $0x0  }
0xbf: {  	[sflag:s26] =	ssyncadd.s32 $0xFFFFC000  }
0xc0: {  	_ =	swait.ge [sflag:s30], $0x4000  }
0xc1: {  	[sflag:s30] =	ssyncset.done $0x0  }
0xc2: {  	[sflag:s30] =	ssyncadd.s32 $0xFFFFC000  }
0xc3: {  	[tilespmem:s25], [sflag:$0x1] =	stream.indirect.gather [hbm4b:s4+s29], $0x80, s17, s29, $0xb8;
	[tilespmem:$0x1C800] =	vst v63  }
0xc4: {  	_ = 	snop  }
0xc5: {  	[spmem:s2] =	stream.indirect.scatter.add.f32 [tilespmem:s31], [sflag:$0x3], $0x80, s18, s29, $0xb8;
	[tilespmem:$0x1C800] =	vst v63  }
0xc6: {  	_ =	swait.ge [sflag:s26], $0x4000  }
0xc7: {  	[sflag:s26] =	ssyncset.done $0x0  }
0xc8: {  	[sflag:s26] =	ssyncadd.s32 $0xFFFFC000  }
0xc9: {  	_ =	swait.ge [sflag:s30], $0x4000  }
0xca: {  	[sflag:s30] =	ssyncset.done $0x0  }
0xcb: {  	[sflag:s30] =	ssyncadd.s32 $0xFFFFC000  }
0xcc: {  	[tilespmem:s31], [sflag:$0x1] =	stream.indirect.gather [hbm4b:s4+s29], $0x80, s19, s29, $0xb8;
	[tilespmem:$0x1C800] =	vst v63  }
0xcd: {  	_ = 	snop  }
0xce: {  	[spmem:s2] =	stream.indirect.scatter.add.f32 [tilespmem:s25], [sflag:$0x3], $0x80, s20, s29, $0xb8;
	[tilespmem:$0x1C800] =	vst v63  }
0xcf: {  	_ =	swait.ge [sflag:s26], $0x4000  }
0xd0: {  	[sflag:s26] =	ssyncset.done $0x0  }
0xd1: {  	[sflag:s26] =	ssyncadd.s32 $0xFFFFC000  }
0xd2: {  	_ =	swait.ge [sflag:s30], $0x4000  }
.Ltmp0:
0xd3: {  	[sflag:s30] =	ssyncset.done $0x0;
	(pc) =	sbr.rel @p0 .LBB2_2-.Ltmp0, $4  }
0xd4: {  	[sflag:s30] =	ssyncadd.s32 $0xFFFFC000  }
0xd5: {  	[spmem:s2] =	stream.indirect.scatter.add.f32 [tilespmem:s31], [sflag:$0x3], $0x80, s21, s29, $0xb8;
	[tilespmem:$0x1C800] =	vst v63  }
0xd6: {  	_ =	swait.ge [sflag:s26], $0x4000  }
0xd7: {  	s10 =	smov.u32 s11;
	[sflag:s26] =	ssyncset.done $0x0  }
0xd8: {  	s7 =	sadd.s32 s9, s24;
	[sflag:s26] =	ssyncadd.s32 $0xFFFFC000  }
0xd9: {  	[tilespmem:s3], [sflag:$0x3] =	stream.linear.gather [hbm4b:s7+s3], $0x400, $0x38;
	[tilespmem:$0x1C800] =	vst v63  }
0xda: {  	_ =	swait.ge [sflag:s26], $0x400  }
0xdb: {  	[sflag:s26] =	ssyncset.done $0x0  }
0xdc: {  	s10 =	sadd.s32 s9, s23;
	[sflag:s26] =	ssyncadd.s32 $0xFFFFFC00  }
0xdd: {  	[tilespmem:s28], [sflag:$0x3] =	stream.linear.gather [hbm4b:s10+s3], $0x400, $0x38;
	[tilespmem:$0x1C800] =	vst v63  }
0xde: {  	_ =	swait.ge [sflag:s26], $0x400  }
0xdf: {  	[sflag:s26] =	ssyncset.done $0x0  }
0xe0: {  	[sflag:s26] =	ssyncadd.s32 $0xFFFFFC00  }
0xe1: {  	[tilespmem:s25], [sflag:$0x1] =	stream.indirect.gather [hbm4b:s4+s29], $0x80, s3, s29, $0xb8;
	[tilespmem:$0x1C800] =	vst v63  }
0xe2: {  	_ =	swait.ge [sflag:s30], $0x4000  }
0xe3: {  	[sflag:s30] =	ssyncset.done $0x0  }
0xe4: {  	[sflag:s30] =	ssyncadd.s32 $0xFFFFC000  }
0xe5: {  	[tilespmem:s31], [sflag:$0x1] =	stream.indirect.gather [hbm4b:s4+s29], $0x80, s29, s29, $0xb8;
	[tilespmem:$0x1C800] =	vst v63  }
0xe6: {  	_ = 	snop  }
0xe7: {  	[spmem:s2] =	stream.indirect.scatter.add.f32 [tilespmem:s25], [sflag:$0x3], $0x80, s28, s29, $0xb8;
	[tilespmem:$0x1C800] =	vst v63  }
0xe8: {  	_ =	swait.ge [sflag:s26], $0x4000  }
0xe9: {  	[sflag:s26] =	ssyncset.done $0x0  }
0xea: {  	[sflag:s26] =	ssyncadd.s32 $0xFFFFC000  }
0xeb: {  	_ =	swait.ge [sflag:s30], $0x4000  }
0xec: {  	[sflag:s30] =	ssyncset.done $0x0  }
0xed: {  	[sflag:s30] =	ssyncadd.s32 $0xFFFFC000  }
0xee: {  	[tilespmem:s25], [sflag:$0x1] =	stream.indirect.gather [hbm4b:s4+s29], $0x80, s0, s29, $0xb8;
	[tilespmem:$0x1C800] =	vst v63  }
0xef: {  	_ = 	snop  }
0xf0: {  	[spmem:s2] =	stream.indirect.scatter.add.f32 [tilespmem:s31], [sflag:$0x3], $0x80, s1, s29, $0xb8;
	[tilespmem:$0x1C800] =	vst v63  }
0xf1: {  	_ =	swait.ge [sflag:s26], $0x4000  }
0xf2: {  	[sflag:s26] =	ssyncset.done $0x0  }
0xf3: {  	[sflag:s26] =	ssyncadd.s32 $0xFFFFC000  }
0xf4: {  	_ =	swait.ge [sflag:s30], $0x4000  }
0xf5: {  	[sflag:s30] =	ssyncset.done $0x0  }
0xf6: {  	[sflag:s30] =	ssyncadd.s32 $0xFFFFC000  }
0xf7: {  	[tilespmem:s31], [sflag:$0x1] =	stream.indirect.gather [hbm4b:s4+s29], $0x80, s6, s29, $0xb8;
	[tilespmem:$0x1C800] =	vst v63  }
0xf8: {  	_ = 	snop  }
0xf9: {  	[spmem:s2] =	stream.indirect.scatter.add.f32 [tilespmem:s25], [sflag:$0x3], $0x80, s8, s29, $0xb8;
	[tilespmem:$0x1C800] =	vst v63  }
0xfa: {  	_ =	swait.ge [sflag:s26], $0x4000  }
0xfb: {  	[sflag:s26] =	ssyncset.done $0x0  }
0xfc: {  	[sflag:s26] =	ssyncadd.s32 $0xFFFFC000  }
0xfd: {  	_ =	swait.ge [sflag:s30], $0x4000  }
0xfe: {  	[sflag:s30] =	ssyncset.done $0x0  }
0xff: {  	[sflag:s30] =	ssyncadd.s32 $0xFFFFC000  }
0x100: {  	[tilespmem:s25], [sflag:$0x1] =	stream.indirect.gather [hbm4b:s4+s29], $0x80, s13, s29, $0xb8;
	[tilespmem:$0x1C800] =	vst v63  }
0x101: {  	_ = 	snop  }
0x102: {  	[spmem:s2] =	stream.indirect.scatter.add.f32 [tilespmem:s31], [sflag:$0x3], $0x80, s14, s29, $0xb8;
	[tilespmem:$0x1C800] =	vst v63  }
0x103: {  	_ =	swait.ge [sflag:s26], $0x4000  }
0x104: {  	[sflag:s26] =	ssyncset.done $0x0  }
0x105: {  	[sflag:s26] =	ssyncadd.s32 $0xFFFFC000  }
0x106: {  	_ =	swait.ge [sflag:s30], $0x4000  }
0x107: {  	[sflag:s30] =	ssyncset.done $0x0  }
0x108: {  	[sflag:s30] =	ssyncadd.s32 $0xFFFFC000  }
0x109: {  	[tilespmem:s31], [sflag:$0x1] =	stream.indirect.gather [hbm4b:s4+s29], $0x80, s15, s29, $0xb8;
	[tilespmem:$0x1C800] =	vst v63  }
0x10a: {  	_ = 	snop  }
0x10b: {  	[spmem:s2] =	stream.indirect.scatter.add.f32 [tilespmem:s25], [sflag:$0x3], $0x80, s16, s29, $0xb8;
	[tilespmem:$0x1C800] =	vst v63  }
0x10c: {  	_ =	swait.ge [sflag:s26], $0x4000  }
0x10d: {  	[sflag:s26] =	ssyncset.done $0x0  }
0x10e: {  	[sflag:s26] =	ssyncadd.s32 $0xFFFFC000  }
0x10f: {  	_ =	swait.ge [sflag:s30], $0x4000  }
0x110: {  	[sflag:s30] =	ssyncset.done $0x0  }
0x111: {  	[sflag:s30] =	ssyncadd.s32 $0xFFFFC000  }
0x112: {  	[tilespmem:s25], [sflag:$0x1] =	stream.indirect.gather [hbm4b:s4+s29], $0x80, s17, s29, $0xb8;
	[tilespmem:$0x1C800] =	vst v63  }
0x113: {  	_ = 	snop  }
0x114: {  	[spmem:s2] =	stream.indirect.scatter.add.f32 [tilespmem:s31], [sflag:$0x3], $0x80, s18, s29, $0xb8;
	[tilespmem:$0x1C800] =	vst v63  }
0x115: {  	_ =	swait.ge [sflag:s26], $0x4000  }
0x116: {  	[sflag:s26] =	ssyncset.done $0x0  }
0x117: {  	[sflag:s26] =	ssyncadd.s32 $0xFFFFC000  }
0x118: {  	_ =	swait.ge [sflag:s30], $0x4000  }
0x119: {  	[sflag:s30] =	ssyncset.done $0x0  }
0x11a: {  	[sflag:s30] =	ssyncadd.s32 $0xFFFFC000  }
0x11b: {  	[tilespmem:s31], [sflag:$0x1] =	stream.indirect.gather [hbm4b:s4+s29], $0x80, s19, s29, $0xb8;
	[tilespmem:$0x1C800] =	vst v63  }
0x11c: {  	_ = 	snop  }
0x11d: {  	[spmem:s2] =	stream.indirect.scatter.add.f32 [tilespmem:s25], [sflag:$0x3], $0x80, s20, s29, $0xb8;
	[tilespmem:$0x1C800] =	vst v63  }
0x11e: {  	_ =	swait.ge [sflag:s26], $0x4000  }
0x11f: {  	[sflag:s26] =	ssyncset.done $0x0  }
0x120: {  	[sflag:s26] =	ssyncadd.s32 $0xFFFFC000  }
0x121: {  	_ =	swait.ge [sflag:s30], $0x4000  }
0x122: {  	[sflag:s30] =	ssyncset.done $0x0  }
0x123: {  	[sflag:s30] =	ssyncadd.s32 $0xFFFFC000  }
0x124: {  	[spmem:s2] =	stream.indirect.scatter.add.f32 [tilespmem:s31], [sflag:$0x3], $0x80, s21, s29, $0xb8;
	[tilespmem:$0x1C800] =	vst v63  }
0x125: {  	_ =	swait.ge [sflag:s26], $0x4000  }
0x126: {  	[sflag:s26] =	ssyncset.done $0x0  }
0x127: {  	[sflag:s26] =	ssyncadd.s32 $0xFFFFC000  }
0x128: {  	[bflag:$0x0] =	sbarrier.arrive $0xFFFF  }
0x129: {  	s5 =	rddreg [dreg:$0x5]  }
0x12a: {  	[tilespmem:s25], [sflag:$0x3] =	stream.linear.gather [spmem:s5], $0x4000, $0x38;
	[tilespmem:$0x1C800] =	vst v63  }
0x12b: {  	_ =	swait.ge [sflag:s26], $0x4000  }
0x12c: {  	[sflag:s26] =	ssyncset.done $0x0  }
0x12d: {  	s7 =	simm.s32 $0x0;
	s11 =	rddreg [dreg:$0xb];
	[sflag:s26] =	ssyncadd.s32 $0xFFFFC000  }
0x12e: {  	[hbm4b:s11+s7] =	stream.linear.scatter [tilespmem:s25], [sflag:$0x3], $0x4000, $0x38;
	[tilespmem:$0x1C800] =	vst v63  }
0x12f: {  	_ =	swait.ge [sflag:s26], $0x4000  }
0x130: {  	[sflag:s26] =	ssyncset.done $0x0  }
0x131: {  	s10 =	rddreg [dreg:$0x7];
	[sflag:s26] =	ssyncadd.s32 $0xFFFFC000  }
0x132: {  	[tilespmem:s25], [sflag:$0x3] =	stream.linear.gather [spmem:s10], $0x4000, $0x38;
	[tilespmem:$0x1C800] =	vst v63  }
0x133: {  	_ =	swait.ge [sflag:s26], $0x4000  }
0x134: {  	[sflag:s26] =	ssyncset.done $0x0  }
0x135: {  	s12 =	rddreg [dreg:$0xc];
	[sflag:s26] =	ssyncadd.s32 $0xFFFFC000  }
0x136: {  	[hbm4b:s12+s7] =	stream.linear.scatter [tilespmem:s25], [sflag:$0x3], $0x4000, $0x38;
	[tilespmem:$0x1C800] =	vst v63  }
0x137: {  	_ =	swait.ge [sflag:s26], $0x4000  }
0x138: {  	[sflag:s26] =	ssyncset.done $0x0  }
0x139: {  	s11 =	rddreg [dreg:$0x8];
	[sflag:s26] =	ssyncadd.s32 $0xFFFFC000  }
0x13a: {  	[tilespmem:s25], [sflag:$0x3] =	stream.linear.gather [spmem:s11], $0x4000, $0x38;
	[tilespmem:$0x1C800] =	vst v63  }
0x13b: {  	_ =	swait.ge [sflag:s26], $0x4000  }
0x13c: {  	[sflag:s26] =	ssyncset.done $0x0  }
0x13d: {  	s9 =	rddreg [dreg:$0xd];
	[sflag:s26] =	ssyncadd.s32 $0xFFFFC000  }
0x13e: {  	[hbm4b:s9+s7] =	stream.linear.scatter [tilespmem:s25], [sflag:$0x3], $0x4000, $0x38;
	[tilespmem:$0x1C800] =	vst v63  }
0x13f: {  	_ =	swait.ge [sflag:s26], $0x4000  }
0x140: {  	[sflag:s26] =	ssyncset.done $0x0  }
0x141: {  	s5 =	rddreg [dreg:$0x9];
	[sflag:s26] =	ssyncadd.s32 $0xFFFFC000  }
0x142: {  	[tilespmem:s25], [sflag:$0x3] =	stream.linear.gather [spmem:s5], $0x4000, $0x38;
	[tilespmem:$0x1C800] =	vst v63  }
0x143: {  	_ =	swait.ge [sflag:s26], $0x4000  }
0x144: {  	[sflag:s26] =	ssyncset.done $0x0  }
0x145: {  	s12 =	rddreg [dreg:$0xe];
	[sflag:s26] =	ssyncadd.s32 $0xFFFFC000  }
0x146: {  	[hbm4b:s12+s7] =	stream.linear.scatter [tilespmem:s25], [sflag:$0x3], $0x4000, $0x38;
	[tilespmem:$0x1C800] =	vst v63  }
0x147: {  	_ =	swait.ge [sflag:s26], $0x4000  }
0x148: {  	[sflag:s26] =	ssyncset.done $0x0  }
0x149: {  	s12 =	rddreg [dreg:$0xa];
	[sflag:s26] =	ssyncadd.s32 $0xFFFFC000  }
0x14a: {  	[tilespmem:s25], [sflag:$0x3] =	stream.linear.gather [spmem:s12], $0x4000, $0x38;
	[tilespmem:$0x1C800] =	vst v63  }
0x14b: {  	_ =	swait.ge [sflag:s26], $0x4000  }
0x14c: {  	[sflag:s26] =	ssyncset.done $0x0  }
0x14d: {  	s9 =	rddreg [dreg:$0xf];
	[sflag:s26] =	ssyncadd.s32 $0xFFFFC000  }
0x14e: {  	[hbm4b:s9+s7] =	stream.linear.scatter [tilespmem:s25], [sflag:$0x3], $0x4000, $0x38;
	[tilespmem:$0x1C800] =	vst v63  }
0x14f: {  	_ =	swait.ge [sflag:s26], $0x4000  }
0x150: {  	[sflag:s26] =	ssyncset.done $0x0  }
0x151: {  	s9 =	rddreg [dreg:$0x3];
	[sflag:s26] =	ssyncadd.s32 $0xFFFFC000  }
0x152: {  	[tilespmem:s25], [sflag:$0x3] =	stream.linear.gather [hbm4b:s9+s7], $0x4000, $0x38;
	[tilespmem:$0x1C800] =	vst v63  }
0x153: {  	_ =	swait.ge [sflag:s26], $0x4000  }
0x154: {  	[sflag:s26] =	ssyncset.done $0x0  }
0x155: {  	s9 =	rddreg [dreg:$0x5];
	[sflag:s26] =	ssyncadd.s32 $0xFFFFC000  }
0x156: {  	[spmem:s9] =	stream.linear.scatter [tilespmem:s25], [sflag:$0x3], $0x4000, $0x38;
	[tilespmem:$0x1C800] =	vst v63  }
0x157: {  	_ =	swait.ge [sflag:s26], $0x4000  }
0x158: {  	[sflag:s26] =	ssyncset.done $0x0  }
0x159: {  	[sflag:s26] =	ssyncadd.s32 $0xFFFFC000  }
0x15a: {  	[spmem:s10] =	stream.linear.scatter [tilespmem:s25], [sflag:$0x3], $0x4000, $0x38;
	[tilespmem:$0x1C800] =	vst v63  }
0x15b: {  	_ =	swait.ge [sflag:s26], $0x4000  }
0x15c: {  	[sflag:s26] =	ssyncset.done $0x0  }
0x15d: {  	[sflag:s26] =	ssyncadd.s32 $0xFFFFC000  }
0x15e: {  	[spmem:s11] =	stream.linear.scatter [tilespmem:s25], [sflag:$0x3], $0x4000, $0x38;
	[tilespmem:$0x1C800] =	vst v63  }
0x15f: {  	_ =	swait.ge [sflag:s26], $0x4000  }
0x160: {  	[sflag:s26] =	ssyncset.done $0x0  }
0x161: {  	[sflag:s26] =	ssyncadd.s32 $0xFFFFC000  }
0x162: {  	[spmem:s5] =	stream.linear.scatter [tilespmem:s25], [sflag:$0x3], $0x4000, $0x38;
	[tilespmem:$0x1C800] =	vst v63  }
0x163: {  	_ =	swait.ge [sflag:s26], $0x4000  }
0x164: {  	[sflag:s26] =	ssyncset.done $0x0  }
0x165: {  	[sflag:s26] =	ssyncadd.s32 $0xFFFFC000  }
0x166: {  	[spmem:s12] =	stream.linear.scatter [tilespmem:s25], [sflag:$0x3], $0x4000, $0x38;
	[tilespmem:$0x1C800] =	vst v63  }
0x167: {  	_ =	swait.ge [sflag:s26], $0x4000  }
0x168: {  	[sflag:s26] =	ssyncset.done $0x0  }
0x169: {  	[sflag:s26] =	ssyncadd.s32 $0xFFFFC000  }
0x16a: {  	[bflag:$0x0] =	sbarrier.arrive $0xFFFF  }
0x16b: {  	s11 =	rddreg [dreg:$0x4]  }
0x16c: {  	[tilespmem:s25], [sflag:$0x3] =	stream.linear.gather [hbm4b:s11+s7], $0x4000, $0x38;
	[tilespmem:$0x1C800] =	vst v63  }
0x16d: {  	_ =	swait.ge [sflag:s26], $0x4000  }
0x16e: {  	[sflag:s26] =	ssyncset.done $0x0  }
0x16f: {  	s12 =	sadd.s32 $0x0, s23;
	[sflag:s26] =	ssyncadd.s32 $0xFFFFC000  }
0x170: {  	[tilespmem:s28], [sflag:$0x3] =	stream.linear.gather [hbm4b:s12+s3], $0x400, $0x38;
	[tilespmem:$0x1C800] =	vst v63  }
0x171: {  	_ =	swait.ge [sflag:s26], $0x400  }
0x172: {  	[sflag:s26] =	ssyncset.done $0x0  }
0x173: {  	[sflag:s26] =	ssyncadd.s32 $0xFFFFFC00  }
0x174: {  	[spmem:s2] =	stream.indirect.scatter.add.f32 [tilespmem:s25], [sflag:$0x2], $0x80, s28, s29, $0xb8;
	[tilespmem:$0x1C800] =	vst v63  }
0x175: {  	_ = 	snop  }
0x176: {  	[spmem:s2] =	stream.indirect.scatter.add.f32 [tilespmem:s25], [sflag:$0x2], $0x80, s1, s29, $0xb8;
	[tilespmem:$0x1C800] =	vst v63  }
0x177: {  	_ = 	snop  }
0x178: {  	[spmem:s2] =	stream.indirect.scatter.add.f32 [tilespmem:s25], [sflag:$0x2], $0x80, s8, s29, $0xb8;
	[tilespmem:$0x1C800] =	vst v63  }
0x179: {  	_ = 	snop  }
0x17a: {  	[spmem:s2] =	stream.indirect.scatter.add.f32 [tilespmem:s25], [sflag:$0x2], $0x80, s14, s29, $0xb8;
	[tilespmem:$0x1C800] =	vst v63  }
0x17b: {  	_ = 	snop  }
0x17c: {  	[spmem:s2] =	stream.indirect.scatter.add.f32 [tilespmem:s25], [sflag:$0x2], $0x80, s16, s29, $0xb8;
	[tilespmem:$0x1C800] =	vst v63  }
0x17d: {  	_ = 	snop  }
0x17e: {  	[spmem:s2] =	stream.indirect.scatter.add.f32 [tilespmem:s25], [sflag:$0x2], $0x80, s18, s29, $0xb8;
	[tilespmem:$0x1C800] =	vst v63  }
0x17f: {  	_ = 	snop  }
0x180: {  	[spmem:s2] =	stream.indirect.scatter.add.f32 [tilespmem:s25], [sflag:$0x2], $0x80, s20, s29, $0xb8;
	[tilespmem:$0x1C800] =	vst v63  }
0x181: {  	_ = 	snop  }
0x182: {  	[spmem:s2] =	stream.indirect.scatter.add.f32 [tilespmem:s25], [sflag:$0x2], $0x80, s21, s29, $0xb8;
	[tilespmem:$0x1C800] =	vst v63  }
0x183: {  	_ =	swait.ge [sflag:s22], $0x4000  }
0x184: {  	[sflag:s22] =	ssyncset.done $0x0  }
0x185: {  	[sflag:s22] =	ssyncadd.s32 $0xFFFFC000  }
0x186: {  	_ =	swait.ge [sflag:s22], $0x4000  }
0x187: {  	[sflag:s22] =	ssyncset.done $0x0  }
0x188: {  	[sflag:s22] =	ssyncadd.s32 $0xFFFFC000  }
0x189: {  	_ =	swait.ge [sflag:s22], $0x4000  }
0x18a: {  	[sflag:s22] =	ssyncset.done $0x0  }
0x18b: {  	[sflag:s22] =	ssyncadd.s32 $0xFFFFC000  }
0x18c: {  	_ =	swait.ge [sflag:s22], $0x4000  }
0x18d: {  	[sflag:s22] =	ssyncset.done $0x0  }
0x18e: {  	[sflag:s22] =	ssyncadd.s32 $0xFFFFC000  }
0x18f: {  	_ =	swait.ge [sflag:s22], $0x4000  }
0x190: {  	[sflag:s22] =	ssyncset.done $0x0  }
0x191: {  	[sflag:s22] =	ssyncadd.s32 $0xFFFFC000  }
0x192: {  	_ =	swait.ge [sflag:s22], $0x4000  }
0x193: {  	[sflag:s22] =	ssyncset.done $0x0  }
0x194: {  	[sflag:s22] =	ssyncadd.s32 $0xFFFFC000  }
0x195: {  	_ =	swait.ge [sflag:s22], $0x4000  }
0x196: {  	[sflag:s22] =	ssyncset.done $0x0  }
0x197: {  	[sflag:s22] =	ssyncadd.s32 $0xFFFFC000  }
0x198: {  	_ =	swait.ge [sflag:s22], $0x4000  }
0x199: {  	s9 =	simm.s32 $0x80;
	s11 =	simm.s32 $0x100;
	[sflag:s22] =	ssyncset.done $0x0  }
.LBB2_4:
0x19a: {  	s7 =	sadd.s32 s9, s23  }
0x19b: {  	[sflag:s22] =	ssyncadd.s32 $0xFFFFC000;
	s9 =	smov.u32 s11;
	s10 =	sadd.s32 $0x80, s11  }
0x19c: {  	[tilespmem:s28], [sflag:$0x3] =	stream.linear.gather [hbm4b:s7+s3], $0x400, $0x38;
	[tilespmem:$0x1C800] =	vst v63  }
0x19d: {  	p0 =	sne.s32 s11, $0x480;
	_ =	swait.ge [sflag:s26], $0x400  }
0x19e: {  	[sflag:s26] =	ssyncset.done $0x0  }
0x19f: {  	[sflag:s26] =	ssyncadd.s32 $0xFFFFFC00  }
0x1a0: {  	[spmem:s2] =	stream.indirect.scatter.add.f32 [tilespmem:s25], [sflag:$0x2], $0x80, s28, s29, $0xb8;
	[tilespmem:$0x1C800] =	vst v63  }
0x1a1: {  	_ = 	snop  }
0x1a2: {  	[spmem:s2] =	stream.indirect.scatter.add.f32 [tilespmem:s25], [sflag:$0x2], $0x80, s1, s29, $0xb8;
	[tilespmem:$0x1C800] =	vst v63  }
0x1a3: {  	_ = 	snop  }
0x1a4: {  	[spmem:s2] =	stream.indirect.scatter.add.f32 [tilespmem:s25], [sflag:$0x2], $0x80, s8, s29, $0xb8;
	[tilespmem:$0x1C800] =	vst v63  }
0x1a5: {  	_ = 	snop  }
0x1a6: {  	[spmem:s2] =	stream.indirect.scatter.add.f32 [tilespmem:s25], [sflag:$0x2], $0x80, s14, s29, $0xb8;
	[tilespmem:$0x1C800] =	vst v63  }
0x1a7: {  	_ = 	snop  }
0x1a8: {  	[spmem:s2] =	stream.indirect.scatter.add.f32 [tilespmem:s25], [sflag:$0x2], $0x80, s16, s29, $0xb8;
	[tilespmem:$0x1C800] =	vst v63  }
0x1a9: {  	_ = 	snop  }
0x1aa: {  	[spmem:s2] =	stream.indirect.scatter.add.f32 [tilespmem:s25], [sflag:$0x2], $0x80, s18, s29, $0xb8;
	[tilespmem:$0x1C800] =	vst v63  }
0x1ab: {  	_ = 	snop  }
0x1ac: {  	[spmem:s2] =	stream.indirect.scatter.add.f32 [tilespmem:s25], [sflag:$0x2], $0x80, s20, s29, $0xb8;
	[tilespmem:$0x1C800] =	vst v63  }
0x1ad: {  	_ = 	snop  }
0x1ae: {  	[spmem:s2] =	stream.indirect.scatter.add.f32 [tilespmem:s25], [sflag:$0x2], $0x80, s21, s29, $0xb8;
	[tilespmem:$0x1C800] =	vst v63  }
0x1af: {  	_ =	swait.ge [sflag:s22], $0x4000  }
0x1b0: {  	[sflag:s22] =	ssyncset.done $0x0  }
0x1b1: {  	[sflag:s22] =	ssyncadd.s32 $0xFFFFC000  }
0x1b2: {  	_ =	swait.ge [sflag:s22], $0x4000  }
0x1b3: {  	[sflag:s22] =	ssyncset.done $0x0  }
0x1b4: {  	[sflag:s22] =	ssyncadd.s32 $0xFFFFC000  }
0x1b5: {  	_ =	swait.ge [sflag:s22], $0x4000  }
0x1b6: {  	[sflag:s22] =	ssyncset.done $0x0  }
0x1b7: {  	[sflag:s22] =	ssyncadd.s32 $0xFFFFC000  }
0x1b8: {  	_ =	swait.ge [sflag:s22], $0x4000  }
0x1b9: {  	[sflag:s22] =	ssyncset.done $0x0  }
0x1ba: {  	[sflag:s22] =	ssyncadd.s32 $0xFFFFC000  }
0x1bb: {  	_ =	swait.ge [sflag:s22], $0x4000  }
0x1bc: {  	[sflag:s22] =	ssyncset.done $0x0  }
0x1bd: {  	[sflag:s22] =	ssyncadd.s32 $0xFFFFC000  }
0x1be: {  	_ =	swait.ge [sflag:s22], $0x4000  }
0x1bf: {  	[sflag:s22] =	ssyncset.done $0x0  }
0x1c0: {  	[sflag:s22] =	ssyncadd.s32 $0xFFFFC000  }
.Ltmp1:
0x1c1: {  	_ =	swait.ge [sflag:s22], $0x4000;
	(pc) =	sbr.rel @p0 .LBB2_4-.Ltmp1, $4  }
0x1c2: {  	[sflag:s22] =	ssyncset.done $0x0  }
0x1c3: {  	[sflag:s22] =	ssyncadd.s32 $0xFFFFC000  }
0x1c4: {  	_ =	swait.ge [sflag:s22], $0x4000  }
0x1c5: {  	s11 =	smov.u32 s10;
	[sflag:s22] =	ssyncset.done $0x0  }
0x1c6: {  	s7 =	sadd.s32 s9, s23;
	[sflag:s22] =	ssyncadd.s32 $0xFFFFC000  }
0x1c7: {  	[tilespmem:s28], [sflag:$0x3] =	stream.linear.gather [hbm4b:s7+s3], $0x400, $0x38;
	[tilespmem:$0x1C800] =	vst v63  }
0x1c8: {  	_ =	swait.ge [sflag:s26], $0x400  }
0x1c9: {  	[sflag:s26] =	ssyncset.done $0x0  }
0x1ca: {  	[sflag:s26] =	ssyncadd.s32 $0xFFFFFC00  }
0x1cb: {  	[spmem:s2] =	stream.indirect.scatter.add.f32 [tilespmem:s25], [sflag:$0x2], $0x80, s28, s29, $0xb8;
	[tilespmem:$0x1C800] =	vst v63  }
0x1cc: {  	_ = 	snop  }
0x1cd: {  	[spmem:s2] =	stream.indirect.scatter.add.f32 [tilespmem:s25], [sflag:$0x2], $0x80, s1, s29, $0xb8;
	[tilespmem:$0x1C800] =	vst v63  }
0x1ce: {  	_ = 	snop  }
0x1cf: {  	[spmem:s2] =	stream.indirect.scatter.add.f32 [tilespmem:s25], [sflag:$0x2], $0x80, s8, s29, $0xb8;
	[tilespmem:$0x1C800] =	vst v63  }
0x1d0: {  	_ = 	snop  }
0x1d1: {  	[spmem:s2] =	stream.indirect.scatter.add.f32 [tilespmem:s25], [sflag:$0x2], $0x80, s14, s29, $0xb8;
	[tilespmem:$0x1C800] =	vst v63  }
0x1d2: {  	_ = 	snop  }
0x1d3: {  	[spmem:s2] =	stream.indirect.scatter.add.f32 [tilespmem:s25], [sflag:$0x2], $0x80, s16, s29, $0xb8;
	[tilespmem:$0x1C800] =	vst v63  }
0x1d4: {  	_ = 	snop  }
0x1d5: {  	[spmem:s2] =	stream.indirect.scatter.add.f32 [tilespmem:s25], [sflag:$0x2], $0x80, s18, s29, $0xb8;
	[tilespmem:$0x1C800] =	vst v63  }
0x1d6: {  	_ = 	snop  }
0x1d7: {  	[spmem:s2] =	stream.indirect.scatter.add.f32 [tilespmem:s25], [sflag:$0x2], $0x80, s20, s29, $0xb8;
	[tilespmem:$0x1C800] =	vst v63  }
0x1d8: {  	_ = 	snop  }
0x1d9: {  	[spmem:s2] =	stream.indirect.scatter.add.f32 [tilespmem:s25], [sflag:$0x2], $0x80, s21, s29, $0xb8;
	[tilespmem:$0x1C800] =	vst v63  }
0x1da: {  	_ =	swait.ge [sflag:s22], $0x4000  }
0x1db: {  	[sflag:s22] =	ssyncset.done $0x0  }
0x1dc: {  	[sflag:s22] =	ssyncadd.s32 $0xFFFFC000  }
0x1dd: {  	_ =	swait.ge [sflag:s22], $0x4000  }
0x1de: {  	[sflag:s22] =	ssyncset.done $0x0  }
0x1df: {  	[sflag:s22] =	ssyncadd.s32 $0xFFFFC000  }
0x1e0: {  	_ =	swait.ge [sflag:s22], $0x4000  }
0x1e1: {  	[sflag:s22] =	ssyncset.done $0x0  }
0x1e2: {  	[sflag:s22] =	ssyncadd.s32 $0xFFFFC000  }
0x1e3: {  	_ =	swait.ge [sflag:s22], $0x4000  }
0x1e4: {  	[sflag:s22] =	ssyncset.done $0x0  }
0x1e5: {  	[sflag:s22] =	ssyncadd.s32 $0xFFFFC000  }
0x1e6: {  	_ =	swait.ge [sflag:s22], $0x4000  }
0x1e7: {  	[sflag:s22] =	ssyncset.done $0x0  }
0x1e8: {  	[sflag:s22] =	ssyncadd.s32 $0xFFFFC000  }
0x1e9: {  	_ =	swait.ge [sflag:s22], $0x4000  }
0x1ea: {  	[sflag:s22] =	ssyncset.done $0x0  }
0x1eb: {  	[sflag:s22] =	ssyncadd.s32 $0xFFFFC000  }
0x1ec: {  	_ =	swait.ge [sflag:s22], $0x4000  }
0x1ed: {  	[sflag:s22] =	ssyncset.done $0x0  }
0x1ee: {  	[sflag:s22] =	ssyncadd.s32 $0xFFFFC000  }
0x1ef: {  	_ =	swait.ge [sflag:s22], $0x4000  }
0x1f0: {  	[sflag:s22] =	ssyncset.done $0x0  }
0x1f1: {  	[sflag:s22] =	ssyncadd.s32 $0xFFFFC000  }
0x1f2: {  	[bflag:$0x0] =	sbarrier.arrive $0xFFFF  }
0x1f3: {  	s5 =	rddreg [dreg:$0x5]  }
0x1f4: {  	[tilespmem:s25], [sflag:$0x3] =	stream.linear.gather [spmem:s5], $0x4000, $0x38;
	[tilespmem:$0x1C800] =	vst v63  }
0x1f5: {  	_ =	swait.ge [sflag:s26], $0x4000  }
0x1f6: {  	[sflag:s26] =	ssyncset.done $0x0  }
0x1f7: {  	s12 =	rddreg [dreg:$0x10];
	[sflag:s26] =	ssyncadd.s32 $0xFFFFC000  }
0x1f8: {  	[hbm4b:s12+s3] =	stream.linear.scatter [tilespmem:s25], [sflag:$0x3], $0x4000, $0x38;
	[tilespmem:$0x1C800] =	vst v63  }
0x1f9: {  	_ =	swait.ge [sflag:s26], $0x4000  }
0x1fa: {  	[sflag:s26] =	ssyncset.done $0x0  }
0x1fb: {  	s10 =	rddreg [dreg:$0x7];
	[sflag:s26] =	ssyncadd.s32 $0xFFFFC000  }
0x1fc: {  	[tilespmem:s25], [sflag:$0x3] =	stream.linear.gather [spmem:s10], $0x4000, $0x38;
	[tilespmem:$0x1C800] =	vst v63  }
0x1fd: {  	_ =	swait.ge [sflag:s26], $0x4000  }
0x1fe: {  	[sflag:s26] =	ssyncset.done $0x0  }
0x1ff: {  	s7 =	rddreg [dreg:$0x11];
	[sflag:s26] =	ssyncadd.s32 $0xFFFFC000  }
0x200: {  	[hbm4b:s7+s3] =	stream.linear.scatter [tilespmem:s25], [sflag:$0x3], $0x4000, $0x38;
	[tilespmem:$0x1C800] =	vst v63  }
0x201: {  	_ =	swait.ge [sflag:s26], $0x4000  }
0x202: {  	[sflag:s26] =	ssyncset.done $0x0  }
0x203: {  	s11 =	rddreg [dreg:$0x8];
	[sflag:s26] =	ssyncadd.s32 $0xFFFFC000  }
0x204: {  	[tilespmem:s25], [sflag:$0x3] =	stream.linear.gather [spmem:s11], $0x4000, $0x38;
	[tilespmem:$0x1C800] =	vst v63  }
0x205: {  	_ =	swait.ge [sflag:s26], $0x4000  }
0x206: {  	[sflag:s26] =	ssyncset.done $0x0  }
0x207: {  	s9 =	rddreg [dreg:$0x12];
	[sflag:s26] =	ssyncadd.s32 $0xFFFFC000  }
0x208: {  	[hbm4b:s9+s3] =	stream.linear.scatter [tilespmem:s25], [sflag:$0x3], $0x4000, $0x38;
	[tilespmem:$0x1C800] =	vst v63  }
0x209: {  	_ =	swait.ge [sflag:s26], $0x4000  }
0x20a: {  	[sflag:s26] =	ssyncset.done $0x0  }
0x20b: {  	s5 =	rddreg [dreg:$0x9];
	[sflag:s26] =	ssyncadd.s32 $0xFFFFC000  }
0x20c: {  	[tilespmem:s25], [sflag:$0x3] =	stream.linear.gather [spmem:s5], $0x4000, $0x38;
	[tilespmem:$0x1C800] =	vst v63  }
0x20d: {  	_ =	swait.ge [sflag:s26], $0x4000  }
0x20e: {  	[sflag:s26] =	ssyncset.done $0x0  }
0x20f: {  	s12 =	rddreg [dreg:$0x13];
	[sflag:s26] =	ssyncadd.s32 $0xFFFFC000  }
0x210: {  	[hbm4b:s12+s3] =	stream.linear.scatter [tilespmem:s25], [sflag:$0x3], $0x4000, $0x38;
	[tilespmem:$0x1C800] =	vst v63  }
0x211: {  	_ =	swait.ge [sflag:s26], $0x4000  }
0x212: {  	[sflag:s26] =	ssyncset.done $0x0  }
0x213: {  	s12 =	rddreg [dreg:$0xa];
	[sflag:s26] =	ssyncadd.s32 $0xFFFFC000  }
0x214: {  	[tilespmem:s25], [sflag:$0x3] =	stream.linear.gather [spmem:s12], $0x4000, $0x38;
	[tilespmem:$0x1C800] =	vst v63  }
0x215: {  	_ =	swait.ge [sflag:s26], $0x4000  }
0x216: {  	[sflag:s26] =	ssyncset.done $0x0  }
0x217: {  	s7 =	rddreg [dreg:$0x14];
	[sflag:s26] =	ssyncadd.s32 $0xFFFFC000  }
0x218: {  	[hbm4b:s7+s3] =	stream.linear.scatter [tilespmem:s25], [sflag:$0x3], $0x4000, $0x38;
	[tilespmem:$0x1C800] =	vst v63  }
0x219: {  	_ =	swait.ge [sflag:s26], $0x4000  }
0x21a: {  	s9 =	rddreg [dreg:$0x15]  }
0x21b: {  	s7 =	sadd.s32 $0x1, s9;
	s9 =	rddreg [dreg:$0x6]  }
0x21c: {  	p0 =	sne.s32 s7, s9  }
.Ltmp2:
0x21d: {  	_ = 	snop;
	(pc) =	sbr.rel @p0 .LBB2_1-.Ltmp2, $3  }
0x21e: {  	_ =	sdelay $0x1  }
0x21f: {  	[sflag:s26] =	ssyncset.done $0x0  }
0x220: {  	[sflag:s26] =	ssyncadd.s32 $0xFFFFC000;
	[dreg:$0x15] =	wrdreg s7  }
0x221: {  	_ =	sfence.sel $0x180000  }
0x222: {  	[bflag:$0x0] =	sbarrier.arrive $0xFFFF  }
0x223: {  	_ =	strace $0x9000004A  }
0x224: {  	s0 =	stileid.u32;
	[bflag:$0x2] =	sbarrier.arrive $0xFFFF  }
0x225: {  	p0 =	sne.s32 s0, $0x0;
	s0 =	rddreg [dreg:$0x2]  }
0x226: {  	s0 =	sadd.s32 @!p0 $0x100000, s0  }
0x227: {  	[sflag:s0] =	ssyncadd.tile.s32 @!p0 $0x1;
	_ =	shalt  }
.Lfunc_end2:
_tile_overlayer_lowered:
.L_overlay_start_2:
0x228: {  	(tag) =	ssettag $0x2  }
0x229: {  	s0 =	rddreg [dreg:$0x0];
	s2 =	stileid.u32  }
0x22a: {  	s1 =	rddreg [dreg:$0x1];
	p0 =	sne.s32 s2, $0x0  }
0x22b: {  	s3 =	rddreg [dreg:$0x2];
	[bflag:$0x3] =	sbarrier.arrive $0xFFFF;
	s2 =	simm.s32 @!p0 $0x1C03  }
0x22c: {  	[timem:s3], [sflag:s2] =	dma.local @!p0 [hbm:s0], s1  }
0x22d: {  	s0 =	simm.s32 @!p0 $0x3  }
0x22e: {  	_ =	swait.ge @!p0 [sflag:s0], s1  }
0x22f: {  	s1 =	ssub.s32 @!p0 $0x0, s1;
	[sflag:s0] =	ssyncset.done @!p0 $0x0  }
0x230: {  	[sflag:s0] =	ssyncadd.s32 @!p0 s1  }
0x231: {  	[bflag:$0x3] =	sbarrier.arrive $0xFFFF  }
0x232: {  	_ =	shalt  }

// kernel: kernel.15.cloned.1.call-start
scs
__scs_entry_jumppad:
0x0: {  	(pc) =	sbr.rel $0x88, $3  }
0x1: {  	(tag) =	ssettag $0x0;
	lr =	simm.s32 $0x1  }
0x2: {  	[smem:$0x3F8C] =	sst lr;
	_ =	strace $0xD0000000  }
0x3: {  	_ = 	snop  }
0x4: {  	_ = 	snop  }
0x5: {  	_ = 	snop  }
0x6: {  	_ = 	snop  }
0x7: {  	_ = 	snop  }
__scs_overlays_trampoline_lowered:
0x8: {  	[smem:$0x3F9B] =	sst s0  }
0x9: {  	[smem:$0x3F9C] =	sst s1  }
0xa: {  	[smem:$0x3F9D] =	sst s2  }
0xb: {  	[smem:$0x3F9E] =	sst s3  }
0xc: {  	[smem:$0x3F9F] =	sst s4  }
0xd: {  	[smem:$0x3FA0] =	sst s5  }
0xe: {  	[smem:$0x3FA1] =	sst s6  }
0xf: {  	[smem:$0x3FA2] =	sst s7  }
0x10: {  	[smem:$0x3FA3] =	sst s8  }
0x11: {  	[smem:$0x3FA4] =	sst s9;
	s0 =	simm.s32 @!p0 $0x0  }
0x12: {  	s1 =	sld [smem:$0x3F8A];
	s0 =	simm.s32 @p0 $0x1  }
0x13: {  	[smem:$0x3FA5] =	sst s0;
	s0 =	simm.s32 @!p1 $0x0  }
0x14: {  	s2 =	sld [smem:$0x3F89];
	s0 =	simm.s32 @p1 $0x1  }
0x15: {  	[smem:$0x3FA6] =	sst s0;
	s0 =	simm.s32 @!p2 $0x0  }
0x16: {  	s3 =	sld [smem:$0x3FDB];
	s0 =	simm.s32 @p2 $0x1  }
0x17: {  	s4 =	simm.s32 $0x1BF5;
	[smem:$0x3FA8] =	sst s0  }
0x18: {  	s0 =	sld [smem:$0x3F8B];
	_ =	swait.ge [sflag:s4], $0x0  }
0x19: {  	s7 =	sld [smem:$0x3F8C]  }
0x1a: {  	s8 =	sadd.s32 $0xFFFFE003, lr  }
0x1b: {  	s9 =	sadd.s32 $0xFFFFFEF7, lr;
	s5 =	simm.s32 $0xFFFFFFFF;
	p2 =	slt.u32 s8, $0xFFFFF086  }
0x1c: {  	p1 =	slt.u32 s9, $0xF7A;
	s5 =	simm.s32 @!p2 $0x0  }
0x1d: {  	s5 =	simm.s32 @p1 $0x1;
	p0 =	seq.s32 s7, s2  }
0x1e: {  	s7 =	smul.u32 @!p0 $0xF7A, s2;
	p2 =	seq.s32 @!p0 s5, $0x0  }
0x1f: {  	s9 =	smul.u32 $0xF7A, s1;
	s8 =	simm.s32 @!p0 $0x1BF5;
	p2 =	por !p2, p0  }
0x20: {  	[sflag:s8] =	ssyncset.s32 @!p0 $0xFFFFF086;
	s6 =	sadd.s32 @!p0 s3, s7;
	s7 =	simm.s32 @!p0 $0x108  }
0x21: {  	s3 =	sadd.s32 s3, s9;
	s6 =	sadd.s32 @!p0 $0x88, s6;
	s7 =	simm.s32 @p2 $0x1082  }
0x22: {  	[simem:s7], [sflag:s8] =	dma.local @!p0 [hbm:s6], $0xF7A  }
0x23: {  	s9 =	sor.u32 $0xD0000000, s2;
	s6 =	simm.s32 $0x108;
	_ =	swait.ge @!p0 [sflag:s8], $0x0  }
0x24: {  	s3 =	sadd.s32 $0x88, s3;
	s6 =	simm.s32 @!p1 $0x1082;
	[sflag:s4] =	ssyncset.s32 $0xFFFFF086  }
0x25: {  	[simem:s6], [sflag:s4] =	dma.local [hbm:s3], $0xF7A  }
0x26: {  	[smem:$0x3F8C] =	sst s1;
	(tag) =	ssettag s2;
	_ =	strace s9  }
0x27: {  	s1 =	sld [smem:$0x3F9C]  }
0x28: {  	s2 =	sld [smem:$0x3F9D]  }
0x29: {  	s4 =	sld [smem:$0x3F9F]  }
0x2a: {  	p0 =	seq.s32 s5, $0x0;
	s5 =	sld [smem:$0x3FA0]  }
0x2b: {  	s6 =	sld [smem:$0x3FA1]  }
0x2c: {  	s7 =	sld [smem:$0x3FA2]  }
0x2d: {  	s3 =	simm.s32 $0x108;
	s8 =	sld [smem:$0x3FA3]  }
0x2e: {  	s3 =	simm.s32 @!p0 $0x1082;
	s9 =	sld [smem:$0x3FA4]  }
0x2f: {  	lr =	sadd.s32 s0, s3;
	s0 =	sld [smem:$0x3F9B]  }
0x30: {  	s3 =	sld [smem:$0x3F9E]  }
0x31: {  	[smem:$0x3FA7] =	sst s10  }
0x32: {  	s10 =	sld [smem:$0x3FA5];
	_ =	sdelay $0x3  }
0x33: {  	p0 =	seq.s32 s10, $0x1;
	s10 =	sld [smem:$0x3FA7];
	_ =	sdelay $0x3  }
0x34: {  	[smem:$0x3FA7] =	sst s10  }
0x35: {  	s10 =	sld [smem:$0x3FA6];
	_ =	sdelay $0x3  }
0x36: {  	p1 =	seq.s32 s10, $0x1;
	s10 =	sld [smem:$0x3FA7];
	_ =	sdelay $0x3  }
0x37: {  	[smem:$0x3FA7] =	sst s10  }
0x38: {  	s10 =	sld [smem:$0x3FA8]  }
0x39: {  	_ = 	snop;
	(pc) =	sbr.ind lr, $3  }
0x3a: {  	_ = 	snop  }
0x3b: {  	_ = 	snop  }
0x3c: {  	p2 =	seq.s32 s10, $0x1;
	s10 =	sld [smem:$0x3FA7]  }
0x3d: {  	_ =	shalt  }
0x3e: {  	_ =	shalt  }
0x3f: {  	_ =	shalt  }
0x40: {  	_ =	shalt  }
0x41: {  	_ =	shalt  }
0x42: {  	_ =	shalt  }
0x43: {  	_ =	shalt  }
0x44: {  	_ =	shalt  }
0x45: {  	_ =	shalt  }
0x46: {  	_ =	shalt  }
0x47: {  	_ =	shalt  }
0x48: {  	_ =	shalt  }
0x49: {  	_ =	shalt  }
0x4a: {  	_ =	shalt  }
0x4b: {  	_ =	shalt  }
0x4c: {  	_ =	shalt  }
0x4d: {  	_ =	shalt  }
0x4e: {  	_ =	shalt  }
0x4f: {  	_ =	shalt  }
0x50: {  	_ =	shalt  }
0x51: {  	_ =	shalt  }
0x52: {  	_ =	shalt  }
0x53: {  	_ =	shalt  }
0x54: {  	_ =	shalt  }
0x55: {  	_ =	shalt  }
0x56: {  	_ =	shalt  }
0x57: {  	_ =	shalt  }
0x58: {  	_ =	shalt  }
0x59: {  	_ =	shalt  }
0x5a: {  	_ =	shalt  }
0x5b: {  	_ =	shalt  }
0x5c: {  	_ =	shalt  }
0x5d: {  	_ =	shalt  }
0x5e: {  	_ =	shalt  }
0x5f: {  	_ =	shalt  }
0x60: {  	_ =	shalt  }
0x61: {  	_ =	shalt  }
0x62: {  	_ =	shalt  }
0x63: {  	_ =	shalt  }
0x64: {  	_ =	shalt  }
0x65: {  	_ =	shalt  }
0x66: {  	_ =	shalt  }
0x67: {  	_ =	shalt  }
0x68: {  	_ =	shalt  }
0x69: {  	_ =	shalt  }
0x6a: {  	_ =	shalt  }
0x6b: {  	_ =	shalt  }
0x6c: {  	_ =	shalt  }
0x6d: {  	_ =	shalt  }
0x6e: {  	_ =	shalt  }
0x6f: {  	_ =	shalt  }
0x70: {  	_ =	shalt  }
0x71: {  	_ =	shalt  }
0x72: {  	_ =	shalt  }
0x73: {  	_ =	shalt  }
0x74: {  	_ =	shalt  }
0x75: {  	_ =	shalt  }
0x76: {  	_ =	shalt  }
0x77: {  	_ =	shalt  }
0x78: {  	_ =	shalt  }
0x79: {  	_ =	shalt  }
0x7a: {  	_ =	shalt  }
0x7b: {  	_ =	shalt  }
0x7c: {  	_ =	shalt  }
0x7d: {  	_ =	shalt  }
0x7e: {  	_ =	shalt  }
0x7f: {  	_ =	shalt  }
0x80: {  	_ =	shalt  }
0x81: {  	_ =	shalt  }
0x82: {  	_ =	shalt  }
0x83: {  	_ =	shalt  }
0x84: {  	_ =	shalt  }
0x85: {  	_ =	shalt  }
0x86: {  	_ =	shalt  }
0x87: {  	_ =	shalt  }
.Lfunc_end0:
.L_simem_size_0:
called_computation.2_lowered:
.L_overlay_start_0:
0x88: {  	s2 =	sld [smem:$0x3FD9]  }
0x89: {  	s3 =	sld [smem:$0x3FFE];
	_ =	sdelay $0x1  }
0x8a: {  	s1 =	srdreg.scid  }
0x8b: {  	s0 =	sand.u32 $0x1, s1  }
0x8c: {  	s16 =	sshll.u32 s0, $0xA;
	s2 =	sadd.s32 s3, s2  }
0x8d: {  	s2 =	sadd.s32 s2, s16  }
0x8e: {  	[smem:$0x3FB3] =	sst s2  }
0x8f: {  	_ = 	snop  }
0x90: {  	(tm) =	ssettm $0x1  }
0x91: {  	s17 =	sld [smem:$0x3FFB];
	_ =	sdelay $0x3  }
0x92: {  	_ =	strace s17  }
0x93: {  	s2 =	sld [smem:$0x3FFC];
	_ =	sdelay $0x3  }
0x94: {  	_ =	strace s2  }
0x95: {  	s2 =	sld [smem:$0x3FFD];
	_ =	sdelay $0x3  }
0x96: {  	_ =	strace s2  }
0x97: {  	_ =	strace $0x8FFFFFFF  }
0x98: {  	s18 =	sld [smem:$0x3FDB];
	_ =	sdelay $0x1  }
0x99: {  	s19 =	simm.s32 $_scs_section_size  }
0x9a: {  	s4 =	simm.s32 $_size__tile_overlayer_lowered;
	s5 =	simm.s32 $_tile_overlayer_lowered  }
0x9b: {  	s22 =	simm.s32 $0x1BFF;
	s21 =	sshll.u32 s5, $0x1;
	s2 =	sadd.s32 s19, s18  }
0x9c: {  	s6 =	simm.s32 $0x0;
	s20 =	sshll.u32 s4, $0x1;
	s4 =	sadd.s32 s21, s2  }
0x9d: {  	[timem:s6], [sflag:s22] =	dma.local [hbm:s4], s20  }
0x9e: {  	_ =	swait.ge [sflag:s22], s20  }
0x9f: {  	s3 =	ssub.s32 $0x0, s20;
	[sflag:s22] =	ssyncset.done $0x0  }
0xa0: {  	[sflag:s22] =	ssyncadd.s32 s3;
	_ =	sdelay $0x1  }
0xa1: {  	s23 =	simm.s32 $0x1B8B  }
0xa2: {  	_ =	swait.ge [sflag:s23], $0x1  }
0xa3: {  	[sflag:s23] =	ssyncset.done $0x0  }
0xa4: {  	s25 =	simm.s32 $0x1B8E;
	s24 =	sld [smem:$0x3FFE];
	[sflag:s23] =	ssyncadd.s32 $0xFFFFFFFF  }
0xa5: {  	s26 =	simm.s32 $execute0_lowered;
	[smem:$0x3FD2] =	sst s25  }
0xa6: {  	s4 =	sshll.u32 s26, $0x1;
	_ =	strace $0x8000004C;
	[dreg:$0x1] =	wrdreg $0xFFFFFFFF  }
0xa7: {  	s28 =	simm.s32 $_size_execute0_lowered;
	s2 =	sadd.s32 s2, s4;
	[dreg:$0x0] =	wrdreg $0x0  }
0xa8: {  	s4 =	sshll.u32 s28, $0x1;
	[dreg:$0x2] =	wrdreg s2  }
0xa9: {  	[dreg:$0x3] =	wrdreg s4  }
0xaa: {  	[dreg:$0x4] =	wrdreg $0xC0  }
0xab: {  	_ =	task [dreg:s6], $0x5FFFF  }
0xac: {  	[dreg:$0x1] =	wrdreg $0xFFFFFFFF  }
0xad: {  	[dreg:$0x0] =	wrdreg $0x60  }
0xae: {  	[dreg:$0x2] =	wrdreg s24  }
0xaf: {  	[dreg:$0x3] =	wrdreg $0x9  }
0xb0: {  	_ =	task.clear_ibuf [dreg:s6], $0x4FFFF;
	_ =	strace $0x9000004C  }
0xb1: {  	s29 =	simm.s32 $0x9;
	_ =	strace $0x8000004E  }
0xb2: {  	_ =	swait.ge [sflag:s29], $0x1  }
0xb3: {  	[sflag:s29] =	ssyncadd.s32 $0xFFFFFFFF  }
0xb4: {  	_ =	strace $0x9000004E  }
0xb5: {  	_ =	sfence  }
0xb6: {  	s30 =	sld [smem:$0x0];
	_ =	sdelay $0x2  }
0xb7: {  	s31 =	sshll.u32 s1, $0xD;
	s1 =	sshrl.u32 s1, $0x2  }
0xb8: {  	s3 =	sand.u32 $0x4000, s31;
	s1 =	sadd.s32 s1, s30  }
0xb9: {  	s0 =	sor.u32 s3, s0;
	s1 =	sshll.u32 s1, $0x11  }
0xba: {  	s0 =	sor.u32 s1, s0  }
0xbb: {  	s0 =	sadd.s32 $0x8F2B, s0  }
0xbc: {  	[sflag:s0] =	ssyncadd.remote.s32 $0x1  }
0xbd: {  	_ =	sfence.sel $0xFFFF  }
0xbe: {  	[dreg:$0x0] =	wrdreg $0xFFFFFFFF;
	(pc) =	sbr.abs _section_cstart, $3  }
0xbf: {  	[dreg:$0x1] =	wrdreg $0xFFFFFFFF  }
0xc0: {  	_ =	task.clear_ibuf [dreg:s6], $0x2FFFF;
	_ =	strace $0x9FFFFFFF  }
0xc1: {  	(tm) =	ssettm $0x7FFFFFFF  }
tec
execute0_lowered:
.L_overlay_start_1:
0x0: {  	(tag) =	ssettag $0x1  }
0x1: {  	s4 =	rddreg [dreg:$0x0]  }
0x2: {  	s0 =	rddreg [dreg:$0x1];
	s2 =	simm.s32 $0x0;
	s1 =	stileid.u32  }
0x3: {  	s3 =	srdreg.scid;
	s10 =	simm.s32 $0x0;
	s6 =	smul.u32 $0xA00, s1  }
0x4: {  	[smem:$0x7FF] =	sst s2;
	s5 =	sand.u32 $0x1, s3;
	s8 =	smul.u32 $0xA000, s1  }
0x5: {  	s3 =	sadd.s32 $0x3600, s4;
	s7 =	smul.u32 $0x500, s5;
	s9 =	ssub.s32 $0x2, s5  }
0x6: {  	_ =	strace $0x8000004D;
	s5 =	smul.u32 $0x5000, s5;
	s31 =	sshrl.u32 s9, $0x1  }
0x7: {  	s8 =	sadd.s32 s8, s4;
	s6 =	sadd.s32 s7, s6;
	s7 =	ssub.s32 s9, s31  }
0x8: {  	s5 =	sadd.s32 s5, s8;
	s8 =	simm.s32 $0x80;
	s6 =	sshrl.u32 s6, $0x3  }
0x9: {  	s9 =	simm.s32 $0x1;
	s5 =	sadd.s32 $0x2CA00, s5;
	s6 =	sadd.s32 s6, s4  }
0xa: {  	s4 =	smax.u32 s7, $0x1;
	s7 =	simm.s32 $0x2;
	s6 =	sadd.s32 $0x2B600, s6  }
.LBB2_1:
0xb: {  	s11 =	sadd.s32 $0x0, s6  }
0xc: {  	[tilespmem:s2], [sflag:$0x2] =	stream.linear.gather [hbm4b:s11+s2], $0x80, $0x38;
	[tilespmem:$0x4080] =	vst v63  }
0xd: {  	_ =	swait.ge [sflag:s7], $0x80  }
0xe: {  	[sflag:s7] =	ssyncset.done $0x0  }
0xf: {  	[sflag:s7] =	ssyncadd.s32 $0xFFFFFF80  }
0x10: {  	[tilespmem:s8], [sflag:$0x1] =	stream.indirect.gather [hbm4b:s3+s8], $0x80, s2, s8, $0xb8;
	[tilespmem:$0x4080] =	vst v63  }
0x11: {  	_ =	swait.ge [sflag:s9], $0x4000  }
0x12: {  	[sflag:s9] =	ssyncset.done $0x0  }
0x13: {  	[sflag:s9] =	ssyncadd.s32 $0xFFFFC000  }
0x14: {  	[hbm4b:s5+s2] =	stream.linear.scatter [tilespmem:s8], [sflag:$0x2], $0x4000, $0x38;
	[tilespmem:$0x4080] =	vst v63  }
0x15: {  	s12 =	simm.s32 $0x10;
	_ =	swait.ge [sflag:s7], $0x4000  }
0x16: {  	s13 =	simm.s32 $0x20;
	s11 =	sadd.s32 $0x800, s5;
	[sflag:s7] =	ssyncset.done $0x0  }
.LBB2_2:
0x17: {  	s14 =	sadd.s32 s12, s6  }
0x18: {  	[sflag:s7] =	ssyncadd.s32 $0xFFFFC000;
	s12 =	smov.u32 s13;
	s15 =	sadd.s32 $0x10, s13  }
0x19: {  	[tilespmem:s2], [sflag:$0x2] =	stream.linear.gather [hbm4b:s14+s2], $0x80, $0x38;
	[tilespmem:$0x4080] =	vst v63  }
0x1a: {  	p0 =	sne.s32 s13, $0x90;
	_ =	swait.ge [sflag:s7], $0x80  }
0x1b: {  	[sflag:s7] =	ssyncset.done $0x0  }
0x1c: {  	[sflag:s7] =	ssyncadd.s32 $0xFFFFFF80  }
0x1d: {  	[tilespmem:s8], [sflag:$0x1] =	stream.indirect.gather [hbm4b:s3+s8], $0x80, s2, s8, $0xb8;
	[tilespmem:$0x4080] =	vst v63  }
0x1e: {  	_ =	swait.ge [sflag:s9], $0x4000  }
.Ltmp0:
0x1f: {  	[sflag:s9] =	ssyncset.done $0x0;
	(pc) =	sbr.rel @p0 .LBB2_2-.Ltmp0, $4  }
0x20: {  	[sflag:s9] =	ssyncadd.s32 $0xFFFFC000  }
0x21: {  	[hbm4b:s11+s2] =	stream.linear.scatter [tilespmem:s8], [sflag:$0x2], $0x4000, $0x38;
	[tilespmem:$0x4080] =	vst v63  }
0x22: {  	_ =	swait.ge [sflag:s7], $0x4000  }
0x23: {  	s13 =	smov.u32 s15;
	s11 =	sadd.s32 $0x800, s11;
	[sflag:s7] =	ssyncset.done $0x0  }
0x24: {  	s12 =	sadd.s32 s12, s6;
	[sflag:s7] =	ssyncadd.s32 $0xFFFFC000  }
0x25: {  	[tilespmem:s2], [sflag:$0x2] =	stream.linear.gather [hbm4b:s12+s2], $0x80, $0x38;
	[tilespmem:$0x4080] =	vst v63  }
0x26: {  	_ =	swait.ge [sflag:s7], $0x80  }
0x27: {  	[sflag:s7] =	ssyncset.done $0x0  }
0x28: {  	[sflag:s7] =	ssyncadd.s32 $0xFFFFFF80  }
0x29: {  	[tilespmem:s8], [sflag:$0x1] =	stream.indirect.gather [hbm4b:s3+s8], $0x80, s2, s8, $0xb8;
	[tilespmem:$0x4080] =	vst v63  }
0x2a: {  	s10 =	sadd.s32 $0x1, s10;
	_ =	swait.ge [sflag:s9], $0x4000  }
0x2b: {  	p0 =	sne.s32 s10, s4;
	[sflag:s9] =	ssyncset.done $0x0  }
.Ltmp1:
0x2c: {  	[sflag:s9] =	ssyncadd.s32 $0xFFFFC000;
	(pc) =	sbr.rel @p0 .LBB2_1-.Ltmp1, $4  }
0x2d: {  	[hbm4b:s11+s2] =	stream.linear.scatter [tilespmem:s8], [sflag:$0x2], $0x4000, $0x38;
	[tilespmem:$0x4080] =	vst v63  }
0x2e: {  	_ =	swait.ge [sflag:s7], $0x4000  }
0x2f: {  	[sflag:s7] =	ssyncset.done $0x0  }
0x30: {  	[sflag:s7] =	ssyncadd.s32 $0xFFFFC000  }
0x31: {  	_ =	sfence.sel $0x180000  }
0x32: {  	[bflag:$0x0] =	sbarrier.arrive $0xFFFF  }
0x33: {  	p0 =	sne.s32 s1, $0x0;
	_ =	strace $0x9000004D  }
0x34: {  	s0 =	sadd.s32 @!p0 $0x100000, s0;
	[bflag:$0x2] =	sbarrier.arrive $0xFFFF  }
0x35: {  	[sflag:s0] =	ssyncadd.tile.s32 @!p0 $0x1;
	_ =	shalt  }
.Lfunc_end2:
_tile_overlayer_lowered:
.L_overlay_start_2:
0x36: {  	(tag) =	ssettag $0x2  }
0x37: {  	s0 =	rddreg [dreg:$0x0];
	s2 =	stileid.u32  }
0x38: {  	s1 =	rddreg [dreg:$0x1];
	p0 =	sne.s32 s2, $0x0  }
0x39: {  	s3 =	rddreg [dreg:$0x2];
	[bflag:$0x3] =	sbarrier.arrive $0xFFFF;
	s2 =	simm.s32 @!p0 $0x1C02  }
0x3a: {  	[timem:s3], [sflag:s2] =	dma.local @!p0 [hbm:s0], s1  }
0x3b: {  	s0 =	simm.s32 @!p0 $0x2  }
0x3c: {  	_ =	swait.ge @!p0 [sflag:s0], s1  }
0x3d: {  	s1 =	ssub.s32 @!p0 $0x0, s1;
	[sflag:s0] =	ssyncset.done @!p0 $0x0  }
0x3e: {  	[sflag:s0] =	ssyncadd.s32 @!p0 s1  }
0x3f: {  	[bflag:$0x3] =	sbarrier.arrive $0xFFFF  }
0x40: {  	_ =	shalt  }

// kernel: kernel.9.cloned.1.call-start
scs
__scs_entry_jumppad:
0x0: {  	(pc) =	sbr.rel $0x88, $3  }
0x1: {  	(tag) =	ssettag $0x0;
	lr =	simm.s32 $0x1  }
0x2: {  	[smem:$0x3F8C] =	sst lr;
	_ =	strace $0xD0000000  }
0x3: {  	_ = 	snop  }
0x4: {  	_ = 	snop  }
0x5: {  	_ = 	snop  }
0x6: {  	_ = 	snop  }
0x7: {  	_ = 	snop  }
__scs_overlays_trampoline_lowered:
0x8: {  	[smem:$0x3F9B] =	sst s0  }
0x9: {  	[smem:$0x3F9C] =	sst s1  }
0xa: {  	[smem:$0x3F9D] =	sst s2  }
0xb: {  	[smem:$0x3F9E] =	sst s3  }
0xc: {  	[smem:$0x3F9F] =	sst s4  }
0xd: {  	[smem:$0x3FA0] =	sst s5  }
0xe: {  	[smem:$0x3FA1] =	sst s6  }
0xf: {  	[smem:$0x3FA2] =	sst s7  }
0x10: {  	[smem:$0x3FA3] =	sst s8  }
0x11: {  	[smem:$0x3FA4] =	sst s9;
	s0 =	simm.s32 @!p0 $0x0  }
0x12: {  	s1 =	sld [smem:$0x3F8A];
	s0 =	simm.s32 @p0 $0x1  }
0x13: {  	[smem:$0x3FA5] =	sst s0;
	s0 =	simm.s32 @!p1 $0x0  }
0x14: {  	s2 =	sld [smem:$0x3F89];
	s0 =	simm.s32 @p1 $0x1  }
0x15: {  	[smem:$0x3FA6] =	sst s0;
	s0 =	simm.s32 @!p2 $0x0  }
0x16: {  	s3 =	sld [smem:$0x3FDB];
	s0 =	simm.s32 @p2 $0x1  }
0x17: {  	s4 =	simm.s32 $0x1BF5;
	[smem:$0x3FA8] =	sst s0  }
0x18: {  	s0 =	sld [smem:$0x3F8B];
	_ =	swait.ge [sflag:s4], $0x0  }
0x19: {  	s7 =	sld [smem:$0x3F8C]  }
0x1a: {  	s8 =	sadd.s32 $0xFFFFE003, lr  }
0x1b: {  	s9 =	sadd.s32 $0xFFFFFEF7, lr;
	s5 =	simm.s32 $0xFFFFFFFF;
	p2 =	slt.u32 s8, $0xFFFFF086  }
0x1c: {  	p1 =	slt.u32 s9, $0xF7A;
	s5 =	simm.s32 @!p2 $0x0  }
0x1d: {  	s5 =	simm.s32 @p1 $0x1;
	p0 =	seq.s32 s7, s2  }
0x1e: {  	s7 =	smul.u32 @!p0 $0xF7A, s2;
	p2 =	seq.s32 @!p0 s5, $0x0  }
0x1f: {  	s9 =	smul.u32 $0xF7A, s1;
	s8 =	simm.s32 @!p0 $0x1BF5;
	p2 =	por !p2, p0  }
0x20: {  	[sflag:s8] =	ssyncset.s32 @!p0 $0xFFFFF086;
	s6 =	sadd.s32 @!p0 s3, s7;
	s7 =	simm.s32 @!p0 $0x108  }
0x21: {  	s3 =	sadd.s32 s3, s9;
	s6 =	sadd.s32 @!p0 $0x88, s6;
	s7 =	simm.s32 @p2 $0x1082  }
0x22: {  	[simem:s7], [sflag:s8] =	dma.local @!p0 [hbm:s6], $0xF7A  }
0x23: {  	s9 =	sor.u32 $0xD0000000, s2;
	s6 =	simm.s32 $0x108;
	_ =	swait.ge @!p0 [sflag:s8], $0x0  }
0x24: {  	s3 =	sadd.s32 $0x88, s3;
	s6 =	simm.s32 @!p1 $0x1082;
	[sflag:s4] =	ssyncset.s32 $0xFFFFF086  }
0x25: {  	[simem:s6], [sflag:s4] =	dma.local [hbm:s3], $0xF7A  }
0x26: {  	[smem:$0x3F8C] =	sst s1;
	(tag) =	ssettag s2;
	_ =	strace s9  }
0x27: {  	s1 =	sld [smem:$0x3F9C]  }
0x28: {  	s2 =	sld [smem:$0x3F9D]  }
0x29: {  	s4 =	sld [smem:$0x3F9F]  }
0x2a: {  	p0 =	seq.s32 s5, $0x0;
	s5 =	sld [smem:$0x3FA0]  }
0x2b: {  	s6 =	sld [smem:$0x3FA1]  }
0x2c: {  	s7 =	sld [smem:$0x3FA2]  }
0x2d: {  	s3 =	simm.s32 $0x108;
	s8 =	sld [smem:$0x3FA3]  }
0x2e: {  	s3 =	simm.s32 @!p0 $0x1082;
	s9 =	sld [smem:$0x3FA4]  }
0x2f: {  	lr =	sadd.s32 s0, s3;
	s0 =	sld [smem:$0x3F9B]  }
0x30: {  	s3 =	sld [smem:$0x3F9E]  }
0x31: {  	[smem:$0x3FA7] =	sst s10  }
0x32: {  	s10 =	sld [smem:$0x3FA5];
	_ =	sdelay $0x3  }
0x33: {  	p0 =	seq.s32 s10, $0x1;
	s10 =	sld [smem:$0x3FA7];
	_ =	sdelay $0x3  }
0x34: {  	[smem:$0x3FA7] =	sst s10  }
0x35: {  	s10 =	sld [smem:$0x3FA6];
	_ =	sdelay $0x3  }
0x36: {  	p1 =	seq.s32 s10, $0x1;
	s10 =	sld [smem:$0x3FA7];
	_ =	sdelay $0x3  }
0x37: {  	[smem:$0x3FA7] =	sst s10  }
0x38: {  	s10 =	sld [smem:$0x3FA8]  }
0x39: {  	_ = 	snop;
	(pc) =	sbr.ind lr, $3  }
0x3a: {  	_ = 	snop  }
0x3b: {  	_ = 	snop  }
0x3c: {  	p2 =	seq.s32 s10, $0x1;
	s10 =	sld [smem:$0x3FA7]  }
0x3d: {  	_ =	shalt  }
0x3e: {  	_ =	shalt  }
0x3f: {  	_ =	shalt  }
0x40: {  	_ =	shalt  }
0x41: {  	_ =	shalt  }
0x42: {  	_ =	shalt  }
0x43: {  	_ =	shalt  }
0x44: {  	_ =	shalt  }
0x45: {  	_ =	shalt  }
0x46: {  	_ =	shalt  }
0x47: {  	_ =	shalt  }
0x48: {  	_ =	shalt  }
0x49: {  	_ =	shalt  }
0x4a: {  	_ =	shalt  }
0x4b: {  	_ =	shalt  }
0x4c: {  	_ =	shalt  }
0x4d: {  	_ =	shalt  }
0x4e: {  	_ =	shalt  }
0x4f: {  	_ =	shalt  }
0x50: {  	_ =	shalt  }
0x51: {  	_ =	shalt  }
0x52: {  	_ =	shalt  }
0x53: {  	_ =	shalt  }
0x54: {  	_ =	shalt  }
0x55: {  	_ =	shalt  }
0x56: {  	_ =	shalt  }
0x57: {  	_ =	shalt  }
0x58: {  	_ =	shalt  }
0x59: {  	_ =	shalt  }
0x5a: {  	_ =	shalt  }
0x5b: {  	_ =	shalt  }
0x5c: {  	_ =	shalt  }
0x5d: {  	_ =	shalt  }
0x5e: {  	_ =	shalt  }
0x5f: {  	_ =	shalt  }
0x60: {  	_ =	shalt  }
0x61: {  	_ =	shalt  }
0x62: {  	_ =	shalt  }
0x63: {  	_ =	shalt  }
0x64: {  	_ =	shalt  }
0x65: {  	_ =	shalt  }
0x66: {  	_ =	shalt  }
0x67: {  	_ =	shalt  }
0x68: {  	_ =	shalt  }
0x69: {  	_ =	shalt  }
0x6a: {  	_ =	shalt  }
0x6b: {  	_ =	shalt  }
0x6c: {  	_ =	shalt  }
0x6d: {  	_ =	shalt  }
0x6e: {  	_ =	shalt  }
0x6f: {  	_ =	shalt  }
0x70: {  	_ =	shalt  }
0x71: {  	_ =	shalt  }
0x72: {  	_ =	shalt  }
0x73: {  	_ =	shalt  }
0x74: {  	_ =	shalt  }
0x75: {  	_ =	shalt  }
0x76: {  	_ =	shalt  }
0x77: {  	_ =	shalt  }
0x78: {  	_ =	shalt  }
0x79: {  	_ =	shalt  }
0x7a: {  	_ =	shalt  }
0x7b: {  	_ =	shalt  }
0x7c: {  	_ =	shalt  }
0x7d: {  	_ =	shalt  }
0x7e: {  	_ =	shalt  }
0x7f: {  	_ =	shalt  }
0x80: {  	_ =	shalt  }
0x81: {  	_ =	shalt  }
0x82: {  	_ =	shalt  }
0x83: {  	_ =	shalt  }
0x84: {  	_ =	shalt  }
0x85: {  	_ =	shalt  }
0x86: {  	_ =	shalt  }
0x87: {  	_ =	shalt  }
.Lfunc_end0:
.L_simem_size_0:
called_computation_lowered:
.L_overlay_start_0:
0x88: {  	s2 =	sld [smem:$0x3FD9]  }
0x89: {  	s3 =	sld [smem:$0x3FFE];
	_ =	sdelay $0x1  }
0x8a: {  	s1 =	srdreg.scid  }
0x8b: {  	s0 =	sand.u32 $0x1, s1  }
0x8c: {  	s16 =	sshll.u32 s0, $0xA;
	s2 =	sadd.s32 s3, s2  }
0x8d: {  	s2 =	sadd.s32 s2, s16  }
0x8e: {  	[smem:$0x3FB3] =	sst s2  }
0x8f: {  	_ = 	snop  }
0x90: {  	(tm) =	ssettm $0x1  }
0x91: {  	s17 =	sld [smem:$0x3FFB];
	_ =	sdelay $0x3  }
0x92: {  	_ =	strace s17  }
0x93: {  	s2 =	sld [smem:$0x3FFC];
	_ =	sdelay $0x3  }
0x94: {  	_ =	strace s2  }
0x95: {  	s2 =	sld [smem:$0x3FFD];
	_ =	sdelay $0x3  }
0x96: {  	_ =	strace s2  }
0x97: {  	_ =	strace $0x8FFFFFFF  }
0x98: {  	s18 =	sld [smem:$0x3FDB];
	_ =	sdelay $0x1  }
0x99: {  	s19 =	simm.s32 $_scs_section_size  }
0x9a: {  	s4 =	simm.s32 $_size__tile_overlayer_lowered;
	s5 =	simm.s32 $_tile_overlayer_lowered  }
0x9b: {  	s22 =	simm.s32 $0x1BFF;
	s21 =	sshll.u32 s5, $0x1;
	s2 =	sadd.s32 s19, s18  }
0x9c: {  	s6 =	simm.s32 $0x0;
	s20 =	sshll.u32 s4, $0x1;
	s4 =	sadd.s32 s21, s2  }
0x9d: {  	[timem:s6], [sflag:s22] =	dma.local [hbm:s4], s20  }
0x9e: {  	_ =	swait.ge [sflag:s22], s20  }
0x9f: {  	s3 =	ssub.s32 $0x0, s20;
	[sflag:s22] =	ssyncset.done $0x0  }
0xa0: {  	[sflag:s22] =	ssyncadd.s32 s3;
	_ =	sdelay $0x1  }
0xa1: {  	s23 =	simm.s32 $0x1B8B  }
0xa2: {  	_ =	swait.ge [sflag:s23], $0x1  }
0xa3: {  	[sflag:s23] =	ssyncset.done $0x0  }
0xa4: {  	s25 =	simm.s32 $0x1B8E;
	s24 =	sld [smem:$0x3FFE];
	[sflag:s23] =	ssyncadd.s32 $0xFFFFFFFF  }
0xa5: {  	s26 =	simm.s32 $execute0_lowered;
	[smem:$0x3FD2] =	sst s25  }
0xa6: {  	s4 =	sshll.u32 s26, $0x1;
	_ =	strace $0x80000046;
	[dreg:$0x1] =	wrdreg $0xFFFFFFFF  }
0xa7: {  	s28 =	simm.s32 $_size_execute0_lowered;
	s2 =	sadd.s32 s2, s4;
	[dreg:$0x0] =	wrdreg $0x0  }
0xa8: {  	s4 =	sshll.u32 s28, $0x1;
	[dreg:$0x2] =	wrdreg s2  }
0xa9: {  	[dreg:$0x3] =	wrdreg s4  }
0xaa: {  	[dreg:$0x4] =	wrdreg $0xC0  }
0xab: {  	_ =	task [dreg:s6], $0x5FFFF  }
0xac: {  	[dreg:$0x1] =	wrdreg $0xFFFFFFFF  }
0xad: {  	[dreg:$0x0] =	wrdreg $0x60  }
0xae: {  	[dreg:$0x2] =	wrdreg s24  }
0xaf: {  	[dreg:$0x3] =	wrdreg $0x88000  }
0xb0: {  	[dreg:$0x4] =	wrdreg $0x9  }
0xb1: {  	_ =	task.clear_ibuf [dreg:s6], $0x5FFFF;
	_ =	strace $0x90000046  }
0xb2: {  	s29 =	simm.s32 $0x9;
	_ =	strace $0x80000048  }
0xb3: {  	_ =	swait.ge [sflag:s29], $0x1  }
0xb4: {  	[sflag:s29] =	ssyncadd.s32 $0xFFFFFFFF  }
0xb5: {  	_ =	strace $0x90000048  }
0xb6: {  	_ =	sfence  }
0xb7: {  	s30 =	sld [smem:$0x0];
	_ =	sdelay $0x2  }
0xb8: {  	s31 =	sshll.u32 s1, $0xD;
	s1 =	sshrl.u32 s1, $0x2  }
0xb9: {  	s3 =	sand.u32 $0x4000, s31;
	s1 =	sadd.s32 s1, s30  }
0xba: {  	s0 =	sor.u32 s3, s0;
	s1 =	sshll.u32 s1, $0x11  }
0xbb: {  	s0 =	sor.u32 s1, s0  }
0xbc: {  	s0 =	sadd.s32 $0x8F2B, s0  }
0xbd: {  	[sflag:s0] =	ssyncadd.remote.s32 $0x1  }
0xbe: {  	_ =	sfence.sel $0xFFFF  }
0xbf: {  	[dreg:$0x0] =	wrdreg $0xFFFFFFFF;
	(pc) =	sbr.abs _section_cstart, $3  }
0xc0: {  	[dreg:$0x1] =	wrdreg $0xFFFFFFFF  }
0xc1: {  	_ =	task.clear_ibuf [dreg:s6], $0x2FFFF;
	_ =	strace $0x9FFFFFFF  }
0xc2: {  	(tm) =	ssettm $0x7FFFFFFF  }
0xc3: {  	_ =	shalt  }
tec
execute0_lowered:
.L_overlay_start_1:
0x0: {  	(tag) =	ssettag $0x1  }
0x1: {  	s0 =	rddreg [dreg:$0x0]  }
0x2: {  	s2 =	rddreg [dreg:$0x1];
	s7 =	stileid.u32  }
0x3: {  	s3 =	simm.s32 $0x0;
	s25 =	srdreg.scid;
	s28 =	simm.s32 $0x400  }
0x4: {  	s29 =	simm.s32 $0x80;
	s30 =	simm.s32 $0x1;
	s1 =	smul.u32 $0xA00, s7  }
0x5: {  	[smem:$0x7FF] =	sst s3;
	s4 =	sadd.s32 $0x17600, s0;
	s5 =	sadd.s32 $0x3FE00, s0  }
0x6: {  	s6 =	smul.u32 $0x280, s7;
	s8 =	sadd.s32 $0x3F600, s0;
	s16 =	sand.u32 $0x1, s25  }
0x7: {  	s7 =	smul.u32 $0x50000, s7;
	_ =	strace $0x80000047;
	[dreg:$0x3] =	wrdreg s5  }
0x8: {  	s26 =	sadd.s32 $0x40600, s0;
	[dreg:$0x4] =	wrdreg s8;
	s9 =	ssub.s32 $0x2, s16  }
0x9: {  	s10 =	smul.u32 $0x2800, s16;
	s11 =	sshrl.u32 s9, $0x1;
	s7 =	sshrl.u32 s7, $0x2  }
0xa: {  	s1 =	sadd.s32 s1, s0;
	s9 =	ssub.s32 s9, s11;
	s7 =	sadd.s32 s7, s2  }
0xb: {  	s6 =	sadd.s32 s6, s10;
	s9 =	smax.u32 s9, $0x1;
	s14 =	sadd.s32 $0x4000, s7  }
0xc: {  	s15 =	sadd.s32 $0x8000, s7;
	s5 =	sadd.s32 $0xC000, s7;
	[dreg:$0x5] =	wrdreg s7  }
0xd: {  	s12 =	sadd.s32 $0x10000, s7;
	s7 =	simm.s32 $0x0;
	[dreg:$0x6] =	wrdreg s9  }
0xe: {  	s0 =	sadd.s32 $0x90600, s0;
	s6 =	sshll.u32 s6, $0x4;
	[dreg:$0x15] =	wrdreg s7  }
0xf: {  	s17 =	sadd.s32 s26, s6;
	s18 =	sadd.s32 $0x800, s6;
	[dreg:$0x9] =	wrdreg s5  }
0x10: {  	s19 =	sadd.s32 $0x1000, s6;
	s22 =	sadd.s32 $0x1800, s6;
	[dreg:$0xa] =	wrdreg s12  }
0x11: {  	s23 =	sadd.s32 $0x2000, s6;
	s6 =	sadd.s32 s0, s6;
	[dreg:$0xb] =	wrdreg s17  }
0x12: {  	s16 =	smul.u32 $0x500, s16;
	s10 =	smov.u32 s14;
	[dreg:$0x10] =	wrdreg s6  }
0x13: {  	s31 =	simm.s32 $0x4800;
	s11 =	smov.u32 s15;
	[dreg:$0x7] =	wrdreg s10  }
0x14: {  	s1 =	sadd.s32 s16, s1;
	s20 =	sadd.s32 s26, s18;
	[dreg:$0x8] =	wrdreg s11  }
0x15: {  	s16 =	simm.s32 $0x600;
	s21 =	sadd.s32 s26, s19;
	[dreg:$0xc] =	wrdreg s20  }
0x16: {  	s14 =	simm.s32 $0x580;
	s13 =	sadd.s32 s26, s22;
	[dreg:$0xd] =	wrdreg s21  }
0x17: {  	s15 =	simm.s32 $0x280;
	s8 =	sadd.s32 s26, s23;
	[dreg:$0xe] =	wrdreg s13  }
0x18: {  	s24 =	sadd.s32 s0, s18;
	s25 =	sadd.s32 s0, s19;
	[dreg:$0xf] =	wrdreg s8  }
0x19: {  	s26 =	sadd.s32 s0, s22;
	s0 =	sadd.s32 s0, s23;
	[dreg:$0x11] =	wrdreg s24  }
0x1a: {  	s23 =	sadd.s32 $0x3600, s1;
	s6 =	simm.s32 $0x180;
	[dreg:$0x12] =	wrdreg s25  }
0x1b: {  	s17 =	simm.s32 $0x300;
	s18 =	simm.s32 $0x680;
	[dreg:$0x13] =	wrdreg s26  }
0x1c: {  	s19 =	simm.s32 $0x380;
	s22 =	simm.s32 $0x2;
	[dreg:$0x14] =	wrdreg s0  }
0x1d: {  	s24 =	sadd.s32 $0xD600, s1;
	s25 =	simm.s32 $0x800;
	s26 =	simm.s32 $0x3  }
0x1e: {  	s0 =	simm.s32 $0x100;
	s1 =	simm.s32 $0x480;
	s8 =	simm.s32 $0x500  }
0x1f: {  	s13 =	simm.s32 $0x200;
	s20 =	simm.s32 $0x700;
	s21 =	simm.s32 $0x780  }
.LBB2_1:
0x20: {  	s7 =	rddreg [dreg:$0x3]  }
0x21: {  	[tilespmem:s25], [sflag:$0x3] =	stream.linear.gather [hbm4b:s7+s3], $0x4000, $0x38;
	[tilespmem:$0x1C800] =	vst v63  }
0x22: {  	_ =	swait.ge [sflag:s26], $0x4000  }
0x23: {  	[sflag:s26] =	ssyncset.done $0x0  }
0x24: {  	s9 =	rddreg [dreg:$0x5];
	[sflag:s26] =	ssyncadd.s32 $0xFFFFC000  }
0x25: {  	[spmem:s9] =	stream.linear.scatter [tilespmem:s25], [sflag:$0x3], $0x4000, $0x38;
	[tilespmem:$0x1C800] =	vst v63  }
0x26: {  	_ =	swait.ge [sflag:s26], $0x4000  }
0x27: {  	[sflag:s26] =	ssyncset.done $0x0  }
0x28: {  	[sflag:s26] =	ssyncadd.s32 $0xFFFFC000  }
0x29: {  	[spmem:s10] =	stream.linear.scatter [tilespmem:s25], [sflag:$0x3], $0x4000, $0x38;
	[tilespmem:$0x1C800] =	vst v63  }
0x2a: {  	_ =	swait.ge [sflag:s26], $0x4000  }
0x2b: {  	[sflag:s26] =	ssyncset.done $0x0  }
0x2c: {  	[sflag:s26] =	ssyncadd.s32 $0xFFFFC000  }
0x2d: {  	[spmem:s11] =	stream.linear.scatter [tilespmem:s25], [sflag:$0x3], $0x4000, $0x38;
	[tilespmem:$0x1C800] =	vst v63  }
0x2e: {  	_ =	swait.ge [sflag:s26], $0x4000  }
0x2f: {  	[sflag:s26] =	ssyncset.done $0x0  }
0x30: {  	[sflag:s26] =	ssyncadd.s32 $0xFFFFC000  }
0x31: {  	[spmem:s5] =	stream.linear.scatter [tilespmem:s25], [sflag:$0x3], $0x4000, $0x38;
	[tilespmem:$0x1C800] =	vst v63  }
0x32: {  	_ =	swait.ge [sflag:s26], $0x4000  }
0x33: {  	[sflag:s26] =	ssyncset.done $0x0  }
0x34: {  	[sflag:s26] =	ssyncadd.s32 $0xFFFFC000  }
0x35: {  	[spmem:s12] =	stream.linear.scatter [tilespmem:s25], [sflag:$0x3], $0x4000, $0x38;
	[tilespmem:$0x1C800] =	vst v63  }
0x36: {  	_ =	swait.ge [sflag:s26], $0x4000  }
0x37: {  	[sflag:s26] =	ssyncset.done $0x0  }
0x38: {  	[sflag:s26] =	ssyncadd.s32 $0xFFFFC000  }
0x39: {  	s9 =	sadd.s32 $0x0, s24;
	[bflag:$0x0] =	sbarrier.arrive $0xFFFF  }
0x3a: {  	[tilespmem:s3], [sflag:$0x3] =	stream.linear.gather [hbm4b:s9+s3], $0x400, $0x38;
	[tilespmem:$0x1C800] =	vst v63  }
0x3b: {  	_ =	swait.ge [sflag:s26], $0x400  }
0x3c: {  	[sflag:s26] =	ssyncset.done $0x0  }
0x3d: {  	s12 =	sadd.s32 $0x0, s23;
	[sflag:s26] =	ssyncadd.s32 $0xFFFFFC00  }
0x3e: {  	[tilespmem:s28], [sflag:$0x3] =	stream.linear.gather [hbm4b:s12+s3], $0x400, $0x38;
	[tilespmem:$0x1C800] =	vst v63  }
0x3f: {  	_ =	swait.ge [sflag:s26], $0x400  }
0x40: {  	[sflag:s26] =	ssyncset.done $0x0  }
0x41: {  	[sflag:s26] =	ssyncadd.s32 $0xFFFFFC00  }
0x42: {  	[tilespmem:s25], [sflag:$0x1] =	stream.indirect.gather [hbm4b:s4+s29], $0x80, s3, s29, $0xb8;
	[tilespmem:$0x1C800] =	vst v63  }
0x43: {  	_ =	swait.ge [sflag:s30], $0x4000  }
0x44: {  	[sflag:s30] =	ssyncset.done $0x0  }
0x45: {  	[sflag:s30] =	ssyncadd.s32 $0xFFFFC000  }
0x46: {  	[tilespmem:s31], [sflag:$0x1] =	stream.indirect.gather [hbm4b:s4+s29], $0x80, s29, s29, $0xb8;
	[tilespmem:$0x1C800] =	vst v63  }
0x47: {  	_ = 	snop  }
0x48: {  	[spmem:s2] =	stream.indirect.scatter.add.f32 [tilespmem:s25], [sflag:$0x3], $0x80, s28, s29, $0xb8;
	[tilespmem:$0x1C800] =	vst v63  }
0x49: {  	_ =	swait.ge [sflag:s26], $0x4000  }
0x4a: {  	[sflag:s26] =	ssyncset.done $0x0  }
0x4b: {  	[sflag:s26] =	ssyncadd.s32 $0xFFFFC000  }
0x4c: {  	_ =	swait.ge [sflag:s30], $0x4000  }
0x4d: {  	[sflag:s30] =	ssyncset.done $0x0  }
0x4e: {  	[sflag:s30] =	ssyncadd.s32 $0xFFFFC000  }
0x4f: {  	[tilespmem:s25], [sflag:$0x1] =	stream.indirect.gather [hbm4b:s4+s29], $0x80, s0, s29, $0xb8;
	[tilespmem:$0x1C800] =	vst v63  }
0x50: {  	_ = 	snop  }
0x51: {  	[spmem:s2] =	stream.indirect.scatter.add.f32 [tilespmem:s31], [sflag:$0x3], $0x80, s1, s29, $0xb8;
	[tilespmem:$0x1C800] =	vst v63  }
0x52: {  	_ =	swait.ge [sflag:s26], $0x4000  }
0x53: {  	[sflag:s26] =	ssyncset.done $0x0  }
0x54: {  	[sflag:s26] =	ssyncadd.s32 $0xFFFFC000  }
0x55: {  	_ =	swait.ge [sflag:s30], $0x4000  }
0x56: {  	[sflag:s30] =	ssyncset.done $0x0  }
0x57: {  	[sflag:s30] =	ssyncadd.s32 $0xFFFFC000  }
0x58: {  	[tilespmem:s31], [sflag:$0x1] =	stream.indirect.gather [hbm4b:s4+s29], $0x80, s6, s29, $0xb8;
	[tilespmem:$0x1C800] =	vst v63  }
0x59: {  	_ = 	snop  }
0x5a: {  	[spmem:s2] =	stream.indirect.scatter.add.f32 [tilespmem:s25], [sflag:$0x3], $0x80, s8, s29, $0xb8;
	[tilespmem:$0x1C800] =	vst v63  }
0x5b: {  	_ =	swait.ge [sflag:s26], $0x4000  }
0x5c: {  	[sflag:s26] =	ssyncset.done $0x0  }
0x5d: {  	[sflag:s26] =	ssyncadd.s32 $0xFFFFC000  }
0x5e: {  	_ =	swait.ge [sflag:s30], $0x4000  }
0x5f: {  	[sflag:s30] =	ssyncset.done $0x0  }
0x60: {  	[sflag:s30] =	ssyncadd.s32 $0xFFFFC000  }
0x61: {  	[tilespmem:s25], [sflag:$0x1] =	stream.indirect.gather [hbm4b:s4+s29], $0x80, s13, s29, $0xb8;
	[tilespmem:$0x1C800] =	vst v63  }
0x62: {  	_ = 	snop  }
0x63: {  	[spmem:s2] =	stream.indirect.scatter.add.f32 [tilespmem:s31], [sflag:$0x3], $0x80, s14, s29, $0xb8;
	[tilespmem:$0x1C800] =	vst v63  }
0x64: {  	_ =	swait.ge [sflag:s26], $0x4000  }
0x65: {  	[sflag:s26] =	ssyncset.done $0x0  }
0x66: {  	[sflag:s26] =	ssyncadd.s32 $0xFFFFC000  }
0x67: {  	_ =	swait.ge [sflag:s30], $0x4000  }
0x68: {  	[sflag:s30] =	ssyncset.done $0x0  }
0x69: {  	[sflag:s30] =	ssyncadd.s32 $0xFFFFC000  }
0x6a: {  	[tilespmem:s31], [sflag:$0x1] =	stream.indirect.gather [hbm4b:s4+s29], $0x80, s15, s29, $0xb8;
	[tilespmem:$0x1C800] =	vst v63  }
0x6b: {  	_ = 	snop  }
0x6c: {  	[spmem:s2] =	stream.indirect.scatter.add.f32 [tilespmem:s25], [sflag:$0x3], $0x80, s16, s29, $0xb8;
	[tilespmem:$0x1C800] =	vst v63  }
0x6d: {  	_ =	swait.ge [sflag:s26], $0x4000  }
0x6e: {  	[sflag:s26] =	ssyncset.done $0x0  }
0x6f: {  	[sflag:s26] =	ssyncadd.s32 $0xFFFFC000  }
0x70: {  	_ =	swait.ge [sflag:s30], $0x4000  }
0x71: {  	[sflag:s30] =	ssyncset.done $0x0  }
0x72: {  	[sflag:s30] =	ssyncadd.s32 $0xFFFFC000  }
0x73: {  	[tilespmem:s25], [sflag:$0x1] =	stream.indirect.gather [hbm4b:s4+s29], $0x80, s17, s29, $0xb8;
	[tilespmem:$0x1C800] =	vst v63  }
0x74: {  	_ = 	snop  }
0x75: {  	[spmem:s2] =	stream.indirect.scatter.add.f32 [tilespmem:s31], [sflag:$0x3], $0x80, s18, s29, $0xb8;
	[tilespmem:$0x1C800] =	vst v63  }
0x76: {  	_ =	swait.ge [sflag:s26], $0x4000  }
0x77: {  	[sflag:s26] =	ssyncset.done $0x0  }
0x78: {  	[sflag:s26] =	ssyncadd.s32 $0xFFFFC000  }
0x79: {  	_ =	swait.ge [sflag:s30], $0x4000  }
0x7a: {  	[sflag:s30] =	ssyncset.done $0x0  }
0x7b: {  	[sflag:s30] =	ssyncadd.s32 $0xFFFFC000  }
0x7c: {  	[tilespmem:s31], [sflag:$0x1] =	stream.indirect.gather [hbm4b:s4+s29], $0x80, s19, s29, $0xb8;
	[tilespmem:$0x1C800] =	vst v63  }
0x7d: {  	_ = 	snop  }
0x7e: {  	[spmem:s2] =	stream.indirect.scatter.add.f32 [tilespmem:s25], [sflag:$0x3], $0x80, s20, s29, $0xb8;
	[tilespmem:$0x1C800] =	vst v63  }
0x7f: {  	_ =	swait.ge [sflag:s26], $0x4000  }
0x80: {  	[sflag:s26] =	ssyncset.done $0x0  }
0x81: {  	[sflag:s26] =	ssyncadd.s32 $0xFFFFC000  }
0x82: {  	_ =	swait.ge [sflag:s30], $0x4000  }
0x83: {  	[sflag:s30] =	ssyncset.done $0x0  }
0x84: {  	[sflag:s30] =	ssyncadd.s32 $0xFFFFC000  }
0x85: {  	[spmem:s2] =	stream.indirect.scatter.add.f32 [tilespmem:s31], [sflag:$0x3], $0x80, s21, s29, $0xb8;
	[tilespmem:$0x1C800] =	vst v63  }
0x86: {  	_ =	swait.ge [sflag:s26], $0x4000  }
0x87: {  	s10 =	simm.s32 $0x100;
	s9 =	simm.s32 $0x80;
	[sflag:s26] =	ssyncset.done $0x0  }
.LBB2_2:
0x88: {  	s12 =	sadd.s32 s9, s24  }
0x89: {  	[sflag:s26] =	ssyncadd.s32 $0xFFFFC000;
	s7 =	smov.u32 s10;
	s11 =	sadd.s32 $0x80, s10  }
0x8a: {  	[tilespmem:s3], [sflag:$0x3] =	stream.linear.gather [hbm4b:s12+s3], $0x400, $0x38;
	[tilespmem:$0x1C800] =	vst v63  }
0x8b: {  	p0 =	sne.s32 s10, $0x480;
	_ =	swait.ge [sflag:s26], $0x400  }
0x8c: {  	[sflag:s26] =	ssyncset.done $0x0  }
0x8d: {  	s10 =	sadd.s32 s9, s23;
	s9 =	smov.u32 s7;
	[sflag:s26] =	ssyncadd.s32 $0xFFFFFC00  }
0x8e: {  	[tilespmem:s28], [sflag:$0x3] =	stream.linear.gather [hbm4b:s10+s3], $0x400, $0x38;
	[tilespmem:$0x1C800] =	vst v63  }
0x8f: {  	_ =	swait.ge [sflag:s26], $0x400  }
0x90: {  	[sflag:s26] =	ssyncset.done $0x0  }
0x91: {  	[sflag:s26] =	ssyncadd.s32 $0xFFFFFC00  }
0x92: {  	[tilespmem:s25], [sflag:$0x1] =	stream.indirect.gather [hbm4b:s4+s29], $0x80, s3, s29, $0xb8;
	[tilespmem:$0x1C800] =	vst v63  }
0x93: {  	_ =	swait.ge [sflag:s30], $0x4000  }
0x94: {  	[sflag:s30] =	ssyncset.done $0x0  }
0x95: {  	[sflag:s30] =	ssyncadd.s32 $0xFFFFC000  }
0x96: {  	[tilespmem:s31], [sflag:$0x1] =	stream.indirect.gather [hbm4b:s4+s29], $0x80, s29, s29, $0xb8;
	[tilespmem:$0x1C800] =	vst v63  }
0x97: {  	_ = 	snop  }
0x98: {  	[spmem:s2] =	stream.indirect.scatter.add.f32 [tilespmem:s25], [sflag:$0x3], $0x80, s28, s29, $0xb8;
	[tilespmem:$0x1C800] =	vst v63  }
0x99: {  	_ =	swait.ge [sflag:s26], $0x4000  }
0x9a: {  	[sflag:s26] =	ssyncset.done $0x0  }
0x9b: {  	[sflag:s26] =	ssyncadd.s32 $0xFFFFC000  }
0x9c: {  	_ =	swait.ge [sflag:s30], $0x4000  }
0x9d: {  	[sflag:s30] =	ssyncset.done $0x0  }
0x9e: {  	[sflag:s30] =	ssyncadd.s32 $0xFFFFC000  }
0x9f: {  	[tilespmem:s25], [sflag:$0x1] =	stream.indirect.gather [hbm4b:s4+s29], $0x80, s0, s29, $0xb8;
	[tilespmem:$0x1C800] =	vst v63  }
0xa0: {  	_ = 	snop  }
0xa1: {  	[spmem:s2] =	stream.indirect.scatter.add.f32 [tilespmem:s31], [sflag:$0x3], $0x80, s1, s29, $0xb8;
	[tilespmem:$0x1C800] =	vst v63  }
0xa2: {  	_ =	swait.ge [sflag:s26], $0x4000  }
0xa3: {  	[sflag:s26] =	ssyncset.done $0x0  }
0xa4: {  	[sflag:s26] =	ssyncadd.s32 $0xFFFFC000  }
0xa5: {  	_ =	swait.ge [sflag:s30], $0x4000  }
0xa6: {  	[sflag:s30] =	ssyncset.done $0x0  }
0xa7: {  	[sflag:s30] =	ssyncadd.s32 $0xFFFFC000  }
0xa8: {  	[tilespmem:s31], [sflag:$0x1] =	stream.indirect.gather [hbm4b:s4+s29], $0x80, s6, s29, $0xb8;
	[tilespmem:$0x1C800] =	vst v63  }
0xa9: {  	_ = 	snop  }
0xaa: {  	[spmem:s2] =	stream.indirect.scatter.add.f32 [tilespmem:s25], [sflag:$0x3], $0x80, s8, s29, $0xb8;
	[tilespmem:$0x1C800] =	vst v63  }
0xab: {  	_ =	swait.ge [sflag:s26], $0x4000  }
0xac: {  	[sflag:s26] =	ssyncset.done $0x0  }
0xad: {  	[sflag:s26] =	ssyncadd.s32 $0xFFFFC000  }
0xae: {  	_ =	swait.ge [sflag:s30], $0x4000  }
0xaf: {  	[sflag:s30] =	ssyncset.done $0x0  }
0xb0: {  	[sflag:s30] =	ssyncadd.s32 $0xFFFFC000  }
0xb1: {  	[tilespmem:s25], [sflag:$0x1] =	stream.indirect.gather [hbm4b:s4+s29], $0x80, s13, s29, $0xb8;
	[tilespmem:$0x1C800] =	vst v63  }
0xb2: {  	_ = 	snop  }
0xb3: {  	[spmem:s2] =	stream.indirect.scatter.add.f32 [tilespmem:s31], [sflag:$0x3], $0x80, s14, s29, $0xb8;
	[tilespmem:$0x1C800] =	vst v63  }
0xb4: {  	_ =	swait.ge [sflag:s26], $0x4000  }
0xb5: {  	[sflag:s26] =	ssyncset.done $0x0  }
0xb6: {  	[sflag:s26] =	ssyncadd.s32 $0xFFFFC000  }
0xb7: {  	_ =	swait.ge [sflag:s30], $0x4000  }
0xb8: {  	[sflag:s30] =	ssyncset.done $0x0  }
0xb9: {  	[sflag:s30] =	ssyncadd.s32 $0xFFFFC000  }
0xba: {  	[tilespmem:s31], [sflag:$0x1] =	stream.indirect.gather [hbm4b:s4+s29], $0x80, s15, s29, $0xb8;
	[tilespmem:$0x1C800] =	vst v63  }
0xbb: {  	_ = 	snop  }
0xbc: {  	[spmem:s2] =	stream.indirect.scatter.add.f32 [tilespmem:s25], [sflag:$0x3], $0x80, s16, s29, $0xb8;
	[tilespmem:$0x1C800] =	vst v63  }
0xbd: {  	_ =	swait.ge [sflag:s26], $0x4000  }
0xbe: {  	[sflag:s26] =	ssyncset.done $0x0  }
0xbf: {  	[sflag:s26] =	ssyncadd.s32 $0xFFFFC000  }
0xc0: {  	_ =	swait.ge [sflag:s30], $0x4000  }
0xc1: {  	[sflag:s30] =	ssyncset.done $0x0  }
0xc2: {  	[sflag:s30] =	ssyncadd.s32 $0xFFFFC000  }
0xc3: {  	[tilespmem:s25], [sflag:$0x1] =	stream.indirect.gather [hbm4b:s4+s29], $0x80, s17, s29, $0xb8;
	[tilespmem:$0x1C800] =	vst v63  }
0xc4: {  	_ = 	snop  }
0xc5: {  	[spmem:s2] =	stream.indirect.scatter.add.f32 [tilespmem:s31], [sflag:$0x3], $0x80, s18, s29, $0xb8;
	[tilespmem:$0x1C800] =	vst v63  }
0xc6: {  	_ =	swait.ge [sflag:s26], $0x4000  }
0xc7: {  	[sflag:s26] =	ssyncset.done $0x0  }
0xc8: {  	[sflag:s26] =	ssyncadd.s32 $0xFFFFC000  }
0xc9: {  	_ =	swait.ge [sflag:s30], $0x4000  }
0xca: {  	[sflag:s30] =	ssyncset.done $0x0  }
0xcb: {  	[sflag:s30] =	ssyncadd.s32 $0xFFFFC000  }
0xcc: {  	[tilespmem:s31], [sflag:$0x1] =	stream.indirect.gather [hbm4b:s4+s29], $0x80, s19, s29, $0xb8;
	[tilespmem:$0x1C800] =	vst v63  }
0xcd: {  	_ = 	snop  }
0xce: {  	[spmem:s2] =	stream.indirect.scatter.add.f32 [tilespmem:s25], [sflag:$0x3], $0x80, s20, s29, $0xb8;
	[tilespmem:$0x1C800] =	vst v63  }
0xcf: {  	_ =	swait.ge [sflag:s26], $0x4000  }
0xd0: {  	[sflag:s26] =	ssyncset.done $0x0  }
0xd1: {  	[sflag:s26] =	ssyncadd.s32 $0xFFFFC000  }
0xd2: {  	_ =	swait.ge [sflag:s30], $0x4000  }
.Ltmp0:
0xd3: {  	[sflag:s30] =	ssyncset.done $0x0;
	(pc) =	sbr.rel @p0 .LBB2_2-.Ltmp0, $4  }
0xd4: {  	[sflag:s30] =	ssyncadd.s32 $0xFFFFC000  }
0xd5: {  	[spmem:s2] =	stream.indirect.scatter.add.f32 [tilespmem:s31], [sflag:$0x3], $0x80, s21, s29, $0xb8;
	[tilespmem:$0x1C800] =	vst v63  }
0xd6: {  	_ =	swait.ge [sflag:s26], $0x4000  }
0xd7: {  	s10 =	smov.u32 s11;
	[sflag:s26] =	ssyncset.done $0x0  }
0xd8: {  	s7 =	sadd.s32 s9, s24;
	[sflag:s26] =	ssyncadd.s32 $0xFFFFC000  }
0xd9: {  	[tilespmem:s3], [sflag:$0x3] =	stream.linear.gather [hbm4b:s7+s3], $0x400, $0x38;
	[tilespmem:$0x1C800] =	vst v63  }
0xda: {  	_ =	swait.ge [sflag:s26], $0x400  }
0xdb: {  	[sflag:s26] =	ssyncset.done $0x0  }
0xdc: {  	s10 =	sadd.s32 s9, s23;
	[sflag:s26] =	ssyncadd.s32 $0xFFFFFC00  }
0xdd: {  	[tilespmem:s28], [sflag:$0x3] =	stream.linear.gather [hbm4b:s10+s3], $0x400, $0x38;
	[tilespmem:$0x1C800] =	vst v63  }
0xde: {  	_ =	swait.ge [sflag:s26], $0x400  }
0xdf: {  	[sflag:s26] =	ssyncset.done $0x0  }
0xe0: {  	[sflag:s26] =	ssyncadd.s32 $0xFFFFFC00  }
0xe1: {  	[tilespmem:s25], [sflag:$0x1] =	stream.indirect.gather [hbm4b:s4+s29], $0x80, s3, s29, $0xb8;
	[tilespmem:$0x1C800] =	vst v63  }
0xe2: {  	_ =	swait.ge [sflag:s30], $0x4000  }
0xe3: {  	[sflag:s30] =	ssyncset.done $0x0  }
0xe4: {  	[sflag:s30] =	ssyncadd.s32 $0xFFFFC000  }
0xe5: {  	[tilespmem:s31], [sflag:$0x1] =	stream.indirect.gather [hbm4b:s4+s29], $0x80, s29, s29, $0xb8;
	[tilespmem:$0x1C800] =	vst v63  }
0xe6: {  	_ = 	snop  }
0xe7: {  	[spmem:s2] =	stream.indirect.scatter.add.f32 [tilespmem:s25], [sflag:$0x3], $0x80, s28, s29, $0xb8;
	[tilespmem:$0x1C800] =	vst v63  }
0xe8: {  	_ =	swait.ge [sflag:s26], $0x4000  }
0xe9: {  	[sflag:s26] =	ssyncset.done $0x0  }
0xea: {  	[sflag:s26] =	ssyncadd.s32 $0xFFFFC000  }
0xeb: {  	_ =	swait.ge [sflag:s30], $0x4000  }
0xec: {  	[sflag:s30] =	ssyncset.done $0x0  }
0xed: {  	[sflag:s30] =	ssyncadd.s32 $0xFFFFC000  }
0xee: {  	[tilespmem:s25], [sflag:$0x1] =	stream.indirect.gather [hbm4b:s4+s29], $0x80, s0, s29, $0xb8;
	[tilespmem:$0x1C800] =	vst v63  }
0xef: {  	_ = 	snop  }
0xf0: {  	[spmem:s2] =	stream.indirect.scatter.add.f32 [tilespmem:s31], [sflag:$0x3], $0x80, s1, s29, $0xb8;
	[tilespmem:$0x1C800] =	vst v63  }
0xf1: {  	_ =	swait.ge [sflag:s26], $0x4000  }
0xf2: {  	[sflag:s26] =	ssyncset.done $0x0  }
0xf3: {  	[sflag:s26] =	ssyncadd.s32 $0xFFFFC000  }
0xf4: {  	_ =	swait.ge [sflag:s30], $0x4000  }
0xf5: {  	[sflag:s30] =	ssyncset.done $0x0  }
0xf6: {  	[sflag:s30] =	ssyncadd.s32 $0xFFFFC000  }
0xf7: {  	[tilespmem:s31], [sflag:$0x1] =	stream.indirect.gather [hbm4b:s4+s29], $0x80, s6, s29, $0xb8;
	[tilespmem:$0x1C800] =	vst v63  }
0xf8: {  	_ = 	snop  }
0xf9: {  	[spmem:s2] =	stream.indirect.scatter.add.f32 [tilespmem:s25], [sflag:$0x3], $0x80, s8, s29, $0xb8;
	[tilespmem:$0x1C800] =	vst v63  }
0xfa: {  	_ =	swait.ge [sflag:s26], $0x4000  }
0xfb: {  	[sflag:s26] =	ssyncset.done $0x0  }
0xfc: {  	[sflag:s26] =	ssyncadd.s32 $0xFFFFC000  }
0xfd: {  	_ =	swait.ge [sflag:s30], $0x4000  }
0xfe: {  	[sflag:s30] =	ssyncset.done $0x0  }
0xff: {  	[sflag:s30] =	ssyncadd.s32 $0xFFFFC000  }
0x100: {  	[tilespmem:s25], [sflag:$0x1] =	stream.indirect.gather [hbm4b:s4+s29], $0x80, s13, s29, $0xb8;
	[tilespmem:$0x1C800] =	vst v63  }
0x101: {  	_ = 	snop  }
0x102: {  	[spmem:s2] =	stream.indirect.scatter.add.f32 [tilespmem:s31], [sflag:$0x3], $0x80, s14, s29, $0xb8;
	[tilespmem:$0x1C800] =	vst v63  }
0x103: {  	_ =	swait.ge [sflag:s26], $0x4000  }
0x104: {  	[sflag:s26] =	ssyncset.done $0x0  }
0x105: {  	[sflag:s26] =	ssyncadd.s32 $0xFFFFC000  }
0x106: {  	_ =	swait.ge [sflag:s30], $0x4000  }
0x107: {  	[sflag:s30] =	ssyncset.done $0x0  }
0x108: {  	[sflag:s30] =	ssyncadd.s32 $0xFFFFC000  }
0x109: {  	[tilespmem:s31], [sflag:$0x1] =	stream.indirect.gather [hbm4b:s4+s29], $0x80, s15, s29, $0xb8;
	[tilespmem:$0x1C800] =	vst v63  }
0x10a: {  	_ = 	snop  }
0x10b: {  	[spmem:s2] =	stream.indirect.scatter.add.f32 [tilespmem:s25], [sflag:$0x3], $0x80, s16, s29, $0xb8;
	[tilespmem:$0x1C800] =	vst v63  }
0x10c: {  	_ =	swait.ge [sflag:s26], $0x4000  }
0x10d: {  	[sflag:s26] =	ssyncset.done $0x0  }
0x10e: {  	[sflag:s26] =	ssyncadd.s32 $0xFFFFC000  }
0x10f: {  	_ =	swait.ge [sflag:s30], $0x4000  }
0x110: {  	[sflag:s30] =	ssyncset.done $0x0  }
0x111: {  	[sflag:s30] =	ssyncadd.s32 $0xFFFFC000  }
0x112: {  	[tilespmem:s25], [sflag:$0x1] =	stream.indirect.gather [hbm4b:s4+s29], $0x80, s17, s29, $0xb8;
	[tilespmem:$0x1C800] =	vst v63  }
0x113: {  	_ = 	snop  }
0x114: {  	[spmem:s2] =	stream.indirect.scatter.add.f32 [tilespmem:s31], [sflag:$0x3], $0x80, s18, s29, $0xb8;
	[tilespmem:$0x1C800] =	vst v63  }
0x115: {  	_ =	swait.ge [sflag:s26], $0x4000  }
0x116: {  	[sflag:s26] =	ssyncset.done $0x0  }
0x117: {  	[sflag:s26] =	ssyncadd.s32 $0xFFFFC000  }
0x118: {  	_ =	swait.ge [sflag:s30], $0x4000  }
0x119: {  	[sflag:s30] =	ssyncset.done $0x0  }
0x11a: {  	[sflag:s30] =	ssyncadd.s32 $0xFFFFC000  }
0x11b: {  	[tilespmem:s31], [sflag:$0x1] =	stream.indirect.gather [hbm4b:s4+s29], $0x80, s19, s29, $0xb8;
	[tilespmem:$0x1C800] =	vst v63  }
0x11c: {  	_ = 	snop  }
0x11d: {  	[spmem:s2] =	stream.indirect.scatter.add.f32 [tilespmem:s25], [sflag:$0x3], $0x80, s20, s29, $0xb8;
	[tilespmem:$0x1C800] =	vst v63  }
0x11e: {  	_ =	swait.ge [sflag:s26], $0x4000  }
0x11f: {  	[sflag:s26] =	ssyncset.done $0x0  }
0x120: {  	[sflag:s26] =	ssyncadd.s32 $0xFFFFC000  }
0x121: {  	_ =	swait.ge [sflag:s30], $0x4000  }
0x122: {  	[sflag:s30] =	ssyncset.done $0x0  }
0x123: {  	[sflag:s30] =	ssyncadd.s32 $0xFFFFC000  }
0x124: {  	[spmem:s2] =	stream.indirect.scatter.add.f32 [tilespmem:s31], [sflag:$0x3], $0x80, s21, s29, $0xb8;
	[tilespmem:$0x1C800] =	vst v63  }
0x125: {  	_ =	swait.ge [sflag:s26], $0x4000  }
0x126: {  	[sflag:s26] =	ssyncset.done $0x0  }
0x127: {  	[sflag:s26] =	ssyncadd.s32 $0xFFFFC000  }
0x128: {  	[bflag:$0x0] =	sbarrier.arrive $0xFFFF  }
0x129: {  	s5 =	rddreg [dreg:$0x5]  }
0x12a: {  	[tilespmem:s25], [sflag:$0x3] =	stream.linear.gather [spmem:s5], $0x4000, $0x38;
	[tilespmem:$0x1C800] =	vst v63  }
0x12b: {  	_ =	swait.ge [sflag:s26], $0x4000  }
0x12c: {  	[sflag:s26] =	ssyncset.done $0x0  }
0x12d: {  	s7 =	simm.s32 $0x0;
	s11 =	rddreg [dreg:$0xb];
	[sflag:s26] =	ssyncadd.s32 $0xFFFFC000  }
0x12e: {  	[hbm4b:s11+s7] =	stream.linear.scatter [tilespmem:s25], [sflag:$0x3], $0x4000, $0x38;
	[tilespmem:$0x1C800] =	vst v63  }
0x12f: {  	_ =	swait.ge [sflag:s26], $0x4000  }
0x130: {  	[sflag:s26] =	ssyncset.done $0x0  }
0x131: {  	s10 =	rddreg [dreg:$0x7];
	[sflag:s26] =	ssyncadd.s32 $0xFFFFC000  }
0x132: {  	[tilespmem:s25], [sflag:$0x3] =	stream.linear.gather [spmem:s10], $0x4000, $0x38;
	[tilespmem:$0x1C800] =	vst v63  }
0x133: {  	_ =	swait.ge [sflag:s26], $0x4000  }
0x134: {  	[sflag:s26] =	ssyncset.done $0x0  }
0x135: {  	s12 =	rddreg [dreg:$0xc];
	[sflag:s26] =	ssyncadd.s32 $0xFFFFC000  }
0x136: {  	[hbm4b:s12+s7] =	stream.linear.scatter [tilespmem:s25], [sflag:$0x3], $0x4000, $0x38;
	[tilespmem:$0x1C800] =	vst v63  }
0x137: {  	_ =	swait.ge [sflag:s26], $0x4000  }
0x138: {  	[sflag:s26] =	ssyncset.done $0x0  }
0x139: {  	s11 =	rddreg [dreg:$0x8];
	[sflag:s26] =	ssyncadd.s32 $0xFFFFC000  }
0x13a: {  	[tilespmem:s25], [sflag:$0x3] =	stream.linear.gather [spmem:s11], $0x4000, $0x38;
	[tilespmem:$0x1C800] =	vst v63  }
0x13b: {  	_ =	swait.ge [sflag:s26], $0x4000  }
0x13c: {  	[sflag:s26] =	ssyncset.done $0x0  }
0x13d: {  	s9 =	rddreg [dreg:$0xd];
	[sflag:s26] =	ssyncadd.s32 $0xFFFFC000  }
0x13e: {  	[hbm4b:s9+s7] =	stream.linear.scatter [tilespmem:s25], [sflag:$0x3], $0x4000, $0x38;
	[tilespmem:$0x1C800] =	vst v63  }
0x13f: {  	_ =	swait.ge [sflag:s26], $0x4000  }
0x140: {  	[sflag:s26] =	ssyncset.done $0x0  }
0x141: {  	s5 =	rddreg [dreg:$0x9];
	[sflag:s26] =	ssyncadd.s32 $0xFFFFC000  }
0x142: {  	[tilespmem:s25], [sflag:$0x3] =	stream.linear.gather [spmem:s5], $0x4000, $0x38;
	[tilespmem:$0x1C800] =	vst v63  }
0x143: {  	_ =	swait.ge [sflag:s26], $0x4000  }
0x144: {  	[sflag:s26] =	ssyncset.done $0x0  }
0x145: {  	s12 =	rddreg [dreg:$0xe];
	[sflag:s26] =	ssyncadd.s32 $0xFFFFC000  }
0x146: {  	[hbm4b:s12+s7] =	stream.linear.scatter [tilespmem:s25], [sflag:$0x3], $0x4000, $0x38;
	[tilespmem:$0x1C800] =	vst v63  }
0x147: {  	_ =	swait.ge [sflag:s26], $0x4000  }
0x148: {  	[sflag:s26] =	ssyncset.done $0x0  }
0x149: {  	s12 =	rddreg [dreg:$0xa];
	[sflag:s26] =	ssyncadd.s32 $0xFFFFC000  }
0x14a: {  	[tilespmem:s25], [sflag:$0x3] =	stream.linear.gather [spmem:s12], $0x4000, $0x38;
	[tilespmem:$0x1C800] =	vst v63  }
0x14b: {  	_ =	swait.ge [sflag:s26], $0x4000  }
0x14c: {  	[sflag:s26] =	ssyncset.done $0x0  }
0x14d: {  	s9 =	rddreg [dreg:$0xf];
	[sflag:s26] =	ssyncadd.s32 $0xFFFFC000  }
0x14e: {  	[hbm4b:s9+s7] =	stream.linear.scatter [tilespmem:s25], [sflag:$0x3], $0x4000, $0x38;
	[tilespmem:$0x1C800] =	vst v63  }
0x14f: {  	_ =	swait.ge [sflag:s26], $0x4000  }
0x150: {  	[sflag:s26] =	ssyncset.done $0x0  }
0x151: {  	s9 =	rddreg [dreg:$0x3];
	[sflag:s26] =	ssyncadd.s32 $0xFFFFC000  }
0x152: {  	[tilespmem:s25], [sflag:$0x3] =	stream.linear.gather [hbm4b:s9+s7], $0x4000, $0x38;
	[tilespmem:$0x1C800] =	vst v63  }
0x153: {  	_ =	swait.ge [sflag:s26], $0x4000  }
0x154: {  	[sflag:s26] =	ssyncset.done $0x0  }
0x155: {  	s9 =	rddreg [dreg:$0x5];
	[sflag:s26] =	ssyncadd.s32 $0xFFFFC000  }
0x156: {  	[spmem:s9] =	stream.linear.scatter [tilespmem:s25], [sflag:$0x3], $0x4000, $0x38;
	[tilespmem:$0x1C800] =	vst v63  }
0x157: {  	_ =	swait.ge [sflag:s26], $0x4000  }
0x158: {  	[sflag:s26] =	ssyncset.done $0x0  }
0x159: {  	[sflag:s26] =	ssyncadd.s32 $0xFFFFC000  }
0x15a: {  	[spmem:s10] =	stream.linear.scatter [tilespmem:s25], [sflag:$0x3], $0x4000, $0x38;
	[tilespmem:$0x1C800] =	vst v63  }
0x15b: {  	_ =	swait.ge [sflag:s26], $0x4000  }
0x15c: {  	[sflag:s26] =	ssyncset.done $0x0  }
0x15d: {  	[sflag:s26] =	ssyncadd.s32 $0xFFFFC000  }
0x15e: {  	[spmem:s11] =	stream.linear.scatter [tilespmem:s25], [sflag:$0x3], $0x4000, $0x38;
	[tilespmem:$0x1C800] =	vst v63  }
0x15f: {  	_ =	swait.ge [sflag:s26], $0x4000  }
0x160: {  	[sflag:s26] =	ssyncset.done $0x0  }
0x161: {  	[sflag:s26] =	ssyncadd.s32 $0xFFFFC000  }
0x162: {  	[spmem:s5] =	stream.linear.scatter [tilespmem:s25], [sflag:$0x3], $0x4000, $0x38;
	[tilespmem:$0x1C800] =	vst v63  }
0x163: {  	_ =	swait.ge [sflag:s26], $0x4000  }
0x164: {  	[sflag:s26] =	ssyncset.done $0x0  }
0x165: {  	[sflag:s26] =	ssyncadd.s32 $0xFFFFC000  }
0x166: {  	[spmem:s12] =	stream.linear.scatter [tilespmem:s25], [sflag:$0x3], $0x4000, $0x38;
	[tilespmem:$0x1C800] =	vst v63  }
0x167: {  	_ =	swait.ge [sflag:s26], $0x4000  }
0x168: {  	[sflag:s26] =	ssyncset.done $0x0  }
0x169: {  	[sflag:s26] =	ssyncadd.s32 $0xFFFFC000  }
0x16a: {  	[bflag:$0x0] =	sbarrier.arrive $0xFFFF  }
0x16b: {  	s11 =	rddreg [dreg:$0x4]  }
0x16c: {  	[tilespmem:s25], [sflag:$0x3] =	stream.linear.gather [hbm4b:s11+s7], $0x4000, $0x38;
	[tilespmem:$0x1C800] =	vst v63  }
0x16d: {  	_ =	swait.ge [sflag:s26], $0x4000  }
0x16e: {  	[sflag:s26] =	ssyncset.done $0x0  }
0x16f: {  	s12 =	sadd.s32 $0x0, s23;
	[sflag:s26] =	ssyncadd.s32 $0xFFFFC000  }
0x170: {  	[tilespmem:s28], [sflag:$0x3] =	stream.linear.gather [hbm4b:s12+s3], $0x400, $0x38;
	[tilespmem:$0x1C800] =	vst v63  }
0x171: {  	_ =	swait.ge [sflag:s26], $0x400  }
0x172: {  	[sflag:s26] =	ssyncset.done $0x0  }
0x173: {  	[sflag:s26] =	ssyncadd.s32 $0xFFFFFC00  }
0x174: {  	[spmem:s2] =	stream.indirect.scatter.add.f32 [tilespmem:s25], [sflag:$0x2], $0x80, s28, s29, $0xb8;
	[tilespmem:$0x1C800] =	vst v63  }
0x175: {  	_ = 	snop  }
0x176: {  	[spmem:s2] =	stream.indirect.scatter.add.f32 [tilespmem:s25], [sflag:$0x2], $0x80, s1, s29, $0xb8;
	[tilespmem:$0x1C800] =	vst v63  }
0x177: {  	_ = 	snop  }
0x178: {  	[spmem:s2] =	stream.indirect.scatter.add.f32 [tilespmem:s25], [sflag:$0x2], $0x80, s8, s29, $0xb8;
	[tilespmem:$0x1C800] =	vst v63  }
0x179: {  	_ = 	snop  }
0x17a: {  	[spmem:s2] =	stream.indirect.scatter.add.f32 [tilespmem:s25], [sflag:$0x2], $0x80, s14, s29, $0xb8;
	[tilespmem:$0x1C800] =	vst v63  }
0x17b: {  	_ = 	snop  }
0x17c: {  	[spmem:s2] =	stream.indirect.scatter.add.f32 [tilespmem:s25], [sflag:$0x2], $0x80, s16, s29, $0xb8;
	[tilespmem:$0x1C800] =	vst v63  }
0x17d: {  	_ = 	snop  }
0x17e: {  	[spmem:s2] =	stream.indirect.scatter.add.f32 [tilespmem:s25], [sflag:$0x2], $0x80, s18, s29, $0xb8;
	[tilespmem:$0x1C800] =	vst v63  }
0x17f: {  	_ = 	snop  }
0x180: {  	[spmem:s2] =	stream.indirect.scatter.add.f32 [tilespmem:s25], [sflag:$0x2], $0x80, s20, s29, $0xb8;
	[tilespmem:$0x1C800] =	vst v63  }
0x181: {  	_ = 	snop  }
0x182: {  	[spmem:s2] =	stream.indirect.scatter.add.f32 [tilespmem:s25], [sflag:$0x2], $0x80, s21, s29, $0xb8;
	[tilespmem:$0x1C800] =	vst v63  }
0x183: {  	_ =	swait.ge [sflag:s22], $0x4000  }
0x184: {  	[sflag:s22] =	ssyncset.done $0x0  }
0x185: {  	[sflag:s22] =	ssyncadd.s32 $0xFFFFC000  }
0x186: {  	_ =	swait.ge [sflag:s22], $0x4000  }
0x187: {  	[sflag:s22] =	ssyncset.done $0x0  }
0x188: {  	[sflag:s22] =	ssyncadd.s32 $0xFFFFC000  }
0x189: {  	_ =	swait.ge [sflag:s22], $0x4000  }
0x18a: {  	[sflag:s22] =	ssyncset.done $0x0  }
0x18b: {  	[sflag:s22] =	ssyncadd.s32 $0xFFFFC000  }
0x18c: {  	_ =	swait.ge [sflag:s22], $0x4000  }
0x18d: {  	[sflag:s22] =	ssyncset.done $0x0  }
0x18e: {  	[sflag:s22] =	ssyncadd.s32 $0xFFFFC000  }
0x18f: {  	_ =	swait.ge [sflag:s22], $0x4000  }
0x190: {  	[sflag:s22] =	ssyncset.done $0x0  }
0x191: {  	[sflag:s22] =	ssyncadd.s32 $0xFFFFC000  }
0x192: {  	_ =	swait.ge [sflag:s22], $0x4000  }
0x193: {  	[sflag:s22] =	ssyncset.done $0x0  }
0x194: {  	[sflag:s22] =	ssyncadd.s32 $0xFFFFC000  }
0x195: {  	_ =	swait.ge [sflag:s22], $0x4000  }
0x196: {  	[sflag:s22] =	ssyncset.done $0x0  }
0x197: {  	[sflag:s22] =	ssyncadd.s32 $0xFFFFC000  }
0x198: {  	_ =	swait.ge [sflag:s22], $0x4000  }
0x199: {  	s9 =	simm.s32 $0x80;
	s11 =	simm.s32 $0x100;
	[sflag:s22] =	ssyncset.done $0x0  }
.LBB2_4:
0x19a: {  	s7 =	sadd.s32 s9, s23  }
0x19b: {  	[sflag:s22] =	ssyncadd.s32 $0xFFFFC000;
	s9 =	smov.u32 s11;
	s10 =	sadd.s32 $0x80, s11  }
0x19c: {  	[tilespmem:s28], [sflag:$0x3] =	stream.linear.gather [hbm4b:s7+s3], $0x400, $0x38;
	[tilespmem:$0x1C800] =	vst v63  }
0x19d: {  	p0 =	sne.s32 s11, $0x480;
	_ =	swait.ge [sflag:s26], $0x400  }
0x19e: {  	[sflag:s26] =	ssyncset.done $0x0  }
0x19f: {  	[sflag:s26] =	ssyncadd.s32 $0xFFFFFC00  }
0x1a0: {  	[spmem:s2] =	stream.indirect.scatter.add.f32 [tilespmem:s25], [sflag:$0x2], $0x80, s28, s29, $0xb8;
	[tilespmem:$0x1C800] =	vst v63  }
0x1a1: {  	_ = 	snop  }
0x1a2: {  	[spmem:s2] =	stream.indirect.scatter.add.f32 [tilespmem:s25], [sflag:$0x2], $0x80, s1, s29, $0xb8;
	[tilespmem:$0x1C800] =	vst v63  }
0x1a3: {  	_ = 	snop  }
0x1a4: {  	[spmem:s2] =	stream.indirect.scatter.add.f32 [tilespmem:s25], [sflag:$0x2], $0x80, s8, s29, $0xb8;
	[tilespmem:$0x1C800] =	vst v63  }
0x1a5: {  	_ = 	snop  }
0x1a6: {  	[spmem:s2] =	stream.indirect.scatter.add.f32 [tilespmem:s25], [sflag:$0x2], $0x80, s14, s29, $0xb8;
	[tilespmem:$0x1C800] =	vst v63  }
0x1a7: {  	_ = 	snop  }
0x1a8: {  	[spmem:s2] =	stream.indirect.scatter.add.f32 [tilespmem:s25], [sflag:$0x2], $0x80, s16, s29, $0xb8;
	[tilespmem:$0x1C800] =	vst v63  }
0x1a9: {  	_ = 	snop  }
0x1aa: {  	[spmem:s2] =	stream.indirect.scatter.add.f32 [tilespmem:s25], [sflag:$0x2], $0x80, s18, s29, $0xb8;
	[tilespmem:$0x1C800] =	vst v63  }
0x1ab: {  	_ = 	snop  }
0x1ac: {  	[spmem:s2] =	stream.indirect.scatter.add.f32 [tilespmem:s25], [sflag:$0x2], $0x80, s20, s29, $0xb8;
	[tilespmem:$0x1C800] =	vst v63  }
0x1ad: {  	_ = 	snop  }
0x1ae: {  	[spmem:s2] =	stream.indirect.scatter.add.f32 [tilespmem:s25], [sflag:$0x2], $0x80, s21, s29, $0xb8;
	[tilespmem:$0x1C800] =	vst v63  }
0x1af: {  	_ =	swait.ge [sflag:s22], $0x4000  }
0x1b0: {  	[sflag:s22] =	ssyncset.done $0x0  }
0x1b1: {  	[sflag:s22] =	ssyncadd.s32 $0xFFFFC000  }
0x1b2: {  	_ =	swait.ge [sflag:s22], $0x4000  }
0x1b3: {  	[sflag:s22] =	ssyncset.done $0x0  }
0x1b4: {  	[sflag:s22] =	ssyncadd.s32 $0xFFFFC000  }
0x1b5: {  	_ =	swait.ge [sflag:s22], $0x4000  }
0x1b6: {  	[sflag:s22] =	ssyncset.done $0x0  }
0x1b7: {  	[sflag:s22] =	ssyncadd.s32 $0xFFFFC000  }
0x1b8: {  	_ =	swait.ge [sflag:s22], $0x4000  }
0x1b9: {  	[sflag:s22] =	ssyncset.done $0x0  }
0x1ba: {  	[sflag:s22] =	ssyncadd.s32 $0xFFFFC000  }
0x1bb: {  	_ =	swait.ge [sflag:s22], $0x4000  }
0x1bc: {  	[sflag:s22] =	ssyncset.done $0x0  }
0x1bd: {  	[sflag:s22] =	ssyncadd.s32 $0xFFFFC000  }
0x1be: {  	_ =	swait.ge [sflag:s22], $0x4000  }
0x1bf: {  	[sflag:s22] =	ssyncset.done $0x0  }
0x1c0: {  	[sflag:s22] =	ssyncadd.s32 $0xFFFFC000  }
.Ltmp1:
0x1c1: {  	_ =	swait.ge [sflag:s22], $0x4000;
	(pc) =	sbr.rel @p0 .LBB2_4-.Ltmp1, $4  }
0x1c2: {  	[sflag:s22] =	ssyncset.done $0x0  }
0x1c3: {  	[sflag:s22] =	ssyncadd.s32 $0xFFFFC000  }
0x1c4: {  	_ =	swait.ge [sflag:s22], $0x4000  }
0x1c5: {  	s11 =	smov.u32 s10;
	[sflag:s22] =	ssyncset.done $0x0  }
0x1c6: {  	s7 =	sadd.s32 s9, s23;
	[sflag:s22] =	ssyncadd.s32 $0xFFFFC000  }
0x1c7: {  	[tilespmem:s28], [sflag:$0x3] =	stream.linear.gather [hbm4b:s7+s3], $0x400, $0x38;
	[tilespmem:$0x1C800] =	vst v63  }
0x1c8: {  	_ =	swait.ge [sflag:s26], $0x400  }
0x1c9: {  	[sflag:s26] =	ssyncset.done $0x0  }
0x1ca: {  	[sflag:s26] =	ssyncadd.s32 $0xFFFFFC00  }
0x1cb: {  	[spmem:s2] =	stream.indirect.scatter.add.f32 [tilespmem:s25], [sflag:$0x2], $0x80, s28, s29, $0xb8;
	[tilespmem:$0x1C800] =	vst v63  }
0x1cc: {  	_ = 	snop  }
0x1cd: {  	[spmem:s2] =	stream.indirect.scatter.add.f32 [tilespmem:s25], [sflag:$0x2], $0x80, s1, s29, $0xb8;
	[tilespmem:$0x1C800] =	vst v63  }
0x1ce: {  	_ = 	snop  }
0x1cf: {  	[spmem:s2] =	stream.indirect.scatter.add.f32 [tilespmem:s25], [sflag:$0x2], $0x80, s8, s29, $0xb8;
	[tilespmem:$0x1C800] =	vst v63  }
0x1d0: {  	_ = 	snop  }
0x1d1: {  	[spmem:s2] =	stream.indirect.scatter.add.f32 [tilespmem:s25], [sflag:$0x2], $0x80, s14, s29, $0xb8;
	[tilespmem:$0x1C800] =	vst v63  }
0x1d2: {  	_ = 	snop  }
0x1d3: {  	[spmem:s2] =	stream.indirect.scatter.add.f32 [tilespmem:s25], [sflag:$0x2], $0x80, s16, s29, $0xb8;
	[tilespmem:$0x1C800] =	vst v63  }
0x1d4: {  	_ = 	snop  }
0x1d5: {  	[spmem:s2] =	stream.indirect.scatter.add.f32 [tilespmem:s25], [sflag:$0x2], $0x80, s18, s29, $0xb8;
	[tilespmem:$0x1C800] =	vst v63  }
0x1d6: {  	_ = 	snop  }
0x1d7: {  	[spmem:s2] =	stream.indirect.scatter.add.f32 [tilespmem:s25], [sflag:$0x2], $0x80, s20, s29, $0xb8;
	[tilespmem:$0x1C800] =	vst v63  }
0x1d8: {  	_ = 	snop  }
0x1d9: {  	[spmem:s2] =	stream.indirect.scatter.add.f32 [tilespmem:s25], [sflag:$0x2], $0x80, s21, s29, $0xb8;
	[tilespmem:$0x1C800] =	vst v63  }
0x1da: {  	_ =	swait.ge [sflag:s22], $0x4000  }
0x1db: {  	[sflag:s22] =	ssyncset.done $0x0  }
0x1dc: {  	[sflag:s22] =	ssyncadd.s32 $0xFFFFC000  }
0x1dd: {  	_ =	swait.ge [sflag:s22], $0x4000  }
0x1de: {  	[sflag:s22] =	ssyncset.done $0x0  }
0x1df: {  	[sflag:s22] =	ssyncadd.s32 $0xFFFFC000  }
0x1e0: {  	_ =	swait.ge [sflag:s22], $0x4000  }
0x1e1: {  	[sflag:s22] =	ssyncset.done $0x0  }
0x1e2: {  	[sflag:s22] =	ssyncadd.s32 $0xFFFFC000  }
0x1e3: {  	_ =	swait.ge [sflag:s22], $0x4000  }
0x1e4: {  	[sflag:s22] =	ssyncset.done $0x0  }
0x1e5: {  	[sflag:s22] =	ssyncadd.s32 $0xFFFFC000  }
0x1e6: {  	_ =	swait.ge [sflag:s22], $0x4000  }
0x1e7: {  	[sflag:s22] =	ssyncset.done $0x0  }
0x1e8: {  	[sflag:s22] =	ssyncadd.s32 $0xFFFFC000  }
0x1e9: {  	_ =	swait.ge [sflag:s22], $0x4000  }
0x1ea: {  	[sflag:s22] =	ssyncset.done $0x0  }
0x1eb: {  	[sflag:s22] =	ssyncadd.s32 $0xFFFFC000  }
0x1ec: {  	_ =	swait.ge [sflag:s22], $0x4000  }
0x1ed: {  	[sflag:s22] =	ssyncset.done $0x0  }
0x1ee: {  	[sflag:s22] =	ssyncadd.s32 $0xFFFFC000  }
0x1ef: {  	_ =	swait.ge [sflag:s22], $0x4000  }
0x1f0: {  	[sflag:s22] =	ssyncset.done $0x0  }
0x1f1: {  	[sflag:s22] =	ssyncadd.s32 $0xFFFFC000  }
0x1f2: {  	[bflag:$0x0] =	sbarrier.arrive $0xFFFF  }
0x1f3: {  	s5 =	rddreg [dreg:$0x5]  }
0x1f4: {  	[tilespmem:s25], [sflag:$0x3] =	stream.linear.gather [spmem:s5], $0x4000, $0x38;
	[tilespmem:$0x1C800] =	vst v63  }
0x1f5: {  	_ =	swait.ge [sflag:s26], $0x4000  }
0x1f6: {  	[sflag:s26] =	ssyncset.done $0x0  }
0x1f7: {  	s12 =	rddreg [dreg:$0x10];
	[sflag:s26] =	ssyncadd.s32 $0xFFFFC000  }
0x1f8: {  	[hbm4b:s12+s3] =	stream.linear.scatter [tilespmem:s25], [sflag:$0x3], $0x4000, $0x38;
	[tilespmem:$0x1C800] =	vst v63  }
0x1f9: {  	_ =	swait.ge [sflag:s26], $0x4000  }
0x1fa: {  	[sflag:s26] =	ssyncset.done $0x0  }
0x1fb: {  	s10 =	rddreg [dreg:$0x7];
	[sflag:s26] =	ssyncadd.s32 $0xFFFFC000  }
0x1fc: {  	[tilespmem:s25], [sflag:$0x3] =	stream.linear.gather [spmem:s10], $0x4000, $0x38;
	[tilespmem:$0x1C800] =	vst v63  }
0x1fd: {  	_ =	swait.ge [sflag:s26], $0x4000  }
0x1fe: {  	[sflag:s26] =	ssyncset.done $0x0  }
0x1ff: {  	s7 =	rddreg [dreg:$0x11];
	[sflag:s26] =	ssyncadd.s32 $0xFFFFC000  }
0x200: {  	[hbm4b:s7+s3] =	stream.linear.scatter [tilespmem:s25], [sflag:$0x3], $0x4000, $0x38;
	[tilespmem:$0x1C800] =	vst v63  }
0x201: {  	_ =	swait.ge [sflag:s26], $0x4000  }
0x202: {  	[sflag:s26] =	ssyncset.done $0x0  }
0x203: {  	s11 =	rddreg [dreg:$0x8];
	[sflag:s26] =	ssyncadd.s32 $0xFFFFC000  }
0x204: {  	[tilespmem:s25], [sflag:$0x3] =	stream.linear.gather [spmem:s11], $0x4000, $0x38;
	[tilespmem:$0x1C800] =	vst v63  }
0x205: {  	_ =	swait.ge [sflag:s26], $0x4000  }
0x206: {  	[sflag:s26] =	ssyncset.done $0x0  }
0x207: {  	s9 =	rddreg [dreg:$0x12];
	[sflag:s26] =	ssyncadd.s32 $0xFFFFC000  }
0x208: {  	[hbm4b:s9+s3] =	stream.linear.scatter [tilespmem:s25], [sflag:$0x3], $0x4000, $0x38;
	[tilespmem:$0x1C800] =	vst v63  }
0x209: {  	_ =	swait.ge [sflag:s26], $0x4000  }
0x20a: {  	[sflag:s26] =	ssyncset.done $0x0  }
0x20b: {  	s5 =	rddreg [dreg:$0x9];
	[sflag:s26] =	ssyncadd.s32 $0xFFFFC000  }
0x20c: {  	[tilespmem:s25], [sflag:$0x3] =	stream.linear.gather [spmem:s5], $0x4000, $0x38;
	[tilespmem:$0x1C800] =	vst v63  }
0x20d: {  	_ =	swait.ge [sflag:s26], $0x4000  }
0x20e: {  	[sflag:s26] =	ssyncset.done $0x0  }
0x20f: {  	s12 =	rddreg [dreg:$0x13];
	[sflag:s26] =	ssyncadd.s32 $0xFFFFC000  }
0x210: {  	[hbm4b:s12+s3] =	stream.linear.scatter [tilespmem:s25], [sflag:$0x3], $0x4000, $0x38;
	[tilespmem:$0x1C800] =	vst v63  }
0x211: {  	_ =	swait.ge [sflag:s26], $0x4000  }
0x212: {  	[sflag:s26] =	ssyncset.done $0x0  }
0x213: {  	s12 =	rddreg [dreg:$0xa];
	[sflag:s26] =	ssyncadd.s32 $0xFFFFC000  }
0x214: {  	[tilespmem:s25], [sflag:$0x3] =	stream.linear.gather [spmem:s12], $0x4000, $0x38;
	[tilespmem:$0x1C800] =	vst v63  }
0x215: {  	_ =	swait.ge [sflag:s26], $0x4000  }
0x216: {  	[sflag:s26] =	ssyncset.done $0x0  }
0x217: {  	s7 =	rddreg [dreg:$0x14];
	[sflag:s26] =	ssyncadd.s32 $0xFFFFC000  }
0x218: {  	[hbm4b:s7+s3] =	stream.linear.scatter [tilespmem:s25], [sflag:$0x3], $0x4000, $0x38;
	[tilespmem:$0x1C800] =	vst v63  }
0x219: {  	_ =	swait.ge [sflag:s26], $0x4000  }
0x21a: {  	s9 =	rddreg [dreg:$0x15]  }
0x21b: {  	s7 =	sadd.s32 $0x1, s9;
	s9 =	rddreg [dreg:$0x6]  }
0x21c: {  	p0 =	sne.s32 s7, s9  }
.Ltmp2:
0x21d: {  	_ = 	snop;
	(pc) =	sbr.rel @p0 .LBB2_1-.Ltmp2, $3  }
0x21e: {  	_ =	sdelay $0x1  }
0x21f: {  	[sflag:s26] =	ssyncset.done $0x0  }
0x220: {  	[sflag:s26] =	ssyncadd.s32 $0xFFFFC000;
	[dreg:$0x15] =	wrdreg s7  }
0x221: {  	_ =	sfence.sel $0x180000  }
0x222: {  	[bflag:$0x0] =	sbarrier.arrive $0xFFFF  }
0x223: {  	_ =	strace $0x90000047  }
0x224: {  	s0 =	stileid.u32;
	[bflag:$0x2] =	sbarrier.arrive $0xFFFF  }
0x225: {  	p0 =	sne.s32 s0, $0x0;
	s0 =	rddreg [dreg:$0x2]  }
0x226: {  	s0 =	sadd.s32 @!p0 $0x100000, s0  }
0x227: {  	[sflag:s0] =	ssyncadd.tile.s32 @!p0 $0x1;
	_ =	shalt  }
.Lfunc_end2:
_tile_overlayer_lowered:
.L_overlay_start_2:
0x228: {  	(tag) =	ssettag $0x2  }
0x229: {  	s0 =	rddreg [dreg:$0x0];
	s2 =	stileid.u32  }
0x22a: {  	s1 =	rddreg [dreg:$0x1];
	p0 =	sne.s32 s2, $0x0  }
0x22b: {  	s3 =	rddreg [dreg:$0x2];
	[bflag:$0x3] =	sbarrier.arrive $0xFFFF;
	s2 =	simm.s32 @!p0 $0x1C03  }
0x22c: {  	[timem:s3], [sflag:s2] =	dma.local @!p0 [hbm:s0], s1  }
0x22d: {  	s0 =	simm.s32 @!p0 $0x3  }
0x22e: {  	_ =	swait.ge @!p0 [sflag:s0], s1  }
0x22f: {  	s1 =	ssub.s32 @!p0 $0x0, s1;
	[sflag:s0] =	ssyncset.done @!p0 $0x0  }
0x230: {  	[sflag:s0] =	ssyncadd.s32 @!p0 s1  }
0x231: {  	[bflag:$0x3] =	sbarrier.arrive $0xFFFF  }
0x232: {  	_ =	shalt  }

</sc_bundles>
